<compile_context>
chip_gen: v7x
topology: tpu7x:2x2x1
jax: 0.10.2.dev20260603
libtpu: 0.0.44.dev20260713+nightly
codegen_flags: <defaults>
</compile_context>

<pallas_src>
import jax
import jax.numpy as jnp
from jax import lax
from jax.experimental import pallas as pl
from jax.experimental.pallas import tpu as pltpu
from jax.experimental.pallas import tpu_sc as plsc

N_NODES = 10000
N_EDGES = 160000
HIDDEN_X = 256
HIDDEN_T = 128
HALF = 128

NC = 2
NS = 16
CHUNK = 128
BLK_CHUNKS = 16
N_STAGES = 5
EDGES_PER_TILE = CHUNK * BLK_CHUNKS * N_STAGES
N_CHUNKS = EDGES_PER_TILE // CHUNK
E_PAD = EDGES_PER_TILE * NS
ACC_ROWS = 10240
ROWS_PER_TILE_INIT = ACC_ROWS // NS


def _sc_body(hx, srcp, dstp, zinit, aggr,
             src_v, dst_v, rows0, rows1, acc, sem0, sem1):
    c = lax.axis_index("c")
    s = lax.axis_index("s")

    pltpu.sync_copy(zinit, acc.at[pl.ds(s * ROWS_PER_TILE_INIT,
                                        ROWS_PER_TILE_INIT)])
    plsc.subcore_barrier()

    def run(hx):
        def stage(st, _):
            pltpu.sync_copy(srcp.at[s, st], src_v)
            pltpu.sync_copy(dstp.at[s, st], dst_v)
            pltpu.async_copy(hx.at[src_v.at[0]], rows0, sem0)

            def step(i, _):
                j = 2 * i
                cp1 = pltpu.async_copy(hx.at[src_v.at[j + 1]], rows1, sem1)
                pltpu.make_async_copy(hx.at[src_v.at[j]], rows0, sem0).wait()
                pltpu.sync_copy(rows0, acc.at[dst_v.at[j]], add=True)

                @pl.when(j + 2 < BLK_CHUNKS)
                def _():
                    pltpu.async_copy(hx.at[src_v.at[j + 2]], rows0, sem0)

                cp1.wait()
                pltpu.sync_copy(rows1, acc.at[dst_v.at[j + 1]], add=True)
                return 0

            lax.fori_loop(0, BLK_CHUNKS // 2, step, 0)
            return 0

        lax.fori_loop(0, N_STAGES, stage, 0)

    @pl.when(c == 0)
    def _():
        run(hx.at[:, pl.ds(0, HALF)])

    @pl.when(c == 1)
    def _():
        run(hx.at[:, pl.ds(HALF, HALF)])

    pltpu.sync_copy(zinit.at[pl.ds(0, CHUNK)], rows0)
    pltpu.sync_copy(rows0, acc.at[dst_v.at[0]], add=True)
    plsc.subcore_barrier()
    plsc.subcore_barrier()
    r0 = s * ROWS_PER_TILE_INIT
    pltpu.sync_copy(acc.at[pl.ds(r0, ROWS_PER_TILE_INIT)],
                    aggr.at[pl.ds(r0, ROWS_PER_TILE_INIT),
                            pl.ds(c * HALF, HALF)])


def _sc_aggregate(h_X, srcp, dstp, zinit):
    mesh = plsc.VectorSubcoreMesh(core_axis_name="c", subcore_axis_name="s")
    return pl.kernel(
        _sc_body,
        out_type=jax.ShapeDtypeStruct((ACC_ROWS, HIDDEN_X), jnp.float32),
        mesh=mesh,
        scratch_types=[
            pltpu.VMEM((BLK_CHUNKS, CHUNK), jnp.int32),
            pltpu.VMEM((BLK_CHUNKS, CHUNK), jnp.int32),
            pltpu.VMEM((CHUNK, HALF), jnp.float32),
            pltpu.VMEM((CHUNK, HALF), jnp.float32),
            pltpu.VMEM_SHARED((ACC_ROWS, HALF), jnp.float32),
            pltpu.SemaphoreType.DMA,
            pltpu.SemaphoreType.DMA,
        ],
    )(h_X, srcp, dstp, zinit)


def _tc_body(a_ref, ht_ref, wT_ref, b_ref, g_ref, bt_ref, o_ref):
    z = lax.dot_general(a_ref[:, :], wT_ref[:HIDDEN_X, :],
                        (((1,), (0,)), ((), ())),
                        preferred_element_type=jnp.float32)
    ct = lax.dot_general(ht_ref[:, :], wT_ref[HIDDEN_X:, :],
                         (((1,), (0,)), ((), ())),
                         preferred_element_type=jnp.float32)
    z = z + ct + b_ref[:, :]
    z = jnp.maximum(z, 0.0)
    mean = jnp.mean(z, axis=1, keepdims=True)
    zc = z - mean
    var = jnp.mean(zc * zc, axis=1, keepdims=True)
    z = zc * lax.rsqrt(var + 1e-5) * g_ref[:, :] + bt_ref[:, :]
    o_ref[:, :] = z


def _tc_update(aggr, h_t, wT, b, gamma, beta):
    blk = 2000
    grid = N_NODES // blk
    return pl.pallas_call(
        _tc_body,
        grid=(grid,),
        in_specs=[
            pl.BlockSpec((blk, HIDDEN_X), lambda i: (i, 0)),
            pl.BlockSpec((1, HIDDEN_T), lambda i: (0, 0)),
            pl.BlockSpec((HIDDEN_X + HIDDEN_T, HIDDEN_X), lambda i: (0, 0)),
            pl.BlockSpec((1, HIDDEN_X), lambda i: (0, 0)),
            pl.BlockSpec((1, HIDDEN_X), lambda i: (0, 0)),
            pl.BlockSpec((1, HIDDEN_X), lambda i: (0, 0)),
        ],
        out_specs=pl.BlockSpec((blk, HIDDEN_X), lambda i: (i, 0)),
        out_shape=jax.ShapeDtypeStruct((N_NODES, HIDDEN_X), jnp.float32),
    )(aggr, h_t, wT, b, gamma, beta)


@jax.jit
def kernel(edge_index, h_X, h_t, W, b, gamma, beta):
    src = edge_index[0]
    dst = edge_index[1]
    pad = E_PAD - N_EDGES
    srcp = jnp.concatenate([src, jnp.zeros((pad,), jnp.int32)])
    dstp = jnp.concatenate([dst,
                            jnp.full((pad,), ACC_ROWS - 1, jnp.int32)])
    srcp = srcp.reshape(NS, N_STAGES, BLK_CHUNKS, CHUNK)
    dstp = dstp.reshape(NS, N_STAGES, BLK_CHUNKS, CHUNK)
    zinit = jnp.zeros((ROWS_PER_TILE_INIT, HALF), jnp.float32)

    aggr = _sc_aggregate(h_X, srcp, dstp, zinit)

    wT = W.T
    return _tc_update(aggr, h_t, wT,
                      b.reshape(1, HIDDEN_X),
                      gamma.reshape(1, HIDDEN_X),
                      beta.reshape(1, HIDDEN_X))

# --- scband reference (transcript-rebuilt; emitter-appended) ---
"""Pipeline reference for scband-gnnlayer-19396072308943 (READ-ONLY COPY).

The authoritative reference and input builder live on the scoring server;
editing this copy changes nothing except your own understanding.
"""

import jax, jax.numpy as jnp
import numpy as np

N_NODES = 10000
N_EDGES = 160000
HIDDEN_X = 256
HIDDEN_T = 128


def setup_inputs(seed: int = 0) -> dict:
    key = jax.random.key(seed)
    k1, k2, k3, k4, k5 = jax.random.split(key, 5)
    edge_index = jax.random.randint(k1, (2, N_EDGES), 0, N_NODES, dtype=jnp.int64 if jax.config.jax_enable_x64 else jnp.int32).astype(jnp.int32)
    h_X = jax.random.normal(k2, (N_NODES, HIDDEN_X), dtype=jnp.float32)
    h_t = jax.random.normal(k3, (1, HIDDEN_T), dtype=jnp.float32)
    # Linear(hidden_X + hidden_t, hidden_X): torch layout weight [out, in]
    fan_in = HIDDEN_X + HIDDEN_T
    bound = 1.0 / np.sqrt(fan_in)
    W = jax.random.uniform(k4, (HIDDEN_X, fan_in), dtype=jnp.float32, minval=-bound, maxval=bound)
    b = jax.random.uniform(k5, (HIDDEN_X,), dtype=jnp.float32, minval=-bound, maxval=bound)
    gamma = jnp.ones((HIDDEN_X,), dtype=jnp.float32)
    beta = jnp.zeros((HIDDEN_X,), dtype=jnp.float32)
    return {"edge_index": edge_index, "h_X": h_X, "h_t": h_t, "W": W, "b": b, "gamma": gamma, "beta": beta}


def reference(edge_index, h_X, h_t, W, b, gamma, beta):
    # A @ h_X where A is sparse adjacency (values = 1) with edges (src -> dst)
    src = edge_index[0]
    dst = edge_index[1]
    gathered = jnp.take(h_X, src, axis=0)                       # gather [E, hidden_X]
    h_aggr_X = jax.ops.segment_sum(gathered, dst, num_segments=N_NODES)  # scatter-add
    h_t_expand = jnp.broadcast_to(h_t, (N_NODES, HIDDEN_T))
    h = jnp.concatenate([h_aggr_X, h_t_expand], axis=1)
    # update_X: Linear -> ReLU -> LayerNorm -> Dropout(eval: identity)
    h = h @ W.T + b
    h = jax.nn.relu(h)
    mean = jnp.mean(h, axis=-1, keepdims=True)
    var = jnp.var(h, axis=-1, keepdims=True)
    h = (h - mean) / jnp.sqrt(var + 1e-5) * gamma + beta
    return h

if __name__ == "__main__":
    import jax
    _d = setup_inputs()
    print(jax.jit(kernel)(*tuple(_d.values())))

</pallas_src>

<mosaic_0001>
#map = affine_map<(d0, d1) -> (0, 0)>
#map1 = affine_map<(d0, d1) -> (0, 0, 0, 0)>
module attributes {stable_mosaic.version = 14 : i64} {
  func.func @_sc_body(%arg0: i32, %arg1: i32, %arg2: memref<10000x256xf32, #tpu.memory_space<hbm>>, %arg3: memref<16x5x16x128xi32, #tpu.memory_space<hbm>>, %arg4: memref<16x5x16x128xi32, #tpu.memory_space<hbm>>, %arg5: memref<640x128xf32, #tpu.memory_space<hbm>>, %arg6: memref<10240x256xf32, #tpu.memory_space<hbm>>, %arg7: memref<16x128xi32, #tpu.memory_space<vmem>>, %arg8: memref<16x128xi32, #tpu.memory_space<vmem>>, %arg9: memref<128x128xf32, #tpu.memory_space<vmem>>, %arg10: memref<128x128xf32, #tpu.memory_space<vmem>>, %arg11: memref<10240x128xf32, #tpu.memory_space<vmem_shared>>, %arg12: memref<!tpu.dma_semaphore, #tpu.memory_space<semaphore_mem>>, %arg13: memref<!tpu.dma_semaphore, #tpu.memory_space<semaphore_mem>>) attributes {dimension_semantics = [#tpu.dimension_semantics<core_parallel>, #tpu.dimension_semantics<subcore_parallel>], iteration_bounds = array<i64: 2, 16>, scalar_prefetch = 0 : i64, scratch_operands = 7 : i64, tpu.core_type = #tpu.core_type<sc_vector_subcore>, window_params = [{transform_indices = #map}, {transform_indices = #map1}, {transform_indices = #map1}, {transform_indices = #map}, {transform_indices = #map}]} {
    %mul3A = arith.constant 640 : i32
    %mul3A_0 = arith.muli %arg1, %mul3A : i32
    "tpu.region"() ({
      %run_scoped3A_14 = tpu.sem_alloc : memref<!tpu.dma_semaphore, #tpu.memory_space<semaphore_mem>>
      %dma_start3A = arith.constant 0 : i32
      %dma_start3A_15 = tpu.memref_slice %arg11[%mul3A_0, %dma_start3A] : memref<10240x128xf32, #tpu.memory_space<vmem_shared>> -> memref<640x128xf32, #tpu.memory_space<vmem_shared>>
      tpu.enqueue_dma source(%arg5 : memref<640x128xf32, #tpu.memory_space<hbm>>) target(%dma_start3A_15 : memref<640x128xf32, #tpu.memory_space<vmem_shared>>) target_semaphore(%run_scoped3A_14 : memref<!tpu.dma_semaphore, #tpu.memory_space<semaphore_mem>>)
      %dma_wait3A = arith.constant 0 : i32
      %dma_wait3A_16 = tpu.memref_slice %arg11[%mul3A_0, %dma_wait3A] : memref<10240x128xf32, #tpu.memory_space<vmem_shared>> -> memref<640x128xf32, #tpu.memory_space<vmem_shared>>
      tpu.wait_dma2 semaphore(%run_scoped3A_14 : memref<!tpu.dma_semaphore, #tpu.memory_space<semaphore_mem>>) src(%arg5 : memref<640x128xf32, #tpu.memory_space<hbm>>) dst(%dma_wait3A_16 : memref<640x128xf32, #tpu.memory_space<vmem_shared>>)
      tpu.yield
    }) : () -> ()
    %barrier3A = arith.constant 0 : index
    tpu.barrier barrier_id(%barrier3A)
    %eq3A = arith.constant 0 : i32
    %eq3A_1 = arith.cmpi eq, %arg0, %eq3A : i32
    %convert_element_type3A = arith.extui %eq3A_1 : i1 to i32
    %cond3A = arith.constant 0 : i32
    %cond3A_2 = arith.cmpi ne, %convert_element_type3A, %cond3A : i32
    scf.if %cond3A_2 {
      %scan3A = arith.constant 0 : i32
      %scan3A_14 = arith.constant 0 : i32
      %scan3A_15 = arith.constant 5 : i32
      %scan3A_16 = arith.addi %scan3A_14, %scan3A_15 : i32
      %scan3A_17 = arith.constant 1 : i32
      %scan3A_18 = scf.for %scan3A_20 = %scan3A_14 to %scan3A_16 step %scan3A_17 iter_args(%scan3A_21 = %scan3A) -> (i32)  : i32 {
        "tpu.region"() ({
          %run_scoped3A_39 = tpu.sem_alloc : memref<!tpu.dma_semaphore, #tpu.memory_space<semaphore_mem>>
          %dma_start3A_40 = arith.constant 0 : i32
          %dma_start3A_41 = arith.constant 0 : i32
          %dma_start3A_42 = tpu.memref_slice %arg3[%arg1, %scan3A_20, %dma_start3A_40, %dma_start3A_41] : memref<16x5x16x128xi32, #tpu.memory_space<hbm>> -> memref<1x1x16x128xi32, #tpu.memory_space<hbm>>
          %dma_start3A_43 = tpu.memref_squeeze %dma_start3A_42 : memref<1x1x16x128xi32, #tpu.memory_space<hbm>> -> memref<16x128xi32, #tpu.memory_space<hbm>>
          %dma_start3A_44 = arith.constant 0 : i32
          %dma_start3A_45 = arith.constant 0 : i32
          %dma_start3A_46 = tpu.memref_slice %arg3[%arg1, %scan3A_20, %dma_start3A_44, %dma_start3A_45] : memref<16x5x16x128xi32, #tpu.memory_space<hbm>> -> memref<1x1x16x128xi32, #tpu.memory_space<hbm>>
          %dma_start3A_47 = tpu.memref_squeeze %dma_start3A_46 : memref<1x1x16x128xi32, #tpu.memory_space<hbm>> -> memref<16x128xi32, #tpu.memory_space<hbm>>
          tpu.enqueue_dma source(%dma_start3A_47 : memref<16x128xi32, #tpu.memory_space<hbm>>) target(%arg7 : memref<16x128xi32, #tpu.memory_space<vmem>>) target_semaphore(%run_scoped3A_39 : memref<!tpu.dma_semaphore, #tpu.memory_space<semaphore_mem>>)
          %dma_wait3A = arith.constant 0 : i32
          %dma_wait3A_48 = arith.constant 0 : i32
          %dma_wait3A_49 = tpu.memref_slice %arg3[%arg1, %scan3A_20, %dma_wait3A, %dma_wait3A_48] : memref<16x5x16x128xi32, #tpu.memory_space<hbm>> -> memref<1x1x16x128xi32, #tpu.memory_space<hbm>>
          %dma_wait3A_50 = tpu.memref_squeeze %dma_wait3A_49 : memref<1x1x16x128xi32, #tpu.memory_space<hbm>> -> memref<16x128xi32, #tpu.memory_space<hbm>>
          %dma_wait3A_51 = arith.constant 0 : i32
          %dma_wait3A_52 = arith.constant 0 : i32
          %dma_wait3A_53 = tpu.memref_slice %arg3[%arg1, %scan3A_20, %dma_wait3A_51, %dma_wait3A_52] : memref<16x5x16x128xi32, #tpu.memory_space<hbm>> -> memref<1x1x16x128xi32, #tpu.memory_space<hbm>>
          %dma_wait3A_54 = tpu.memref_squeeze %dma_wait3A_53 : memref<1x1x16x128xi32, #tpu.memory_space<hbm>> -> memref<16x128xi32, #tpu.memory_space<hbm>>
          tpu.wait_dma2 semaphore(%run_scoped3A_39 : memref<!tpu.dma_semaphore, #tpu.memory_space<semaphore_mem>>) src(%dma_wait3A_54 : memref<16x128xi32, #tpu.memory_space<hbm>>) dst(%arg7 : memref<16x128xi32, #tpu.memory_space<vmem>>)
          tpu.yield
        }) : () -> ()
        "tpu.region"() ({
          %run_scoped3A_39 = tpu.sem_alloc : memref<!tpu.dma_semaphore, #tpu.memory_space<semaphore_mem>>
          %dma_start3A_40 = arith.constant 0 : i32
          %dma_start3A_41 = arith.constant 0 : i32
          %dma_start3A_42 = tpu.memref_slice %arg4[%arg1, %scan3A_20, %dma_start3A_40, %dma_start3A_41] : memref<16x5x16x128xi32, #tpu.memory_space<hbm>> -> memref<1x1x16x128xi32, #tpu.memory_space<hbm>>
          %dma_start3A_43 = tpu.memref_squeeze %dma_start3A_42 : memref<1x1x16x128xi32, #tpu.memory_space<hbm>> -> memref<16x128xi32, #tpu.memory_space<hbm>>
          %dma_start3A_44 = arith.constant 0 : i32
          %dma_start3A_45 = arith.constant 0 : i32
          %dma_start3A_46 = tpu.memref_slice %arg4[%arg1, %scan3A_20, %dma_start3A_44, %dma_start3A_45] : memref<16x5x16x128xi32, #tpu.memory_space<hbm>> -> memref<1x1x16x128xi32, #tpu.memory_space<hbm>>
          %dma_start3A_47 = tpu.memref_squeeze %dma_start3A_46 : memref<1x1x16x128xi32, #tpu.memory_space<hbm>> -> memref<16x128xi32, #tpu.memory_space<hbm>>
          tpu.enqueue_dma source(%dma_start3A_47 : memref<16x128xi32, #tpu.memory_space<hbm>>) target(%arg8 : memref<16x128xi32, #tpu.memory_space<vmem>>) target_semaphore(%run_scoped3A_39 : memref<!tpu.dma_semaphore, #tpu.memory_space<semaphore_mem>>)
          %dma_wait3A = arith.constant 0 : i32
          %dma_wait3A_48 = arith.constant 0 : i32
          %dma_wait3A_49 = tpu.memref_slice %arg4[%arg1, %scan3A_20, %dma_wait3A, %dma_wait3A_48] : memref<16x5x16x128xi32, #tpu.memory_space<hbm>> -> memref<1x1x16x128xi32, #tpu.memory_space<hbm>>
          %dma_wait3A_50 = tpu.memref_squeeze %dma_wait3A_49 : memref<1x1x16x128xi32, #tpu.memory_space<hbm>> -> memref<16x128xi32, #tpu.memory_space<hbm>>
          %dma_wait3A_51 = arith.constant 0 : i32
          %dma_wait3A_52 = arith.constant 0 : i32
          %dma_wait3A_53 = tpu.memref_slice %arg4[%arg1, %scan3A_20, %dma_wait3A_51, %dma_wait3A_52] : memref<16x5x16x128xi32, #tpu.memory_space<hbm>> -> memref<1x1x16x128xi32, #tpu.memory_space<hbm>>
          %dma_wait3A_54 = tpu.memref_squeeze %dma_wait3A_53 : memref<1x1x16x128xi32, #tpu.memory_space<hbm>> -> memref<16x128xi32, #tpu.memory_space<hbm>>
          tpu.wait_dma2 semaphore(%run_scoped3A_39 : memref<!tpu.dma_semaphore, #tpu.memory_space<semaphore_mem>>) src(%dma_wait3A_54 : memref<16x128xi32, #tpu.memory_space<hbm>>) dst(%arg8 : memref<16x128xi32, #tpu.memory_space<vmem>>)
          tpu.yield
        }) : () -> ()
        %dma_start3A = arith.constant 0 : i32
        %dma_start3A_22 = arith.constant 0 : i32
        %dma_start3A_23 = tpu.memref_slice %arg7[%dma_start3A, %dma_start3A_22] : memref<16x128xi32, #tpu.memory_space<vmem>> -> memref<1x128xi32, #tpu.memory_space<vmem>>
        %dma_start3A_24 = tpu.memref_squeeze %dma_start3A_23 : memref<1x128xi32, #tpu.memory_space<vmem>> -> memref<128xi32, #tpu.memory_space<vmem>>
        %dma_start3A_25 = arith.constant 0 : i32
        %dma_start3A_26 = arith.constant 0 : i32
        %dma_start3A_27 = tpu.memref_slice %arg2[%dma_start3A_25, %dma_start3A_26] : memref<10000x256xf32, #tpu.memory_space<hbm>> -> memref<10000x128xf32, #tpu.memory_space<hbm>>
        %dma_start3A_28 = arith.constant 0 : i32
        %dma_start3A_29 = arith.constant 0 : i32
        %dma_start3A_30 = tpu.memref_slice %dma_start3A_27[%dma_start3A_28, %dma_start3A_29] : memref<10000x128xf32, #tpu.memory_space<hbm>> -> memref<10000x128xf32, #tpu.memory_space<hbm>>
        tpu.enqueue_indirect_dma source(%dma_start3A_30 : memref<10000x128xf32, #tpu.memory_space<hbm>>) target(%arg9 : memref<128x128xf32, #tpu.memory_space<vmem>>) offsets(%dma_start3A_24 : memref<128xi32, #tpu.memory_space<vmem>>) semaphore(%arg12 : memref<!tpu.dma_semaphore, #tpu.memory_space<semaphore_mem>>)
        %scan3A_31 = arith.constant 0 : i32
        %scan3A_32 = arith.constant 0 : i32
        %scan3A_33 = arith.constant 8 : i32
        %scan3A_34 = arith.addi %scan3A_32, %scan3A_33 : i32
        %scan3A_35 = arith.constant 1 : i32
        %scan3A_36 = scf.for %scan3A_39 = %scan3A_32 to %scan3A_34 step %scan3A_35 iter_args(%scan3A_40 = %scan3A_31) -> (i32)  : i32 {
          %mul3A_41 = arith.constant 2 : i32
          %mul3A_42 = arith.muli %mul3A_41, %scan3A_39 : i32
          %add3A = arith.constant 1 : i32
          %add3A_43 = arith.addi %mul3A_42, %add3A : i32
          %dma_start3A_44 = arith.constant 0 : i32
          %dma_start3A_45 = tpu.memref_slice %arg7[%add3A_43, %dma_start3A_44] : memref<16x128xi32, #tpu.memory_space<vmem>> -> memref<1x128xi32, #tpu.memory_space<vmem>>
          %dma_start3A_46 = tpu.memref_squeeze %dma_start3A_45 : memref<1x128xi32, #tpu.memory_space<vmem>> -> memref<128xi32, #tpu.memory_space<vmem>>
          %dma_start3A_47 = arith.constant 0 : i32
          %dma_start3A_48 = arith.constant 0 : i32
          %dma_start3A_49 = tpu.memref_slice %arg2[%dma_start3A_47, %dma_start3A_48] : memref<10000x256xf32, #tpu.memory_space<hbm>> -> memref<10000x128xf32, #tpu.memory_space<hbm>>
          %dma_start3A_50 = arith.constant 0 : i32
          %dma_start3A_51 = arith.constant 0 : i32
          %dma_start3A_52 = tpu.memref_slice %dma_start3A_49[%dma_start3A_50, %dma_start3A_51] : memref<10000x128xf32, #tpu.memory_space<hbm>> -> memref<10000x128xf32, #tpu.memory_space<hbm>>
          tpu.enqueue_indirect_dma source(%dma_start3A_52 : memref<10000x128xf32, #tpu.memory_space<hbm>>) target(%arg10 : memref<128x128xf32, #tpu.memory_space<vmem>>) offsets(%dma_start3A_46 : memref<128xi32, #tpu.memory_space<vmem>>) semaphore(%arg13 : memref<!tpu.dma_semaphore, #tpu.memory_space<semaphore_mem>>)
          %dma_wait3A = arith.constant 0 : i32
          %dma_wait3A_53 = tpu.memref_slice %arg7[%mul3A_42, %dma_wait3A] : memref<16x128xi32, #tpu.memory_space<vmem>> -> memref<1x128xi32, #tpu.memory_space<vmem>>
          %dma_wait3A_54 = tpu.memref_squeeze %dma_wait3A_53 : memref<1x128xi32, #tpu.memory_space<vmem>> -> memref<128xi32, #tpu.memory_space<vmem>>
          %dma_wait3A_55 = arith.constant 0 : i32
          %dma_wait3A_56 = arith.constant 0 : i32
          %dma_wait3A_57 = tpu.memref_slice %arg2[%dma_wait3A_55, %dma_wait3A_56] : memref<10000x256xf32, #tpu.memory_space<hbm>> -> memref<10000x128xf32, #tpu.memory_space<hbm>>
          %dma_wait3A_58 = arith.constant 0 : i32
          %dma_wait3A_59 = arith.constant 0 : i32
          %dma_wait3A_60 = tpu.memref_slice %dma_wait3A_57[%dma_wait3A_58, %dma_wait3A_59] : memref<10000x128xf32, #tpu.memory_space<hbm>> -> memref<10000x128xf32, #tpu.memory_space<hbm>>
          tpu.wait_indirect_dma semaphore(%arg12 : memref<!tpu.dma_semaphore, #tpu.memory_space<semaphore_mem>>) src(%dma_wait3A_60 : memref<10000x128xf32, #tpu.memory_space<hbm>>) dst(%arg9 : memref<128x128xf32, #tpu.memory_space<vmem>>)
          "tpu.region"() ({
            %run_scoped3A_79 = tpu.sem_alloc : memref<!tpu.dma_semaphore, #tpu.memory_space<semaphore_mem>>
            %dma_start3A_80 = arith.constant 0 : i32
            %dma_start3A_81 = tpu.memref_slice %arg8[%mul3A_42, %dma_start3A_80] : memref<16x128xi32, #tpu.memory_space<vmem>> -> memref<1x128xi32, #tpu.memory_space<vmem>>
            %dma_start3A_82 = tpu.memref_squeeze %dma_start3A_81 : memref<1x128xi32, #tpu.memory_space<vmem>> -> memref<128xi32, #tpu.memory_space<vmem>>
            %dma_start3A_83 = arith.constant 0 : i32
            %dma_start3A_84 = arith.constant 0 : i32
            %dma_start3A_85 = tpu.memref_slice %arg11[%dma_start3A_83, %dma_start3A_84] : memref<10240x128xf32, #tpu.memory_space<vmem_shared>> -> memref<10240x128xf32, #tpu.memory_space<vmem_shared>>
            tpu.enqueue_indirect_dma source(%arg9 : memref<128x128xf32, #tpu.memory_space<vmem>>) target(%dma_start3A_85 : memref<10240x128xf32, #tpu.memory_space<vmem_shared>>) offsets(%dma_start3A_82 : memref<128xi32, #tpu.memory_space<vmem>>) semaphore(%run_scoped3A_79 : memref<!tpu.dma_semaphore, #tpu.memory_space<semaphore_mem>>) {add = true}
            %dma_wait3A_86 = arith.constant 0 : i32
            %dma_wait3A_87 = tpu.memref_slice %arg8[%mul3A_42, %dma_wait3A_86] : memref<16x128xi32, #tpu.memory_space<vmem>> -> memref<1x128xi32, #tpu.memory_space<vmem>>
            %dma_wait3A_88 = tpu.memref_squeeze %dma_wait3A_87 : memref<1x128xi32, #tpu.memory_space<vmem>> -> memref<128xi32, #tpu.memory_space<vmem>>
            %dma_wait3A_89 = arith.constant 0 : i32
            %dma_wait3A_90 = arith.constant 0 : i32
            %dma_wait3A_91 = tpu.memref_slice %arg11[%dma_wait3A_89, %dma_wait3A_90] : memref<10240x128xf32, #tpu.memory_space<vmem_shared>> -> memref<10240x128xf32, #tpu.memory_space<vmem_shared>>
            tpu.wait_indirect_dma semaphore(%run_scoped3A_79 : memref<!tpu.dma_semaphore, #tpu.memory_space<semaphore_mem>>) src(%arg9 : memref<128x128xf32, #tpu.memory_space<vmem>>) dst(%dma_wait3A_91 : memref<10240x128xf32, #tpu.memory_space<vmem_shared>>)
            tpu.yield
          }) : () -> ()
          %add3A_61 = arith.constant 2 : i32
          %add3A_62 = arith.addi %mul3A_42, %add3A_61 : i32
          %lt3A = arith.constant 16 : i32
          %lt3A_63 = arith.cmpi slt, %add3A_62, %lt3A : i32
          %convert_element_type3A_64 = arith.extui %lt3A_63 : i1 to i32
          %cond3A_65 = arith.constant 0 : i32
          %cond3A_66 = arith.cmpi ne, %convert_element_type3A_64, %cond3A_65 : i32
          scf.if %cond3A_66 {
            %add3A_79 = arith.constant 2 : i32
            %add3A_80 = arith.addi %mul3A_42, %add3A_79 : i32
            %dma_start3A_81 = arith.constant 0 : i32
            %dma_start3A_82 = tpu.memref_slice %arg7[%add3A_80, %dma_start3A_81] : memref<16x128xi32, #tpu.memory_space<vmem>> -> memref<1x128xi32, #tpu.memory_space<vmem>>
            %dma_start3A_83 = tpu.memref_squeeze %dma_start3A_82 : memref<1x128xi32, #tpu.memory_space<vmem>> -> memref<128xi32, #tpu.memory_space<vmem>>
            %dma_start3A_84 = arith.constant 0 : i32
            %dma_start3A_85 = arith.constant 0 : i32
            %dma_start3A_86 = tpu.memref_slice %arg2[%dma_start3A_84, %dma_start3A_85] : memref<10000x256xf32, #tpu.memory_space<hbm>> -> memref<10000x128xf32, #tpu.memory_space<hbm>>
            %dma_start3A_87 = arith.constant 0 : i32
            %dma_start3A_88 = arith.constant 0 : i32
            %dma_start3A_89 = tpu.memref_slice %dma_start3A_86[%dma_start3A_87, %dma_start3A_88] : memref<10000x128xf32, #tpu.memory_space<hbm>> -> memref<10000x128xf32, #tpu.memory_space<hbm>>
            tpu.enqueue_indirect_dma source(%dma_start3A_89 : memref<10000x128xf32, #tpu.memory_space<hbm>>) target(%arg9 : memref<128x128xf32, #tpu.memory_space<vmem>>) offsets(%dma_start3A_83 : memref<128xi32, #tpu.memory_space<vmem>>) semaphore(%arg12 : memref<!tpu.dma_semaphore, #tpu.memory_space<semaphore_mem>>)
          } else {
          }
          %dma_wait3A_67 = arith.constant 0 : i32
          %dma_wait3A_68 = tpu.memref_slice %arg7[%add3A_43, %dma_wait3A_67] : memref<16x128xi32, #tpu.memory_space<vmem>> -> memref<1x128xi32, #tpu.memory_space<vmem>>
          %dma_wait3A_69 = tpu.memref_squeeze %dma_wait3A_68 : memref<1x128xi32, #tpu.memory_space<vmem>> -> memref<128xi32, #tpu.memory_space<vmem>>
          %dma_wait3A_70 = arith.constant 0 : i32
          %dma_wait3A_71 = arith.constant 0 : i32
          %dma_wait3A_72 = tpu.memref_slice %arg2[%dma_wait3A_70, %dma_wait3A_71] : memref<10000x256xf32, #tpu.memory_space<hbm>> -> memref<10000x128xf32, #tpu.memory_space<hbm>>
          %dma_wait3A_73 = arith.constant 0 : i32
          %dma_wait3A_74 = arith.constant 0 : i32
          %dma_wait3A_75 = tpu.memref_slice %dma_wait3A_72[%dma_wait3A_73, %dma_wait3A_74] : memref<10000x128xf32, #tpu.memory_space<hbm>> -> memref<10000x128xf32, #tpu.memory_space<hbm>>
          tpu.wait_indirect_dma semaphore(%arg13 : memref<!tpu.dma_semaphore, #tpu.memory_space<semaphore_mem>>) src(%dma_wait3A_75 : memref<10000x128xf32, #tpu.memory_space<hbm>>) dst(%arg10 : memref<128x128xf32, #tpu.memory_space<vmem>>)
          %add3A_76 = arith.constant 1 : i32
          %add3A_77 = arith.addi %mul3A_42, %add3A_76 : i32
          "tpu.region"() ({
            %run_scoped3A_79 = tpu.sem_alloc : memref<!tpu.dma_semaphore, #tpu.memory_space<semaphore_mem>>
            %dma_start3A_80 = arith.constant 0 : i32
            %dma_start3A_81 = tpu.memref_slice %arg8[%add3A_77, %dma_start3A_80] : memref<16x128xi32, #tpu.memory_space<vmem>> -> memref<1x128xi32, #tpu.memory_space<vmem>>
            %dma_start3A_82 = tpu.memref_squeeze %dma_start3A_81 : memref<1x128xi32, #tpu.memory_space<vmem>> -> memref<128xi32, #tpu.memory_space<vmem>>
            %dma_start3A_83 = arith.constant 0 : i32
            %dma_start3A_84 = arith.constant 0 : i32
            %dma_start3A_85 = tpu.memref_slice %arg11[%dma_start3A_83, %dma_start3A_84] : memref<10240x128xf32, #tpu.memory_space<vmem_shared>> -> memref<10240x128xf32, #tpu.memory_space<vmem_shared>>
            tpu.enqueue_indirect_dma source(%arg10 : memref<128x128xf32, #tpu.memory_space<vmem>>) target(%dma_start3A_85 : memref<10240x128xf32, #tpu.memory_space<vmem_shared>>) offsets(%dma_start3A_82 : memref<128xi32, #tpu.memory_space<vmem>>) semaphore(%run_scoped3A_79 : memref<!tpu.dma_semaphore, #tpu.memory_space<semaphore_mem>>) {add = true}
            %dma_wait3A_86 = arith.constant 0 : i32
            %dma_wait3A_87 = tpu.memref_slice %arg8[%add3A_77, %dma_wait3A_86] : memref<16x128xi32, #tpu.memory_space<vmem>> -> memref<1x128xi32, #tpu.memory_space<vmem>>
            %dma_wait3A_88 = tpu.memref_squeeze %dma_wait3A_87 : memref<1x128xi32, #tpu.memory_space<vmem>> -> memref<128xi32, #tpu.memory_space<vmem>>
            %dma_wait3A_89 = arith.constant 0 : i32
            %dma_wait3A_90 = arith.constant 0 : i32
            %dma_wait3A_91 = tpu.memref_slice %arg11[%dma_wait3A_89, %dma_wait3A_90] : memref<10240x128xf32, #tpu.memory_space<vmem_shared>> -> memref<10240x128xf32, #tpu.memory_space<vmem_shared>>
            tpu.wait_indirect_dma semaphore(%run_scoped3A_79 : memref<!tpu.dma_semaphore, #tpu.memory_space<semaphore_mem>>) src(%arg10 : memref<128x128xf32, #tpu.memory_space<vmem>>) dst(%dma_wait3A_91 : memref<10240x128xf32, #tpu.memory_space<vmem_shared>>)
            tpu.yield
          }) : () -> ()
          %scan3A_78 = arith.constant 0 : i32
          scf.yield %scan3A_78 : i32
        }
        %scan3A_37 = arith.constant 8 : i32
        %scan3A_38 = arith.constant 0 : i32
        scf.yield %scan3A_38 : i32
      }
      %scan3A_19 = arith.constant 5 : i32
    } else {
    }
    %eq3A_3 = arith.constant 1 : i32
    %eq3A_4 = arith.cmpi eq, %arg0, %eq3A_3 : i32
    %convert_element_type3A_5 = arith.extui %eq3A_4 : i1 to i32
    %cond3A_6 = arith.constant 0 : i32
    %cond3A_7 = arith.cmpi ne, %convert_element_type3A_5, %cond3A_6 : i32
    scf.if %cond3A_7 {
      %scan3A = arith.constant 0 : i32
      %scan3A_14 = arith.constant 0 : i32
      %scan3A_15 = arith.constant 5 : i32
      %scan3A_16 = arith.addi %scan3A_14, %scan3A_15 : i32
      %scan3A_17 = arith.constant 1 : i32
      %scan3A_18 = scf.for %scan3A_20 = %scan3A_14 to %scan3A_16 step %scan3A_17 iter_args(%scan3A_21 = %scan3A) -> (i32)  : i32 {
        "tpu.region"() ({
          %run_scoped3A_39 = tpu.sem_alloc : memref<!tpu.dma_semaphore, #tpu.memory_space<semaphore_mem>>
          %dma_start3A_40 = arith.constant 0 : i32
          %dma_start3A_41 = arith.constant 0 : i32
          %dma_start3A_42 = tpu.memref_slice %arg3[%arg1, %scan3A_20, %dma_start3A_40, %dma_start3A_41] : memref<16x5x16x128xi32, #tpu.memory_space<hbm>> -> memref<1x1x16x128xi32, #tpu.memory_space<hbm>>
          %dma_start3A_43 = tpu.memref_squeeze %dma_start3A_42 : memref<1x1x16x128xi32, #tpu.memory_space<hbm>> -> memref<16x128xi32, #tpu.memory_space<hbm>>
          %dma_start3A_44 = arith.constant 0 : i32
          %dma_start3A_45 = arith.constant 0 : i32
          %dma_start3A_46 = tpu.memref_slice %arg3[%arg1, %scan3A_20, %dma_start3A_44, %dma_start3A_45] : memref<16x5x16x128xi32, #tpu.memory_space<hbm>> -> memref<1x1x16x128xi32, #tpu.memory_space<hbm>>
          %dma_start3A_47 = tpu.memref_squeeze %dma_start3A_46 : memref<1x1x16x128xi32, #tpu.memory_space<hbm>> -> memref<16x128xi32, #tpu.memory_space<hbm>>
          tpu.enqueue_dma source(%dma_start3A_47 : memref<16x128xi32, #tpu.memory_space<hbm>>) target(%arg7 : memref<16x128xi32, #tpu.memory_space<vmem>>) target_semaphore(%run_scoped3A_39 : memref<!tpu.dma_semaphore, #tpu.memory_space<semaphore_mem>>)
          %dma_wait3A = arith.constant 0 : i32
          %dma_wait3A_48 = arith.constant 0 : i32
          %dma_wait3A_49 = tpu.memref_slice %arg3[%arg1, %scan3A_20, %dma_wait3A, %dma_wait3A_48] : memref<16x5x16x128xi32, #tpu.memory_space<hbm>> -> memref<1x1x16x128xi32, #tpu.memory_space<hbm>>
          %dma_wait3A_50 = tpu.memref_squeeze %dma_wait3A_49 : memref<1x1x16x128xi32, #tpu.memory_space<hbm>> -> memref<16x128xi32, #tpu.memory_space<hbm>>
          %dma_wait3A_51 = arith.constant 0 : i32
          %dma_wait3A_52 = arith.constant 0 : i32
          %dma_wait3A_53 = tpu.memref_slice %arg3[%arg1, %scan3A_20, %dma_wait3A_51, %dma_wait3A_52] : memref<16x5x16x128xi32, #tpu.memory_space<hbm>> -> memref<1x1x16x128xi32, #tpu.memory_space<hbm>>
          %dma_wait3A_54 = tpu.memref_squeeze %dma_wait3A_53 : memref<1x1x16x128xi32, #tpu.memory_space<hbm>> -> memref<16x128xi32, #tpu.memory_space<hbm>>
          tpu.wait_dma2 semaphore(%run_scoped3A_39 : memref<!tpu.dma_semaphore, #tpu.memory_space<semaphore_mem>>) src(%dma_wait3A_54 : memref<16x128xi32, #tpu.memory_space<hbm>>) dst(%arg7 : memref<16x128xi32, #tpu.memory_space<vmem>>)
          tpu.yield
        }) : () -> ()
        "tpu.region"() ({
          %run_scoped3A_39 = tpu.sem_alloc : memref<!tpu.dma_semaphore, #tpu.memory_space<semaphore_mem>>
          %dma_start3A_40 = arith.constant 0 : i32
          %dma_start3A_41 = arith.constant 0 : i32
          %dma_start3A_42 = tpu.memref_slice %arg4[%arg1, %scan3A_20, %dma_start3A_40, %dma_start3A_41] : memref<16x5x16x128xi32, #tpu.memory_space<hbm>> -> memref<1x1x16x128xi32, #tpu.memory_space<hbm>>
          %dma_start3A_43 = tpu.memref_squeeze %dma_start3A_42 : memref<1x1x16x128xi32, #tpu.memory_space<hbm>> -> memref<16x128xi32, #tpu.memory_space<hbm>>
          %dma_start3A_44 = arith.constant 0 : i32
          %dma_start3A_45 = arith.constant 0 : i32
          %dma_start3A_46 = tpu.memref_slice %arg4[%arg1, %scan3A_20, %dma_start3A_44, %dma_start3A_45] : memref<16x5x16x128xi32, #tpu.memory_space<hbm>> -> memref<1x1x16x128xi32, #tpu.memory_space<hbm>>
          %dma_start3A_47 = tpu.memref_squeeze %dma_start3A_46 : memref<1x1x16x128xi32, #tpu.memory_space<hbm>> -> memref<16x128xi32, #tpu.memory_space<hbm>>
          tpu.enqueue_dma source(%dma_start3A_47 : memref<16x128xi32, #tpu.memory_space<hbm>>) target(%arg8 : memref<16x128xi32, #tpu.memory_space<vmem>>) target_semaphore(%run_scoped3A_39 : memref<!tpu.dma_semaphore, #tpu.memory_space<semaphore_mem>>)
          %dma_wait3A = arith.constant 0 : i32
          %dma_wait3A_48 = arith.constant 0 : i32
          %dma_wait3A_49 = tpu.memref_slice %arg4[%arg1, %scan3A_20, %dma_wait3A, %dma_wait3A_48] : memref<16x5x16x128xi32, #tpu.memory_space<hbm>> -> memref<1x1x16x128xi32, #tpu.memory_space<hbm>>
          %dma_wait3A_50 = tpu.memref_squeeze %dma_wait3A_49 : memref<1x1x16x128xi32, #tpu.memory_space<hbm>> -> memref<16x128xi32, #tpu.memory_space<hbm>>
          %dma_wait3A_51 = arith.constant 0 : i32
          %dma_wait3A_52 = arith.constant 0 : i32
          %dma_wait3A_53 = tpu.memref_slice %arg4[%arg1, %scan3A_20, %dma_wait3A_51, %dma_wait3A_52] : memref<16x5x16x128xi32, #tpu.memory_space<hbm>> -> memref<1x1x16x128xi32, #tpu.memory_space<hbm>>
          %dma_wait3A_54 = tpu.memref_squeeze %dma_wait3A_53 : memref<1x1x16x128xi32, #tpu.memory_space<hbm>> -> memref<16x128xi32, #tpu.memory_space<hbm>>
          tpu.wait_dma2 semaphore(%run_scoped3A_39 : memref<!tpu.dma_semaphore, #tpu.memory_space<semaphore_mem>>) src(%dma_wait3A_54 : memref<16x128xi32, #tpu.memory_space<hbm>>) dst(%arg8 : memref<16x128xi32, #tpu.memory_space<vmem>>)
          tpu.yield
        }) : () -> ()
        %dma_start3A = arith.constant 0 : i32
        %dma_start3A_22 = arith.constant 0 : i32
        %dma_start3A_23 = tpu.memref_slice %arg7[%dma_start3A, %dma_start3A_22] : memref<16x128xi32, #tpu.memory_space<vmem>> -> memref<1x128xi32, #tpu.memory_space<vmem>>
        %dma_start3A_24 = tpu.memref_squeeze %dma_start3A_23 : memref<1x128xi32, #tpu.memory_space<vmem>> -> memref<128xi32, #tpu.memory_space<vmem>>
        %dma_start3A_25 = arith.constant 0 : i32
        %dma_start3A_26 = arith.constant 128 : i32
        %dma_start3A_27 = tpu.memref_slice %arg2[%dma_start3A_25, %dma_start3A_26] : memref<10000x256xf32, #tpu.memory_space<hbm>> -> memref<10000x128xf32, #tpu.memory_space<hbm>>
        %dma_start3A_28 = arith.constant 0 : i32
        %dma_start3A_29 = arith.constant 0 : i32
        %dma_start3A_30 = tpu.memref_slice %dma_start3A_27[%dma_start3A_28, %dma_start3A_29] : memref<10000x128xf32, #tpu.memory_space<hbm>> -> memref<10000x128xf32, #tpu.memory_space<hbm>>
        tpu.enqueue_indirect_dma source(%dma_start3A_30 : memref<10000x128xf32, #tpu.memory_space<hbm>>) target(%arg9 : memref<128x128xf32, #tpu.memory_space<vmem>>) offsets(%dma_start3A_24 : memref<128xi32, #tpu.memory_space<vmem>>) semaphore(%arg12 : memref<!tpu.dma_semaphore, #tpu.memory_space<semaphore_mem>>)
        %scan3A_31 = arith.constant 0 : i32
        %scan3A_32 = arith.constant 0 : i32
        %scan3A_33 = arith.constant 8 : i32
        %scan3A_34 = arith.addi %scan3A_32, %scan3A_33 : i32
        %scan3A_35 = arith.constant 1 : i32
        %scan3A_36 = scf.for %scan3A_39 = %scan3A_32 to %scan3A_34 step %scan3A_35 iter_args(%scan3A_40 = %scan3A_31) -> (i32)  : i32 {
          %mul3A_41 = arith.constant 2 : i32
          %mul3A_42 = arith.muli %mul3A_41, %scan3A_39 : i32
          %add3A = arith.constant 1 : i32
          %add3A_43 = arith.addi %mul3A_42, %add3A : i32
          %dma_start3A_44 = arith.constant 0 : i32
          %dma_start3A_45 = tpu.memref_slice %arg7[%add3A_43, %dma_start3A_44] : memref<16x128xi32, #tpu.memory_space<vmem>> -> memref<1x128xi32, #tpu.memory_space<vmem>>
          %dma_start3A_46 = tpu.memref_squeeze %dma_start3A_45 : memref<1x128xi32, #tpu.memory_space<vmem>> -> memref<128xi32, #tpu.memory_space<vmem>>
          %dma_start3A_47 = arith.constant 0 : i32
          %dma_start3A_48 = arith.constant 128 : i32
          %dma_start3A_49 = tpu.memref_slice %arg2[%dma_start3A_47, %dma_start3A_48] : memref<10000x256xf32, #tpu.memory_space<hbm>> -> memref<10000x128xf32, #tpu.memory_space<hbm>>
          %dma_start3A_50 = arith.constant 0 : i32
          %dma_start3A_51 = arith.constant 0 : i32
          %dma_start3A_52 = tpu.memref_slice %dma_start3A_49[%dma_start3A_50, %dma_start3A_51] : memref<10000x128xf32, #tpu.memory_space<hbm>> -> memref<10000x128xf32, #tpu.memory_space<hbm>>
          tpu.enqueue_indirect_dma source(%dma_start3A_52 : memref<10000x128xf32, #tpu.memory_space<hbm>>) target(%arg10 : memref<128x128xf32, #tpu.memory_space<vmem>>) offsets(%dma_start3A_46 : memref<128xi32, #tpu.memory_space<vmem>>) semaphore(%arg13 : memref<!tpu.dma_semaphore, #tpu.memory_space<semaphore_mem>>)
          %dma_wait3A = arith.constant 0 : i32
          %dma_wait3A_53 = tpu.memref_slice %arg7[%mul3A_42, %dma_wait3A] : memref<16x128xi32, #tpu.memory_space<vmem>> -> memref<1x128xi32, #tpu.memory_space<vmem>>
          %dma_wait3A_54 = tpu.memref_squeeze %dma_wait3A_53 : memref<1x128xi32, #tpu.memory_space<vmem>> -> memref<128xi32, #tpu.memory_space<vmem>>
          %dma_wait3A_55 = arith.constant 0 : i32
          %dma_wait3A_56 = arith.constant 128 : i32
          %dma_wait3A_57 = tpu.memref_slice %arg2[%dma_wait3A_55, %dma_wait3A_56] : memref<10000x256xf32, #tpu.memory_space<hbm>> -> memref<10000x128xf32, #tpu.memory_space<hbm>>
          %dma_wait3A_58 = arith.constant 0 : i32
          %dma_wait3A_59 = arith.constant 0 : i32
          %dma_wait3A_60 = tpu.memref_slice %dma_wait3A_57[%dma_wait3A_58, %dma_wait3A_59] : memref<10000x128xf32, #tpu.memory_space<hbm>> -> memref<10000x128xf32, #tpu.memory_space<hbm>>
          tpu.wait_indirect_dma semaphore(%arg12 : memref<!tpu.dma_semaphore, #tpu.memory_space<semaphore_mem>>) src(%dma_wait3A_60 : memref<10000x128xf32, #tpu.memory_space<hbm>>) dst(%arg9 : memref<128x128xf32, #tpu.memory_space<vmem>>)
          "tpu.region"() ({
            %run_scoped3A_79 = tpu.sem_alloc : memref<!tpu.dma_semaphore, #tpu.memory_space<semaphore_mem>>
            %dma_start3A_80 = arith.constant 0 : i32
            %dma_start3A_81 = tpu.memref_slice %arg8[%mul3A_42, %dma_start3A_80] : memref<16x128xi32, #tpu.memory_space<vmem>> -> memref<1x128xi32, #tpu.memory_space<vmem>>
            %dma_start3A_82 = tpu.memref_squeeze %dma_start3A_81 : memref<1x128xi32, #tpu.memory_space<vmem>> -> memref<128xi32, #tpu.memory_space<vmem>>
            %dma_start3A_83 = arith.constant 0 : i32
            %dma_start3A_84 = arith.constant 0 : i32
            %dma_start3A_85 = tpu.memref_slice %arg11[%dma_start3A_83, %dma_start3A_84] : memref<10240x128xf32, #tpu.memory_space<vmem_shared>> -> memref<10240x128xf32, #tpu.memory_space<vmem_shared>>
            tpu.enqueue_indirect_dma source(%arg9 : memref<128x128xf32, #tpu.memory_space<vmem>>) target(%dma_start3A_85 : memref<10240x128xf32, #tpu.memory_space<vmem_shared>>) offsets(%dma_start3A_82 : memref<128xi32, #tpu.memory_space<vmem>>) semaphore(%run_scoped3A_79 : memref<!tpu.dma_semaphore, #tpu.memory_space<semaphore_mem>>) {add = true}
            %dma_wait3A_86 = arith.constant 0 : i32
            %dma_wait3A_87 = tpu.memref_slice %arg8[%mul3A_42, %dma_wait3A_86] : memref<16x128xi32, #tpu.memory_space<vmem>> -> memref<1x128xi32, #tpu.memory_space<vmem>>
            %dma_wait3A_88 = tpu.memref_squeeze %dma_wait3A_87 : memref<1x128xi32, #tpu.memory_space<vmem>> -> memref<128xi32, #tpu.memory_space<vmem>>
            %dma_wait3A_89 = arith.constant 0 : i32
            %dma_wait3A_90 = arith.constant 0 : i32
            %dma_wait3A_91 = tpu.memref_slice %arg11[%dma_wait3A_89, %dma_wait3A_90] : memref<10240x128xf32, #tpu.memory_space<vmem_shared>> -> memref<10240x128xf32, #tpu.memory_space<vmem_shared>>
            tpu.wait_indirect_dma semaphore(%run_scoped3A_79 : memref<!tpu.dma_semaphore, #tpu.memory_space<semaphore_mem>>) src(%arg9 : memref<128x128xf32, #tpu.memory_space<vmem>>) dst(%dma_wait3A_91 : memref<10240x128xf32, #tpu.memory_space<vmem_shared>>)
            tpu.yield
          }) : () -> ()
          %add3A_61 = arith.constant 2 : i32
          %add3A_62 = arith.addi %mul3A_42, %add3A_61 : i32
          %lt3A = arith.constant 16 : i32
          %lt3A_63 = arith.cmpi slt, %add3A_62, %lt3A : i32
          %convert_element_type3A_64 = arith.extui %lt3A_63 : i1 to i32
          %cond3A_65 = arith.constant 0 : i32
          %cond3A_66 = arith.cmpi ne, %convert_element_type3A_64, %cond3A_65 : i32
          scf.if %cond3A_66 {
            %add3A_79 = arith.constant 2 : i32
            %add3A_80 = arith.addi %mul3A_42, %add3A_79 : i32
            %dma_start3A_81 = arith.constant 0 : i32
            %dma_start3A_82 = tpu.memref_slice %arg7[%add3A_80, %dma_start3A_81] : memref<16x128xi32, #tpu.memory_space<vmem>> -> memref<1x128xi32, #tpu.memory_space<vmem>>
            %dma_start3A_83 = tpu.memref_squeeze %dma_start3A_82 : memref<1x128xi32, #tpu.memory_space<vmem>> -> memref<128xi32, #tpu.memory_space<vmem>>
            %dma_start3A_84 = arith.constant 0 : i32
            %dma_start3A_85 = arith.constant 128 : i32
            %dma_start3A_86 = tpu.memref_slice %arg2[%dma_start3A_84, %dma_start3A_85] : memref<10000x256xf32, #tpu.memory_space<hbm>> -> memref<10000x128xf32, #tpu.memory_space<hbm>>
            %dma_start3A_87 = arith.constant 0 : i32
            %dma_start3A_88 = arith.constant 0 : i32
            %dma_start3A_89 = tpu.memref_slice %dma_start3A_86[%dma_start3A_87, %dma_start3A_88] : memref<10000x128xf32, #tpu.memory_space<hbm>> -> memref<10000x128xf32, #tpu.memory_space<hbm>>
            tpu.enqueue_indirect_dma source(%dma_start3A_89 : memref<10000x128xf32, #tpu.memory_space<hbm>>) target(%arg9 : memref<128x128xf32, #tpu.memory_space<vmem>>) offsets(%dma_start3A_83 : memref<128xi32, #tpu.memory_space<vmem>>) semaphore(%arg12 : memref<!tpu.dma_semaphore, #tpu.memory_space<semaphore_mem>>)
          } else {
          }
          %dma_wait3A_67 = arith.constant 0 : i32
          %dma_wait3A_68 = tpu.memref_slice %arg7[%add3A_43, %dma_wait3A_67] : memref<16x128xi32, #tpu.memory_space<vmem>> -> memref<1x128xi32, #tpu.memory_space<vmem>>
          %dma_wait3A_69 = tpu.memref_squeeze %dma_wait3A_68 : memref<1x128xi32, #tpu.memory_space<vmem>> -> memref<128xi32, #tpu.memory_space<vmem>>
          %dma_wait3A_70 = arith.constant 0 : i32
          %dma_wait3A_71 = arith.constant 128 : i32
          %dma_wait3A_72 = tpu.memref_slice %arg2[%dma_wait3A_70, %dma_wait3A_71] : memref<10000x256xf32, #tpu.memory_space<hbm>> -> memref<10000x128xf32, #tpu.memory_space<hbm>>
          %dma_wait3A_73 = arith.constant 0 : i32
          %dma_wait3A_74 = arith.constant 0 : i32
          %dma_wait3A_75 = tpu.memref_slice %dma_wait3A_72[%dma_wait3A_73, %dma_wait3A_74] : memref<10000x128xf32, #tpu.memory_space<hbm>> -> memref<10000x128xf32, #tpu.memory_space<hbm>>
          tpu.wait_indirect_dma semaphore(%arg13 : memref<!tpu.dma_semaphore, #tpu.memory_space<semaphore_mem>>) src(%dma_wait3A_75 : memref<10000x128xf32, #tpu.memory_space<hbm>>) dst(%arg10 : memref<128x128xf32, #tpu.memory_space<vmem>>)
          %add3A_76 = arith.constant 1 : i32
          %add3A_77 = arith.addi %mul3A_42, %add3A_76 : i32
          "tpu.region"() ({
            %run_scoped3A_79 = tpu.sem_alloc : memref<!tpu.dma_semaphore, #tpu.memory_space<semaphore_mem>>
            %dma_start3A_80 = arith.constant 0 : i32
            %dma_start3A_81 = tpu.memref_slice %arg8[%add3A_77, %dma_start3A_80] : memref<16x128xi32, #tpu.memory_space<vmem>> -> memref<1x128xi32, #tpu.memory_space<vmem>>
            %dma_start3A_82 = tpu.memref_squeeze %dma_start3A_81 : memref<1x128xi32, #tpu.memory_space<vmem>> -> memref<128xi32, #tpu.memory_space<vmem>>
            %dma_start3A_83 = arith.constant 0 : i32
            %dma_start3A_84 = arith.constant 0 : i32
            %dma_start3A_85 = tpu.memref_slice %arg11[%dma_start3A_83, %dma_start3A_84] : memref<10240x128xf32, #tpu.memory_space<vmem_shared>> -> memref<10240x128xf32, #tpu.memory_space<vmem_shared>>
            tpu.enqueue_indirect_dma source(%arg10 : memref<128x128xf32, #tpu.memory_space<vmem>>) target(%dma_start3A_85 : memref<10240x128xf32, #tpu.memory_space<vmem_shared>>) offsets(%dma_start3A_82 : memref<128xi32, #tpu.memory_space<vmem>>) semaphore(%run_scoped3A_79 : memref<!tpu.dma_semaphore, #tpu.memory_space<semaphore_mem>>) {add = true}
            %dma_wait3A_86 = arith.constant 0 : i32
            %dma_wait3A_87 = tpu.memref_slice %arg8[%add3A_77, %dma_wait3A_86] : memref<16x128xi32, #tpu.memory_space<vmem>> -> memref<1x128xi32, #tpu.memory_space<vmem>>
            %dma_wait3A_88 = tpu.memref_squeeze %dma_wait3A_87 : memref<1x128xi32, #tpu.memory_space<vmem>> -> memref<128xi32, #tpu.memory_space<vmem>>
            %dma_wait3A_89 = arith.constant 0 : i32
            %dma_wait3A_90 = arith.constant 0 : i32
            %dma_wait3A_91 = tpu.memref_slice %arg11[%dma_wait3A_89, %dma_wait3A_90] : memref<10240x128xf32, #tpu.memory_space<vmem_shared>> -> memref<10240x128xf32, #tpu.memory_space<vmem_shared>>
            tpu.wait_indirect_dma semaphore(%run_scoped3A_79 : memref<!tpu.dma_semaphore, #tpu.memory_space<semaphore_mem>>) src(%arg10 : memref<128x128xf32, #tpu.memory_space<vmem>>) dst(%dma_wait3A_91 : memref<10240x128xf32, #tpu.memory_space<vmem_shared>>)
            tpu.yield
          }) : () -> ()
          %scan3A_78 = arith.constant 0 : i32
          scf.yield %scan3A_78 : i32
        }
        %scan3A_37 = arith.constant 8 : i32
        %scan3A_38 = arith.constant 0 : i32
        scf.yield %scan3A_38 : i32
      }
      %scan3A_19 = arith.constant 5 : i32
    } else {
    }
    "tpu.region"() ({
      %run_scoped3A_14 = tpu.sem_alloc : memref<!tpu.dma_semaphore, #tpu.memory_space<semaphore_mem>>
      %dma_start3A = arith.constant 0 : i32
      %dma_start3A_15 = arith.constant 0 : i32
      %dma_start3A_16 = tpu.memref_slice %arg5[%dma_start3A, %dma_start3A_15] : memref<640x128xf32, #tpu.memory_space<hbm>> -> memref<128x128xf32, #tpu.memory_space<hbm>>
      %dma_start3A_17 = arith.constant 0 : i32
      %dma_start3A_18 = arith.constant 0 : i32
      %dma_start3A_19 = tpu.memref_slice %arg5[%dma_start3A_17, %dma_start3A_18] : memref<640x128xf32, #tpu.memory_space<hbm>> -> memref<128x128xf32, #tpu.memory_space<hbm>>
      tpu.enqueue_dma source(%dma_start3A_19 : memref<128x128xf32, #tpu.memory_space<hbm>>) target(%arg9 : memref<128x128xf32, #tpu.memory_space<vmem>>) target_semaphore(%run_scoped3A_14 : memref<!tpu.dma_semaphore, #tpu.memory_space<semaphore_mem>>)
      %dma_wait3A = arith.constant 0 : i32
      %dma_wait3A_20 = arith.constant 0 : i32
      %dma_wait3A_21 = tpu.memref_slice %arg5[%dma_wait3A, %dma_wait3A_20] : memref<640x128xf32, #tpu.memory_space<hbm>> -> memref<128x128xf32, #tpu.memory_space<hbm>>
      %dma_wait3A_22 = arith.constant 0 : i32
      %dma_wait3A_23 = arith.constant 0 : i32
      %dma_wait3A_24 = tpu.memref_slice %arg5[%dma_wait3A_22, %dma_wait3A_23] : memref<640x128xf32, #tpu.memory_space<hbm>> -> memref<128x128xf32, #tpu.memory_space<hbm>>
      tpu.wait_dma2 semaphore(%run_scoped3A_14 : memref<!tpu.dma_semaphore, #tpu.memory_space<semaphore_mem>>) src(%dma_wait3A_24 : memref<128x128xf32, #tpu.memory_space<hbm>>) dst(%arg9 : memref<128x128xf32, #tpu.memory_space<vmem>>)
      tpu.yield
    }) : () -> ()
    %run_scoped3A = arith.constant 0 : i32
    "tpu.region"() ({
      %run_scoped3A_14 = tpu.sem_alloc : memref<!tpu.dma_semaphore, #tpu.memory_space<semaphore_mem>>
      %dma_start3A = arith.constant 0 : i32
      %dma_start3A_15 = tpu.memref_slice %arg8[%run_scoped3A, %dma_start3A] : memref<16x128xi32, #tpu.memory_space<vmem>> -> memref<1x128xi32, #tpu.memory_space<vmem>>
      %dma_start3A_16 = tpu.memref_squeeze %dma_start3A_15 : memref<1x128xi32, #tpu.memory_space<vmem>> -> memref<128xi32, #tpu.memory_space<vmem>>
      %dma_start3A_17 = arith.constant 0 : i32
      %dma_start3A_18 = arith.constant 0 : i32
      %dma_start3A_19 = tpu.memref_slice %arg11[%dma_start3A_17, %dma_start3A_18] : memref<10240x128xf32, #tpu.memory_space<vmem_shared>> -> memref<10240x128xf32, #tpu.memory_space<vmem_shared>>
      tpu.enqueue_indirect_dma source(%arg9 : memref<128x128xf32, #tpu.memory_space<vmem>>) target(%dma_start3A_19 : memref<10240x128xf32, #tpu.memory_space<vmem_shared>>) offsets(%dma_start3A_16 : memref<128xi32, #tpu.memory_space<vmem>>) semaphore(%run_scoped3A_14 : memref<!tpu.dma_semaphore, #tpu.memory_space<semaphore_mem>>) {add = true}
      %dma_wait3A = arith.constant 0 : i32
      %dma_wait3A_20 = tpu.memref_slice %arg8[%run_scoped3A, %dma_wait3A] : memref<16x128xi32, #tpu.memory_space<vmem>> -> memref<1x128xi32, #tpu.memory_space<vmem>>
      %dma_wait3A_21 = tpu.memref_squeeze %dma_wait3A_20 : memref<1x128xi32, #tpu.memory_space<vmem>> -> memref<128xi32, #tpu.memory_space<vmem>>
      %dma_wait3A_22 = arith.constant 0 : i32
      %dma_wait3A_23 = arith.constant 0 : i32
      %dma_wait3A_24 = tpu.memref_slice %arg11[%dma_wait3A_22, %dma_wait3A_23] : memref<10240x128xf32, #tpu.memory_space<vmem_shared>> -> memref<10240x128xf32, #tpu.memory_space<vmem_shared>>
      tpu.wait_indirect_dma semaphore(%run_scoped3A_14 : memref<!tpu.dma_semaphore, #tpu.memory_space<semaphore_mem>>) src(%arg9 : memref<128x128xf32, #tpu.memory_space<vmem>>) dst(%dma_wait3A_24 : memref<10240x128xf32, #tpu.memory_space<vmem_shared>>)
      tpu.yield
    }) : () -> ()
    %barrier3A_8 = arith.constant 0 : index
    tpu.barrier barrier_id(%barrier3A_8)
    %barrier3A_9 = arith.constant 0 : index
    tpu.barrier barrier_id(%barrier3A_9)
    %mul3A_10 = arith.constant 640 : i32
    %mul3A_11 = arith.muli %arg1, %mul3A_10 : i32
    %mul3A_12 = arith.constant 128 : i32
    %mul3A_13 = arith.muli %arg0, %mul3A_12 : i32
    "tpu.region"() ({
      %run_scoped3A_14 = tpu.sem_alloc : memref<!tpu.dma_semaphore, #tpu.memory_space<semaphore_mem>>
      %dma_start3A = tpu.memref_slice %arg6[%mul3A_11, %mul3A_13] : memref<10240x256xf32, #tpu.memory_space<hbm>> -> memref<640x128xf32, #tpu.memory_space<hbm>>
      %dma_start3A_15 = arith.constant 0 : i32
      %dma_start3A_16 = tpu.memref_slice %arg11[%mul3A_11, %dma_start3A_15] : memref<10240x128xf32, #tpu.memory_space<vmem_shared>> -> memref<640x128xf32, #tpu.memory_space<vmem_shared>>
      tpu.enqueue_dma source(%dma_start3A_16 : memref<640x128xf32, #tpu.memory_space<vmem_shared>>) target(%dma_start3A : memref<640x128xf32, #tpu.memory_space<hbm>>) target_semaphore(%run_scoped3A_14 : memref<!tpu.dma_semaphore, #tpu.memory_space<semaphore_mem>>)
      %dma_wait3A = tpu.memref_slice %arg6[%mul3A_11, %mul3A_13] : memref<10240x256xf32, #tpu.memory_space<hbm>> -> memref<640x128xf32, #tpu.memory_space<hbm>>
      %dma_wait3A_17 = arith.constant 0 : i32
      %dma_wait3A_18 = tpu.memref_slice %arg11[%mul3A_11, %dma_wait3A_17] : memref<10240x128xf32, #tpu.memory_space<vmem_shared>> -> memref<640x128xf32, #tpu.memory_space<vmem_shared>>
      tpu.wait_dma2 semaphore(%run_scoped3A_14 : memref<!tpu.dma_semaphore, #tpu.memory_space<semaphore_mem>>) src(%dma_wait3A_18 : memref<640x128xf32, #tpu.memory_space<vmem_shared>>) dst(%dma_wait3A : memref<640x128xf32, #tpu.memory_space<hbm>>)
      tpu.yield
    }) : () -> ()
    return
  }
}

module attributes {stable_mosaic.version = 14 : i64} {
  func.func @_tc_body(%arg0: i32, %arg1: memref<2000x256xf32, #tpu.memory_space<vmem>>, %arg2: memref<1x128xf32, #tpu.memory_space<vmem>>, %arg3: memref<384x256xf32, #tpu.memory_space<vmem>>, %arg4: memref<1x256xf32, #tpu.memory_space<vmem>>, %arg5: memref<1x256xf32, #tpu.memory_space<vmem>>, %arg6: memref<1x256xf32, #tpu.memory_space<vmem>>, %arg7: memref<2000x256xf32, #tpu.memory_space<vmem>>) attributes {dimension_semantics = [#tpu.dimension_semantics<arbitrary>], iteration_bounds = array<i64: 5>, scalar_prefetch = 0 : i64, scratch_operands = 0 : i64, tpu.core_type = #tpu.core_type<tc>, window_params = [{transform_indices = @transform_0, window_bounds = array<i64: 2000, 256>}, {pipeline_mode = #tpu.pipeline_mode<synchronous>, transform_indices = @transform_1, window_bounds = array<i64: 1, 128>}, {pipeline_mode = #tpu.pipeline_mode<synchronous>, transform_indices = @transform_2, window_bounds = array<i64: 384, 256>}, {pipeline_mode = #tpu.pipeline_mode<synchronous>, transform_indices = @transform_3, window_bounds = array<i64: 1, 256>}, {pipeline_mode = #tpu.pipeline_mode<synchronous>, transform_indices = @transform_4, window_bounds = array<i64: 1, 256>}, {pipeline_mode = #tpu.pipeline_mode<synchronous>, transform_indices = @transform_5, window_bounds = array<i64: 1, 256>}, {transform_indices = @transform_6, window_bounds = array<i64: 2000, 256>}]} {
    %get3A = arith.constant 0 : index
    %get3A_0 = arith.constant 0 : index
    %get3A_1 = vector.load %arg1[%get3A, %get3A_0] : memref<2000x256xf32, #tpu.memory_space<vmem>>, vector<2000x256xf32>
    %get3A_2 = arith.constant 0 : index
    %get3A_3 = arith.constant 0 : index
    %get3A_4 = vector.load %arg3[%get3A_2, %get3A_3] : memref<384x256xf32, #tpu.memory_space<vmem>>, vector<256x256xf32>
    %dot_general3A = arith.constant dense<0.000000e+00> : vector<2000x256xf32>
    %dot_general3A_5 = tpu.matmul %get3A_1, %get3A_4, %dot_general3A {dimension_numbers = #tpu.dot_dimension_numbers<[1], [0], [0], [1], [0, 0, 1, 1], [], []>, transpose_lhs_hint = false} : vector<2000x256xf32>, vector<256x256xf32>, vector<2000x256xf32> -> vector<2000x256xf32>
    %get3A_6 = arith.constant 0 : index
    %get3A_7 = arith.constant 0 : index
    %get3A_8 = vector.load %arg2[%get3A_6, %get3A_7] : memref<1x128xf32, #tpu.memory_space<vmem>>, vector<1x128xf32>
    %get3A_9 = arith.constant 256 : index
    %get3A_10 = arith.constant 0 : index
    %get3A_11 = vector.load %arg3[%get3A_9, %get3A_10] : memref<384x256xf32, #tpu.memory_space<vmem>>, vector<128x256xf32>
    %dot_general3A_12 = arith.constant dense<0.000000e+00> : vector<1x256xf32>
    %dot_general3A_13 = tpu.matmul %get3A_8, %get3A_11, %dot_general3A_12 {dimension_numbers = #tpu.dot_dimension_numbers<[1], [0], [0], [1], [0, 0, 1, 1], [], []>, transpose_lhs_hint = false} : vector<1x128xf32>, vector<128x256xf32>, vector<1x256xf32> -> vector<1x256xf32>
    %add3A = vector.broadcast %dot_general3A_13 : vector<1x256xf32> to vector<2000x256xf32>
    %add3A_14 = arith.addf %dot_general3A_5, %add3A : vector<2000x256xf32>
    %get3A_15 = arith.constant 0 : index
    %get3A_16 = arith.constant 0 : index
    %get3A_17 = vector.load %arg4[%get3A_15, %get3A_16] : memref<1x256xf32, #tpu.memory_space<vmem>>, vector<1x256xf32>
    %add3A_18 = vector.broadcast %get3A_17 : vector<1x256xf32> to vector<2000x256xf32>
    %add3A_19 = arith.addf %add3A_14, %add3A_18 : vector<2000x256xf32>
    %max3A = arith.constant 0.000000e+00 : f32
    %max3A_20 = vector.broadcast %max3A : f32 to vector<2000x256xf32>
    %max3A_21 = arith.maximumf %add3A_19, %max3A_20 : vector<2000x256xf32>
    %reduce_sum3A = arith.constant dense<0.000000e+00> : vector<2000xf32>
    %reduce_sum3A_22 = vector.multi_reduction <add>, %max3A_21, %reduce_sum3A [1] : vector<2000x256xf32> to vector<2000xf32>
    %broadcast_in_dim3A = vector.shape_cast %reduce_sum3A_22 : vector<2000xf32> to vector<2000x1xf32>
    %div3A = arith.constant 2.560000e+02 : f32
    %div3A_23 = vector.broadcast %div3A : f32 to vector<2000x1xf32>
    %div3A_24 = arith.divf %broadcast_in_dim3A, %div3A_23 : vector<2000x1xf32>
    %sub3A = vector.broadcast %div3A_24 : vector<2000x1xf32> to vector<2000x256xf32>
    %sub3A_25 = arith.subf %max3A_21, %sub3A : vector<2000x256xf32>
    %mul3A = arith.mulf %sub3A_25, %sub3A_25 : vector<2000x256xf32>
    %reduce_sum3A_26 = arith.constant dense<0.000000e+00> : vector<2000xf32>
    %reduce_sum3A_27 = vector.multi_reduction <add>, %mul3A, %reduce_sum3A_26 [1] : vector<2000x256xf32> to vector<2000xf32>
    %broadcast_in_dim3A_28 = vector.shape_cast %reduce_sum3A_27 : vector<2000xf32> to vector<2000x1xf32>
    %div3A_29 = arith.constant 2.560000e+02 : f32
    %div3A_30 = vector.broadcast %div3A_29 : f32 to vector<2000x1xf32>
    %div3A_31 = arith.divf %broadcast_in_dim3A_28, %div3A_30 : vector<2000x1xf32>
    %add3A_32 = arith.constant 9.99999974E-6 : f32
    %add3A_33 = vector.broadcast %add3A_32 : f32 to vector<2000x1xf32>
    %add3A_34 = arith.addf %div3A_31, %add3A_33 : vector<2000x1xf32>
    %rsqrt3A = math.rsqrt %add3A_34 : vector<2000x1xf32>
    %mul3A_35 = vector.broadcast %rsqrt3A : vector<2000x1xf32> to vector<2000x256xf32>
    %mul3A_36 = arith.mulf %sub3A_25, %mul3A_35 : vector<2000x256xf32>
    %get3A_37 = arith.constant 0 : index
    %get3A_38 = arith.constant 0 : index
    %get3A_39 = vector.load %arg5[%get3A_37, %get3A_38] : memref<1x256xf32, #tpu.memory_space<vmem>>, vector<1x256xf32>
    %mul3A_40 = vector.broadcast %get3A_39 : vector<1x256xf32> to vector<2000x256xf32>
    %mul3A_41 = arith.mulf %mul3A_36, %mul3A_40 : vector<2000x256xf32>
    %get3A_42 = arith.constant 0 : index
    %get3A_43 = arith.constant 0 : index
    %get3A_44 = vector.load %arg6[%get3A_42, %get3A_43] : memref<1x256xf32, #tpu.memory_space<vmem>>, vector<1x256xf32>
    %add3A_45 = vector.broadcast %get3A_44 : vector<1x256xf32> to vector<2000x256xf32>
    %add3A_46 = arith.addf %mul3A_41, %add3A_45 : vector<2000x256xf32>
    %swap3A = arith.constant 0 : index
    %swap3A_47 = arith.constant 0 : index
    %swap3A_48 = vector.load %arg7[%swap3A, %swap3A_47] : memref<2000x256xf32, #tpu.memory_space<vmem>>, vector<2000x256xf32>
    tpu.vector_store %arg7[%swap3A, %swap3A_47], %add3A_46 {strides = array<i32>} : memref<2000x256xf32, #tpu.memory_space<vmem>>, vector<2000x256xf32>,
    return
  }
  func.func @transform_0(%arg0: i32) -> (i32, i32) {
    %c0_i32 = arith.constant 0 : i32
    %c0_i32_0 = arith.constant 0 : i32
    return %arg0, %c0_i32 : i32, i32
  }
  func.func @transform_1(%arg0: i32) -> (i32, i32) {
    %c0_i32 = arith.constant 0 : i32
    %c0_i32_0 = arith.constant 0 : i32
    %c0_i32_1 = arith.constant 0 : i32
    return %c0_i32, %c0_i32_0 : i32, i32
  }
  func.func @transform_2(%arg0: i32) -> (i32, i32) {
    %c0_i32 = arith.constant 0 : i32
    %c0_i32_0 = arith.constant 0 : i32
    %c0_i32_1 = arith.constant 0 : i32
    return %c0_i32, %c0_i32_0 : i32, i32
  }
  func.func @transform_3(%arg0: i32) -> (i32, i32) {
    %c0_i32 = arith.constant 0 : i32
    %c0_i32_0 = arith.constant 0 : i32
    %c0_i32_1 = arith.constant 0 : i32
    return %c0_i32, %c0_i32_0 : i32, i32
  }
  func.func @transform_4(%arg0: i32) -> (i32, i32) {
    %c0_i32 = arith.constant 0 : i32
    %c0_i32_0 = arith.constant 0 : i32
    %c0_i32_1 = arith.constant 0 : i32
    return %c0_i32, %c0_i32_0 : i32, i32
  }
  func.func @transform_5(%arg0: i32) -> (i32, i32) {
    %c0_i32 = arith.constant 0 : i32
    %c0_i32_0 = arith.constant 0 : i32
    %c0_i32_1 = arith.constant 0 : i32
    return %c0_i32, %c0_i32_0 : i32, i32
  }
  func.func @transform_6(%arg0: i32) -> (i32, i32) {
    %c0_i32 = arith.constant 0 : i32
    %c0_i32_0 = arith.constant 0 : i32
    return %arg0, %c0_i32 : i32, i32
  }
}

</mosaic_0001>

<sc_bundles>
// kernel: kernel.4.cloned.1.call-start
scs
__scs_entry_jumppad:
0x0: {  	(pc) =	sbr.rel $0x88, $3  }
0x1: {  	(tag) =	ssettag $0x0;
	lr =	simm.s32 $0x1  }
0x2: {  	[smem:$0x3F9A] =	sst lr;
	_ =	strace $0xD0000000  }
0x3: {  	_ = 	snop  }
0x4: {  	_ = 	snop  }
0x5: {  	_ = 	snop  }
0x6: {  	_ = 	snop  }
0x7: {  	_ = 	snop  }
__scs_overlays_trampoline_lowered:
0x8: {  	[smem:$0x3FA9] =	sst s0  }
0x9: {  	[smem:$0x3FAA] =	sst s1  }
0xa: {  	[smem:$0x3FAB] =	sst s2  }
0xb: {  	[smem:$0x3FAC] =	sst s3  }
0xc: {  	[smem:$0x3FAD] =	sst s4  }
0xd: {  	[smem:$0x3FAE] =	sst s5  }
0xe: {  	[smem:$0x3FAF] =	sst s6  }
0xf: {  	[smem:$0x3FB0] =	sst s7  }
0x10: {  	[smem:$0x3FB1] =	sst s8  }
0x11: {  	[smem:$0x3FB2] =	sst s9;
	s0 =	simm.s32 @!p0 $0x0  }
0x12: {  	s1 =	sld [smem:$0x3F98];
	s0 =	simm.s32 @p0 $0x1  }
0x13: {  	[smem:$0x3FB3] =	sst s0;
	s0 =	simm.s32 @!p1 $0x0  }
0x14: {  	s2 =	sld [smem:$0x3F97];
	s0 =	simm.s32 @p1 $0x1  }
0x15: {  	[smem:$0x3FB4] =	sst s0;
	s0 =	simm.s32 @!p2 $0x0  }
0x16: {  	s3 =	sld [smem:$0x3FDB];
	s0 =	simm.s32 @p2 $0x1  }
0x17: {  	s4 =	simm.s32 $0x1BF5;
	[smem:$0x3FB6] =	sst s0  }
0x18: {  	s0 =	sld [smem:$0x3F99];
	_ =	swait.ge [sflag:s4], $0x0  }
0x19: {  	s7 =	sld [smem:$0x3F9A]  }
0x1a: {  	s8 =	sadd.s32 $0xFFFFE003, lr  }
0x1b: {  	s9 =	sadd.s32 $0xFFFFFEF7, lr;
	s5 =	simm.s32 $0xFFFFFFFF;
	p2 =	slt.u32 s8, $0xFFFFF086  }
0x1c: {  	p1 =	slt.u32 s9, $0xF7A;
	s5 =	simm.s32 @!p2 $0x0  }
0x1d: {  	s5 =	simm.s32 @p1 $0x1;
	p0 =	seq.s32 s7, s2  }
0x1e: {  	s7 =	smul.u32 @!p0 $0xF7A, s2;
	p2 =	seq.s32 @!p0 s5, $0x0  }
0x1f: {  	s9 =	smul.u32 $0xF7A, s1;
	s8 =	simm.s32 @!p0 $0x1BF5;
	p2 =	por !p2, p0  }
0x20: {  	[sflag:s8] =	ssyncset.s32 @!p0 $0xFFFFF086;
	s6 =	sadd.s32 @!p0 s3, s7;
	s7 =	simm.s32 @!p0 $0x108  }
0x21: {  	s3 =	sadd.s32 s3, s9;
	s6 =	sadd.s32 @!p0 $0x88, s6;
	s7 =	simm.s32 @p2 $0x1082  }
0x22: {  	[simem:s7], [sflag:s8] =	dma.local @!p0 [hbm:s6], $0xF7A  }
0x23: {  	s9 =	sor.u32 $0xD0000000, s2;
	s6 =	simm.s32 $0x108;
	_ =	swait.ge @!p0 [sflag:s8], $0x0  }
0x24: {  	s3 =	sadd.s32 $0x88, s3;
	s6 =	simm.s32 @!p1 $0x1082;
	[sflag:s4] =	ssyncset.s32 $0xFFFFF086  }
0x25: {  	[simem:s6], [sflag:s4] =	dma.local [hbm:s3], $0xF7A  }
0x26: {  	[smem:$0x3F9A] =	sst s1;
	(tag) =	ssettag s2;
	_ =	strace s9  }
0x27: {  	s1 =	sld [smem:$0x3FAA]  }
0x28: {  	s2 =	sld [smem:$0x3FAB]  }
0x29: {  	s4 =	sld [smem:$0x3FAD]  }
0x2a: {  	p0 =	seq.s32 s5, $0x0;
	s5 =	sld [smem:$0x3FAE]  }
0x2b: {  	s6 =	sld [smem:$0x3FAF]  }
0x2c: {  	s7 =	sld [smem:$0x3FB0]  }
0x2d: {  	s3 =	simm.s32 $0x108;
	s8 =	sld [smem:$0x3FB1]  }
0x2e: {  	s3 =	simm.s32 @!p0 $0x1082;
	s9 =	sld [smem:$0x3FB2]  }
0x2f: {  	lr =	sadd.s32 s0, s3;
	s0 =	sld [smem:$0x3FA9]  }
0x30: {  	s3 =	sld [smem:$0x3FAC]  }
0x31: {  	[smem:$0x3FB5] =	sst s10  }
0x32: {  	s10 =	sld [smem:$0x3FB3];
	_ =	sdelay $0x3  }
0x33: {  	p0 =	seq.s32 s10, $0x1;
	s10 =	sld [smem:$0x3FB5];
	_ =	sdelay $0x3  }
0x34: {  	[smem:$0x3FB5] =	sst s10  }
0x35: {  	s10 =	sld [smem:$0x3FB4];
	_ =	sdelay $0x3  }
0x36: {  	p1 =	seq.s32 s10, $0x1;
	s10 =	sld [smem:$0x3FB5];
	_ =	sdelay $0x3  }
0x37: {  	[smem:$0x3FB5] =	sst s10  }
0x38: {  	s10 =	sld [smem:$0x3FB6]  }
0x39: {  	_ = 	snop;
	(pc) =	sbr.ind lr, $3  }
0x3a: {  	_ = 	snop  }
0x3b: {  	_ = 	snop  }
0x3c: {  	p2 =	seq.s32 s10, $0x1;
	s10 =	sld [smem:$0x3FB5]  }
0x3d: {  	_ =	shalt  }
0x3e: {  	_ =	shalt  }
0x3f: {  	_ =	shalt  }
0x40: {  	_ =	shalt  }
0x41: {  	_ =	shalt  }
0x42: {  	_ =	shalt  }
0x43: {  	_ =	shalt  }
0x44: {  	_ =	shalt  }
0x45: {  	_ =	shalt  }
0x46: {  	_ =	shalt  }
0x47: {  	_ =	shalt  }
0x48: {  	_ =	shalt  }
0x49: {  	_ =	shalt  }
0x4a: {  	_ =	shalt  }
0x4b: {  	_ =	shalt  }
0x4c: {  	_ =	shalt  }
0x4d: {  	_ =	shalt  }
0x4e: {  	_ =	shalt  }
0x4f: {  	_ =	shalt  }
0x50: {  	_ =	shalt  }
0x51: {  	_ =	shalt  }
0x52: {  	_ =	shalt  }
0x53: {  	_ =	shalt  }
0x54: {  	_ =	shalt  }
0x55: {  	_ =	shalt  }
0x56: {  	_ =	shalt  }
0x57: {  	_ =	shalt  }
0x58: {  	_ =	shalt  }
0x59: {  	_ =	shalt  }
0x5a: {  	_ =	shalt  }
0x5b: {  	_ =	shalt  }
0x5c: {  	_ =	shalt  }
0x5d: {  	_ =	shalt  }
0x5e: {  	_ =	shalt  }
0x5f: {  	_ =	shalt  }
0x60: {  	_ =	shalt  }
0x61: {  	_ =	shalt  }
0x62: {  	_ =	shalt  }
0x63: {  	_ =	shalt  }
0x64: {  	_ =	shalt  }
0x65: {  	_ =	shalt  }
0x66: {  	_ =	shalt  }
0x67: {  	_ =	shalt  }
0x68: {  	_ =	shalt  }
0x69: {  	_ =	shalt  }
0x6a: {  	_ =	shalt  }
0x6b: {  	_ =	shalt  }
0x6c: {  	_ =	shalt  }
0x6d: {  	_ =	shalt  }
0x6e: {  	_ =	shalt  }
0x6f: {  	_ =	shalt  }
0x70: {  	_ =	shalt  }
0x71: {  	_ =	shalt  }
0x72: {  	_ =	shalt  }
0x73: {  	_ =	shalt  }
0x74: {  	_ =	shalt  }
0x75: {  	_ =	shalt  }
0x76: {  	_ =	shalt  }
0x77: {  	_ =	shalt  }
0x78: {  	_ =	shalt  }
0x79: {  	_ =	shalt  }
0x7a: {  	_ =	shalt  }
0x7b: {  	_ =	shalt  }
0x7c: {  	_ =	shalt  }
0x7d: {  	_ =	shalt  }
0x7e: {  	_ =	shalt  }
0x7f: {  	_ =	shalt  }
0x80: {  	_ =	shalt  }
0x81: {  	_ =	shalt  }
0x82: {  	_ =	shalt  }
0x83: {  	_ =	shalt  }
0x84: {  	_ =	shalt  }
0x85: {  	_ =	shalt  }
0x86: {  	_ =	shalt  }
0x87: {  	_ =	shalt  }
.Lfunc_end0:
.L_simem_size_0:
called_computation_lowered:
.L_overlay_start_0:
0x88: {  	s2 =	sld [smem:$0x3FD9]  }
0x89: {  	s3 =	sld [smem:$0x3FFE];
	_ =	sdelay $0x1  }
0x8a: {  	s1 =	srdreg.scid  }
0x8b: {  	s0 =	sand.u32 $0x1, s1  }
0x8c: {  	s17 =	sshll.u32 s0, $0xA;
	s2 =	sadd.s32 s3, s2  }
0x8d: {  	s2 =	sadd.s32 s2, s17  }
0x8e: {  	[smem:$0x3FC1] =	sst s2  }
0x8f: {  	_ = 	snop  }
0x90: {  	s2 =	sld [smem:$0x3FC8]  }
0x91: {  	s18 =	sld [smem:$0x3FD0];
	(tm) =	ssettm $0x1  }
0x92: {  	s4 =	sld [smem:$0x3FFB];
	_ =	sdelay $0x3  }
0x93: {  	_ =	strace s4  }
0x94: {  	s4 =	sld [smem:$0x3FFC];
	_ =	sdelay $0x3  }
0x95: {  	_ =	strace s4  }
0x96: {  	s4 =	sld [smem:$0x3FFD];
	_ =	sdelay $0x3  }
0x97: {  	_ =	strace s4  }
0x98: {  	_ =	strace $0x8FFFFFFF  }
0x99: {  	s19 =	sld [smem:$0x3FDB];
	_ =	sdelay $0x1  }
0x9a: {  	s5 =	simm.s32 $_scs_section_size  }
0x9b: {  	s6 =	simm.s32 $_size__tile_overlayer_lowered;
	s7 =	simm.s32 $_tile_overlayer_lowered  }
0x9c: {  	s22 =	simm.s32 $0x1BFF;
	s21 =	sshll.u32 s7, $0x1;
	s4 =	sadd.s32 s5, s19  }
0x9d: {  	s8 =	simm.s32 $0x0;
	s20 =	sshll.u32 s6, $0x1;
	s6 =	sadd.s32 s21, s4  }
0x9e: {  	[timem:s8], [sflag:s22] =	dma.local [hbm:s6], s20  }
0x9f: {  	_ =	swait.ge [sflag:s22], s20  }
0xa0: {  	s5 =	ssub.s32 $0x0, s20;
	[sflag:s22] =	ssyncset.done $0x0  }
0xa1: {  	[sflag:s22] =	ssyncadd.s32 s5;
	_ =	sdelay $0x1  }
0xa2: {  	s23 =	simm.s32 $0x1B8B  }
0xa3: {  	_ =	swait.ge [sflag:s23], $0x1  }
0xa4: {  	[sflag:s23] =	ssyncset.done $0x0  }
0xa5: {  	s25 =	simm.s32 $0x1B8E;
	s24 =	sld [smem:$0x3FFE];
	[sflag:s23] =	ssyncadd.s32 $0xFFFFFFFF  }
0xa6: {  	s26 =	simm.s32 $execute0_lowered;
	[smem:$0x3FD2] =	sst s25  }
0xa7: {  	s6 =	sshll.u32 s26, $0x1;
	_ =	strace $0x80000046;
	[dreg:$0x1] =	wrdreg $0xFFFFFFFF  }
0xa8: {  	s28 =	simm.s32 $_size_execute0_lowered;
	s4 =	sadd.s32 s4, s6;
	[dreg:$0x0] =	wrdreg $0x0  }
0xa9: {  	s6 =	sshll.u32 s28, $0x1;
	[dreg:$0x2] =	wrdreg s4  }
0xaa: {  	[dreg:$0x3] =	wrdreg s6  }
0xab: {  	[dreg:$0x4] =	wrdreg $0xC0  }
0xac: {  	_ =	task [dreg:s8], $0x5FFFF  }
0xad: {  	[dreg:$0x1] =	wrdreg $0xFFFFFFFF  }
0xae: {  	[dreg:$0x0] =	wrdreg $0x60  }
0xaf: {  	[dreg:$0x2] =	wrdreg s2  }
0xb0: {  	[dreg:$0x3] =	wrdreg s18  }
0xb1: {  	[dreg:$0x4] =	wrdreg s24  }
0xb2: {  	[dreg:$0x5] =	wrdreg $0x90000  }
0xb3: {  	[dreg:$0x6] =	wrdreg $0x9  }
0xb4: {  	_ =	task.clear_ibuf [dreg:s8], $0x7FFFF;
	_ =	strace $0x90000046  }
0xb5: {  	s29 =	simm.s32 $0x9;
	_ =	strace $0x80000048  }
0xb6: {  	_ =	swait.ge [sflag:s29], $0x1  }
0xb7: {  	[sflag:s29] =	ssyncadd.s32 $0xFFFFFFFF  }
0xb8: {  	_ =	strace $0x90000048  }
0xb9: {  	_ =	sfence  }
0xba: {  	s30 =	sld [smem:$0x0];
	_ =	sdelay $0x2  }
0xbb: {  	s31 =	sshll.u32 s1, $0xD;
	s1 =	sshrl.u32 s1, $0x2  }
0xbc: {  	s3 =	sand.u32 $0x4000, s31;
	s1 =	sadd.s32 s1, s30  }
0xbd: {  	s0 =	sor.u32 s3, s0;
	s1 =	sshll.u32 s1, $0x11  }
0xbe: {  	s0 =	sor.u32 s1, s0  }
0xbf: {  	s0 =	sadd.s32 $0x8F2B, s0  }
0xc0: {  	[sflag:s0] =	ssyncadd.remote.s32 $0x1  }
0xc1: {  	_ =	sfence.sel $0xFFFF  }
0xc2: {  	[dreg:$0x0] =	wrdreg $0xFFFFFFFF;
	(pc) =	sbr.abs _section_cstart, $3  }
0xc3: {  	[dreg:$0x1] =	wrdreg $0xFFFFFFFF  }
0xc4: {  	_ =	task.clear_ibuf [dreg:s8], $0x2FFFF;
	_ =	strace $0x9FFFFFFF  }
0xc5: {  	(tm) =	ssettm $0x7FFFFFFF  }
tec
execute0_lowered:
.L_overlay_start_1:
0x0: {  	(tag) =	ssettag $0x1  }
0x1: {  	s1 =	rddreg [dreg:$0x0]  }
0x2: {  	s0 =	rddreg [dreg:$0x2]  }
0x3: {  	s4 =	rddreg [dreg:$0x3]  }
0x4: {  	s2 =	srdreg.scid;
	s9 =	stileid.u32;
	s5 =	simm.s32 $0x0  }
0x5: {  	s14 =	simm.s32 $0x3;
	s16 =	simm.s32 $0x1000;
	s19 =	simm.s32 $0x5000  }
0x6: {  	s11 =	simm.s32 $0x8700;
	s12 =	simm.s32 $0x8780;
	s13 =	simm.s32 $0x8E80  }
0x7: {  	s15 =	simm.s32 $0x8A00;
	s17 =	simm.s32 $0x8C00;
	s18 =	simm.s32 $0x8D00  }
0x8: {  	s20 =	simm.s32 $0x8C80;
	s28 =	simm.s32 $0x1;
	s29 =	simm.s32 $0x80  }
0x9: {  	s30 =	simm.s32 $0x2;
	s2 =	sand.u32 $0x1, s2;
	s3 =	smul.u32 $0x28000, s9  }
0xa: {  	[smem:$0x7FF] =	sst s5;
	s21 =	sadd.s32 $0x800, s0;
	s22 =	smul.u32 $0x50000, s9  }
0xb: {  	s31 =	sadd.s32 $0x5800, s0;
	s8 =	sshll.u32 s9, $0x6;
	s25 =	smul.u32 $0x2800, s9  }
0xc: {  	s10 =	sadd.s32 $0x80, s1;
	s9 =	simm.s32 $0x8E00;
	s6 =	sshll.u32 s2, $0xA  }
0xd: {  	_ =	strace $0x80000047;
	[dreg:$0x5] =	wrdreg s21;
	s23 =	ssub.s32 $0x2, s2  }
0xe: {  	s24 =	sor.u32 $0x1C03, s8;
	p0 =	seq.s32 s2, $0x1;
	s8 =	simm.s32 $0x8880  }
0xf: {  	s2 =	simm.s32 $0x8F00;
	s21 =	simm.s32 $0x8A80;
	[dreg:$0x6] =	wrdreg s31  }
0x10: {  	s3 =	sor.u32 s6, s3;
	s7 =	sshrl.u32 s23, $0x1;
	[dreg:$0x7] =	wrdreg s24  }
0x11: {  	v0 =	vimm.s32 $0x7;
	s6 =	sshrl.u32 s22, $0x2;
	[dreg:$0x8] =	wrdreg s25;
	s22 =	simm.s32 $0x8B00  }
0x12: {  	v1 =	vimm.s32 $0x1;
	v2 =	vimm.s32 $0x0;
	v3 =	vlaneseq.u32;
	s24 =	simm.s32 $0x8980;
	s25 =	simm.s32 $0x8900;
	s3 =	sshrl.u32 s3, $0x3  }
.Ltmp0:
0x13: {  	vm0 =	vmmov $0x1;
	v4 =	vimm.s32 $0x2;
	v5 =	vimm.s32 $0x3;
	s6 =	sadd.s32 s6, s4;
	s0 =	sadd.s32 s3, s0;
	(pc) =	sbr.rel .LBB2_1-.Ltmp0, $4  }
0x14: {  	v6 =	vimm.s32 $0x4;
	v7 =	vimm.s32 $0x5;
	v8 =	vimm.s32 $0x6;
	s3 =	ssub.s32 s23, s7;
	s7 =	simm.s32 $0x8800;
	s0 =	sadd.s32 $0x8000, s0  }
0x15: {  	v9 =	vimm.s32 $0x8;
	v10 =	vimm.s32 $0x9;
	v11 =	vimm.s32 $0xA;
	s23 =	simm.s32 $0x8B80;
	s26 =	smax.u32 s3, $0x1;
	[dreg:$0x9] =	wrdreg s0  }
0x16: {  	v12 =	vimm.s32 $0xB;
	v13 =	vimm.s32 $0xC;
	v14 =	vimm.s32 $0xD;
	s3 =	sshrl.u32 s6, $0x3;
	s6 =	simm.s32 $0x8D80;
	[dreg:$0xa] =	wrdreg s26  }
0x17: {  	v15 =	vimm.s32 $0xE;
	v16 =	vimm.s32 $0xF;
	v3 =	vmul.u32 $0x8, v3;
	s26 =	simm.s32 $0x8F80;
	s0 =	simm.s32 $0x0;
	[dreg:$0xb] =	wrdreg s3  }
.LBB2_12:
0x18: {  	s0 =	rddreg [dreg:$0x6]  }
0x19: {  	[tilespmem:s16], [sflag:$0x3] =	stream.linear.gather [hbm4b:s0+s5], $0x4000, $0x38;
	[tilespmem:$0x1D000] =	vst v63  }
0x1a: {  	_ =	swait.ge [sflag:s14], $0x4000  }
0x1b: {  	[sflag:s14] =	ssyncset.done $0x0  }
0x1c: {  	s12 =	simm.s32 $0x800;
	[sflag:s14] =	ssyncadd.s32 $0xFFFFC000  }
0x1d: {  	[spmem:s4] =	stream.indirect.scatter.add.f32 [tilespmem:s16], [sflag:$0x3], $0x80, s12, s29, $0xb8;
	[tilespmem:$0x1D000] =	vst v63  }
0x1e: {  	_ =	swait.ge [sflag:s14], $0x4000  }
0x1f: {  	[sflag:s14] =	ssyncset.done $0x0  }
0x20: {  	[sflag:s14] =	ssyncadd.s32 $0xFFFFC000  }
0x21: {  	[bflag:$0x0] =	sbarrier.arrive $0xFFFF  }
0x22: {  	[bflag:$0x0] =	sbarrier.arrive $0xFFFF  }
0x23: {  	s3 =	rddreg [dreg:$0x9]  }
0x24: {  	s11 =	rddreg [dreg:$0xb]  }
0x25: {  	s31 =	simm.s32 $0x100;
	s0 =	simm.s32 $0x8;
	s12 =	rddreg [dreg:$0x7]  }
0x26: {  	[hbm:s3@s31], [sflag:s12] =	dma.strided [spmem:s11@s29], $0x2800, s0, $0x10   }
0x27: {  	s31 =	rddreg [dreg:$0x6];
	_ =	swait.ge [sflag:s14], $0x2800  }
0x28: {  	s3 =	rddreg [dreg:$0xc]  }
0x29: {  	s0 =	sadd.s32 $0x1, s3;
	s3 =	rddreg [dreg:$0xa]  }
0x2a: {  	p1 =	sne.s32 s0, s3  }
.Ltmp1:
0x2b: {  	_ = 	snop;
	(pc) =	sbr.rel @!p1 .LBB2_13-.Ltmp1, $3  }
0x2c: {  	_ =	sdelay $0x1  }
0x2d: {  	s12 =	simm.s32 $0x8780;
	[sflag:s14] =	ssyncset.done $0x0  }
0x2e: {  	s11 =	simm.s32 $0x8700;
	[sflag:s14] =	ssyncadd.s32 $0xFFFFD800;
	s3 =	rddreg [dreg:$0xb]  }
.LBB2_1:
0x2f: {  	[dreg:$0xc] =	wrdreg s0  }
0x30: {  	s0 =	rddreg [dreg:$0x7]  }
0x31: {  	[spmem:s3], [sflag:s0] =	dma.local [hbm:s31], $0x2800  }
.Ltmp2:
0x32: {  	_ =	swait.ge [sflag:s14], $0x2800;
	(pc) =	sbr.rel @p0 .LBB2_7-.Ltmp2, $4  }
.Ltmp3:
0x33: {  	[sflag:s14] =	ssyncset.done $0x0;
	(pc) =	sbr.rel @!p0 .LBB2_2-.Ltmp3, $4  }
0x34: {  	[sflag:s14] =	ssyncadd.s32 $0xFFFFD800  }
0x35: {  	[bflag:$0x0] =	sbarrier.arrive $0xFFFF  }
0x36: {  	s0 =	simm.s32 $0x0;
	s3 =	simm.s32 $0x0  }
0x37: {  	_ = 	snop  }
.LBB2_11:
0x38: {  	s3 =	rddreg [dreg:$0xe]  }
0x39: {  	s3 =	sadd.s32 $0x1, s3  }
0x3a: {  	p1 =	sne.s32 s3, $0x5  }
.Ltmp4:
0x3b: {  	_ = 	snop;
	(pc) =	sbr.rel @!p1 .LBB2_12-.Ltmp4, $1  }
0x3c: {  	_ =	sdelay $0x3  }
.LBB2_7:
0x3d: {  	[dreg:$0xe] =	wrdreg s3  }
0x3e: {  	s0 =	sshll.u32 s3, $0xB;
	s3 =	rddreg [dreg:$0x8]  }
0x3f: {  	s0 =	sadd.s32 s3, s0  }
0x40: {  	s3 =	rddreg [dreg:$0x1];
	s0 =	sshrl.u32 s0, $0x3  }
0x41: {  	s31 =	simm.s32 $0x0;
	s3 =	sadd.s32 s3, s0  }
0x42: {  	[tilespmem:s31], [sflag:$0x3] =	stream.linear.gather [hbm4b:s3+s31], $0x800, $0x38;
	[tilespmem:$0x1D000] =	vst v63  }
0x43: {  	_ =	swait.ge [sflag:s14], $0x800  }
0x44: {  	[sflag:s14] =	ssyncset.done $0x0;
	s3 =	rddreg [dreg:$0x5]  }
0x45: {  	[sflag:s14] =	ssyncadd.s32 $0xFFFFF800;
	s0 =	sadd.s32 s3, s0;
	s3 =	simm.s32 $0x800  }
0x46: {  	[tilespmem:s3], [sflag:$0x3] =	stream.linear.gather [hbm4b:s0+s31], $0x800, $0x38;
	[tilespmem:$0x1D000] =	vst v63  }
0x47: {  	_ =	swait.ge [sflag:s14], $0x800  }
0x48: {  	[sflag:s14] =	ssyncset.done $0x0  }
0x49: {  	[sflag:s14] =	ssyncadd.s32 $0xFFFFF800  }
0x4a: {  	v17 =	vld [tilespmem:$0x0];
	_ =	sdelay $0x4  }
0x4b: {  	v18 =	vshll.u32 v17, $0x1  }
0x4c: {  	v17 =	vand.u32 $0x7, v17;
	v18 =	vand.u32 $0xFFFFFFF0, v18  }
0x4d: {  	v17 =	vor.u32 v17, v18  }
0x4e: {  	v18 =	vperm.xlane v17, v2;
	_ =	sdelay $0x1  }
0x4f: {  	v19 =	vperm.xlane v17, v1;
	v18 =	vadd.s32 v3, v18;
	_ =	sdelay $0x1  }
0x50: {  	v20 =	vperm.xlane v17, v4;
	v19 =	vadd.s32 v3, v19;
	_ =	sdelay $0x1  }
0x51: {  	v21 =	vperm.xlane v17, v5;
	v20 =	vadd.s32 v3, v20  }
0x52: {  	[tilespmem:s16], [sflag:$0x1] =	stream.indirect_vreg.gather [hbm4b:s10+s31], $0x80, v18, vm0, $0xb8;
	[tilespmem:$0x1D000] =	vst v63  }
0x53: {  	s3 =	simm.s32 $0x1080;
	v50 =	vperm.xlane v17, v6;
	v18 =	vadd.s32 v3, v21  }
0x54: {  	[tilespmem:s3], [sflag:$0x1] =	stream.indirect_vreg.gather [hbm4b:s10+s31], $0x80, v19, vm0, $0xb8;
	[tilespmem:$0x1D000] =	vst v63  }
0x55: {  	v51 =	vperm.xlane v17, v7;
	v19 =	vadd.s32 v3, v50;
	s3 =	simm.s32 $0x1100  }
0x56: {  	[tilespmem:s3], [sflag:$0x1] =	stream.indirect_vreg.gather [hbm4b:s10+s31], $0x80, v20, vm0, $0xb8;
	[tilespmem:$0x1D000] =	vst v63  }
0x57: {  	v53 =	vperm.xlane v17, v8;
	v52 =	vadd.s32 v3, v51;
	s3 =	simm.s32 $0x1180  }
0x58: {  	[tilespmem:s3], [sflag:$0x1] =	stream.indirect_vreg.gather [hbm4b:s10+s31], $0x80, v18, vm0, $0xb8;
	[tilespmem:$0x1D000] =	vst v63  }
0x59: {  	v54 =	vperm.xlane v17, v0;
	v18 =	vadd.s32 v3, v53;
	s3 =	simm.s32 $0x1200  }
0x5a: {  	[tilespmem:s3], [sflag:$0x1] =	stream.indirect_vreg.gather [hbm4b:s10+s31], $0x80, v19, vm0, $0xb8;
	[tilespmem:$0x1D000] =	vst v63  }
0x5b: {  	v55 =	vperm.xlane v17, v9;
	v19 =	vadd.s32 v3, v54;
	s3 =	simm.s32 $0x1280  }
0x5c: {  	[tilespmem:s3], [sflag:$0x1] =	stream.indirect_vreg.gather [hbm4b:s10+s31], $0x80, v52, vm0, $0xb8;
	[tilespmem:$0x1D000] =	vst v63  }
0x5d: {  	v57 =	vperm.xlane v17, v10;
	v56 =	vadd.s32 v3, v55;
	s3 =	simm.s32 $0x1300  }
0x5e: {  	[tilespmem:s3], [sflag:$0x1] =	stream.indirect_vreg.gather [hbm4b:s10+s31], $0x80, v18, vm0, $0xb8;
	[tilespmem:$0x1D000] =	vst v63  }
0x5f: {  	v58 =	vperm.xlane v17, v11;
	v18 =	vadd.s32 v3, v57;
	s3 =	simm.s32 $0x1380  }
0x60: {  	[tilespmem:s3], [sflag:$0x1] =	stream.indirect_vreg.gather [hbm4b:s10+s31], $0x80, v19, vm0, $0xb8;
	[tilespmem:$0x1D000] =	vst v63  }
0x61: {  	v59 =	vperm.xlane v17, v12;
	v19 =	vadd.s32 v3, v58;
	s3 =	simm.s32 $0x1400  }
0x62: {  	[tilespmem:s3], [sflag:$0x1] =	stream.indirect_vreg.gather [hbm4b:s10+s31], $0x80, v56, vm0, $0xb8;
	[tilespmem:$0x1D000] =	vst v63  }
0x63: {  	v61 =	vperm.xlane v17, v13;
	v60 =	vadd.s32 v3, v59;
	s3 =	simm.s32 $0x1480  }
0x64: {  	[tilespmem:s3], [sflag:$0x1] =	stream.indirect_vreg.gather [hbm4b:s10+s31], $0x80, v18, vm0, $0xb8;
	[tilespmem:$0x1D000] =	vst v63  }
0x65: {  	v62 =	vperm.xlane v17, v14;
	v18 =	vadd.s32 v3, v61;
	s3 =	simm.s32 $0x1500  }
0x66: {  	[tilespmem:s3], [sflag:$0x1] =	stream.indirect_vreg.gather [hbm4b:s10+s31], $0x80, v19, vm0, $0xb8;
	[tilespmem:$0x1D000] =	vst v63  }
0x67: {  	v63 =	vperm.xlane v17, v15;
	v19 =	vadd.s32 v3, v62;
	s3 =	simm.s32 $0x1580  }
0x68: {  	[tilespmem:s3], [sflag:$0x1] =	stream.indirect_vreg.gather [hbm4b:s10+s31], $0x80, v60, vm0, $0xb8;
	[tilespmem:$0x1D000] =	vst v63  }
0x69: {  	v17 =	vperm.xlane v17, v16;
	v24 =	vadd.s32 v3, v63;
	s3 =	simm.s32 $0x1600  }
0x6a: {  	[tilespmem:s3], [sflag:$0x1] =	stream.indirect_vreg.gather [hbm4b:s10+s31], $0x80, v18, vm0, $0xb8;
	[tilespmem:$0x1D000] =	vst v63  }
0x6b: {  	v17 =	vadd.s32 v3, v17;
	s3 =	simm.s32 $0x1680  }
0x6c: {  	[tilespmem:s3], [sflag:$0x1] =	stream.indirect_vreg.gather [hbm4b:s10+s31], $0x80, v19, vm0, $0xb8;
	[tilespmem:$0x1D000] =	vst v63  }
0x6d: {  	s3 =	simm.s32 $0x1700  }
0x6e: {  	[tilespmem:s3], [sflag:$0x1] =	stream.indirect_vreg.gather [hbm4b:s10+s31], $0x80, v24, vm0, $0xb8;
	[tilespmem:$0x1D000] =	vst v63  }
0x6f: {  	s3 =	simm.s32 $0x1780  }
0x70: {  	[tilespmem:s3], [sflag:$0x1] =	stream.indirect_vreg.gather [hbm4b:s10+s31], $0x80, v17, vm0, $0xb8;
	[tilespmem:$0x1D000] =	vst v63  }
0x71: {  	v17 =	vld [tilespmem:$0x10];
	_ =	sdelay $0x4  }
0x72: {  	v18 =	vshll.u32 v17, $0x1  }
0x73: {  	v17 =	vand.u32 $0x7, v17;
	v18 =	vand.u32 $0xFFFFFFF0, v18  }
0x74: {  	v17 =	vor.u32 v17, v18  }
0x75: {  	v18 =	vperm.xlane v17, v2;
	_ =	sdelay $0x1  }
0x76: {  	v19 =	vperm.xlane v17, v1;
	v18 =	vadd.s32 v3, v18;
	_ =	sdelay $0x1  }
0x77: {  	v25 =	vperm.xlane v17, v4;
	v19 =	vadd.s32 v3, v19;
	_ =	sdelay $0x1  }
0x78: {  	s3 =	simm.s32 $0x1800;
	v26 =	vperm.xlane v17, v5;
	v20 =	vadd.s32 v3, v25  }
0x79: {  	[tilespmem:s3], [sflag:$0x1] =	stream.indirect_vreg.gather [hbm4b:s10+s31], $0x80, v18, vm0, $0xb8;
	[tilespmem:$0x1D000] =	vst v63  }
0x7a: {  	v27 =	vperm.xlane v17, v6;
	v18 =	vadd.s32 v3, v26;
	s3 =	simm.s32 $0x1880  }
0x7b: {  	[tilespmem:s3], [sflag:$0x1] =	stream.indirect_vreg.gather [hbm4b:s10+s31], $0x80, v19, vm0, $0xb8;
	[tilespmem:$0x1D000] =	vst v63  }
0x7c: {  	v28 =	vperm.xlane v17, v7;
	v19 =	vadd.s32 v3, v27;
	s3 =	simm.s32 $0x1900  }
0x7d: {  	[tilespmem:s3], [sflag:$0x1] =	stream.indirect_vreg.gather [hbm4b:s10+s31], $0x80, v20, vm0, $0xb8;
	[tilespmem:$0x1D000] =	vst v63  }
0x7e: {  	v30 =	vperm.xlane v17, v8;
	v29 =	vadd.s32 v3, v28;
	s3 =	simm.s32 $0x1980  }
0x7f: {  	[tilespmem:s3], [sflag:$0x1] =	stream.indirect_vreg.gather [hbm4b:s10+s31], $0x80, v18, vm0, $0xb8;
	[tilespmem:$0x1D000] =	vst v63  }
0x80: {  	v31 =	vperm.xlane v17, v0;
	v18 =	vadd.s32 v3, v30;
	s3 =	simm.s32 $0x1A00  }
0x81: {  	[tilespmem:s3], [sflag:$0x1] =	stream.indirect_vreg.gather [hbm4b:s10+s31], $0x80, v19, vm0, $0xb8;
	[tilespmem:$0x1D000] =	vst v63  }
0x82: {  	v32 =	vperm.xlane v17, v9;
	v19 =	vadd.s32 v3, v31;
	s3 =	simm.s32 $0x1A80  }
0x83: {  	[tilespmem:s3], [sflag:$0x1] =	stream.indirect_vreg.gather [hbm4b:s10+s31], $0x80, v29, vm0, $0xb8;
	[tilespmem:$0x1D000] =	vst v63  }
0x84: {  	v34 =	vperm.xlane v17, v10;
	v33 =	vadd.s32 v3, v32;
	s3 =	simm.s32 $0x1B00  }
0x85: {  	[tilespmem:s3], [sflag:$0x1] =	stream.indirect_vreg.gather [hbm4b:s10+s31], $0x80, v18, vm0, $0xb8;
	[tilespmem:$0x1D000] =	vst v63  }
0x86: {  	v35 =	vperm.xlane v17, v11;
	v18 =	vadd.s32 v3, v34;
	s3 =	simm.s32 $0x1B80  }
0x87: {  	[tilespmem:s3], [sflag:$0x1] =	stream.indirect_vreg.gather [hbm4b:s10+s31], $0x80, v19, vm0, $0xb8;
	[tilespmem:$0x1D000] =	vst v63  }
0x88: {  	v36 =	vperm.xlane v17, v12;
	v19 =	vadd.s32 v3, v35;
	s3 =	simm.s32 $0x1C00  }
0x89: {  	[tilespmem:s3], [sflag:$0x1] =	stream.indirect_vreg.gather [hbm4b:s10+s31], $0x80, v33, vm0, $0xb8;
	[tilespmem:$0x1D000] =	vst v63  }
0x8a: {  	v38 =	vperm.xlane v17, v13;
	v37 =	vadd.s32 v3, v36;
	s3 =	simm.s32 $0x1C80  }
0x8b: {  	[tilespmem:s3], [sflag:$0x1] =	stream.indirect_vreg.gather [hbm4b:s10+s31], $0x80, v18, vm0, $0xb8;
	[tilespmem:$0x1D000] =	vst v63  }
0x8c: {  	v39 =	vperm.xlane v17, v14;
	v18 =	vadd.s32 v3, v38;
	s3 =	simm.s32 $0x1D00  }
0x8d: {  	[tilespmem:s3], [sflag:$0x1] =	stream.indirect_vreg.gather [hbm4b:s10+s31], $0x80, v19, vm0, $0xb8;
	[tilespmem:$0x1D000] =	vst v63  }
0x8e: {  	v40 =	vperm.xlane v17, v15;
	v19 =	vadd.s32 v3, v39;
	s3 =	simm.s32 $0x1D80  }
0x8f: {  	[tilespmem:s3], [sflag:$0x1] =	stream.indirect_vreg.gather [hbm4b:s10+s31], $0x80, v37, vm0, $0xb8;
	[tilespmem:$0x1D000] =	vst v63  }
0x90: {  	v17 =	vperm.xlane v17, v16;
	v41 =	vadd.s32 v3, v40;
	s3 =	simm.s32 $0x1E00  }
0x91: {  	[tilespmem:s3], [sflag:$0x1] =	stream.indirect_vreg.gather [hbm4b:s10+s31], $0x80, v18, vm0, $0xb8;
	[tilespmem:$0x1D000] =	vst v63  }
0x92: {  	v17 =	vadd.s32 v3, v17;
	s3 =	simm.s32 $0x1E80  }
0x93: {  	[tilespmem:s3], [sflag:$0x1] =	stream.indirect_vreg.gather [hbm4b:s10+s31], $0x80, v19, vm0, $0xb8;
	[tilespmem:$0x1D000] =	vst v63  }
0x94: {  	s3 =	simm.s32 $0x1F00  }
0x95: {  	[tilespmem:s3], [sflag:$0x1] =	stream.indirect_vreg.gather [hbm4b:s10+s31], $0x80, v41, vm0, $0xb8;
	[tilespmem:$0x1D000] =	vst v63  }
0x96: {  	s3 =	simm.s32 $0x1F80  }
0x97: {  	[tilespmem:s3], [sflag:$0x1] =	stream.indirect_vreg.gather [hbm4b:s10+s31], $0x80, v17, vm0, $0xb8;
	[tilespmem:$0x1D000] =	vst v63  }
0x98: {  	v17 =	vld [tilespmem:$0x20];
	_ =	sdelay $0x4  }
0x99: {  	v18 =	vshll.u32 v17, $0x1  }
0x9a: {  	v17 =	vand.u32 $0x7, v17;
	v18 =	vand.u32 $0xFFFFFFF0, v18  }
0x9b: {  	v17 =	vor.u32 v17, v18  }
0x9c: {  	v18 =	vperm.xlane v17, v2;
	_ =	sdelay $0x1  }
0x9d: {  	v19 =	vperm.xlane v17, v1;
	v18 =	vadd.s32 v3, v18;
	_ =	sdelay $0x1  }
0x9e: {  	v42 =	vperm.xlane v17, v4;
	v19 =	vadd.s32 v3, v19;
	_ =	sdelay $0x1  }
0x9f: {  	s3 =	simm.s32 $0x2000;
	v43 =	vperm.xlane v17, v5;
	v20 =	vadd.s32 v3, v42  }
0xa0: {  	[tilespmem:s3], [sflag:$0x1] =	stream.indirect_vreg.gather [hbm4b:s10+s31], $0x80, v18, vm0, $0xb8;
	[tilespmem:$0x1D000] =	vst v63  }
0xa1: {  	v44 =	vperm.xlane v17, v6;
	v18 =	vadd.s32 v3, v43;
	s3 =	simm.s32 $0x2080  }
0xa2: {  	[tilespmem:s3], [sflag:$0x1] =	stream.indirect_vreg.gather [hbm4b:s10+s31], $0x80, v19, vm0, $0xb8;
	[tilespmem:$0x1D000] =	vst v63  }
0xa3: {  	v45 =	vperm.xlane v17, v7;
	v19 =	vadd.s32 v3, v44;
	s3 =	simm.s32 $0x2100  }
0xa4: {  	[tilespmem:s3], [sflag:$0x1] =	stream.indirect_vreg.gather [hbm4b:s10+s31], $0x80, v20, vm0, $0xb8;
	[tilespmem:$0x1D000] =	vst v63  }
0xa5: {  	v47 =	vperm.xlane v17, v8;
	v46 =	vadd.s32 v3, v45;
	s3 =	simm.s32 $0x2180  }
0xa6: {  	[tilespmem:s3], [sflag:$0x1] =	stream.indirect_vreg.gather [hbm4b:s10+s31], $0x80, v18, vm0, $0xb8;
	[tilespmem:$0x1D000] =	vst v63  }
0xa7: {  	v48 =	vperm.xlane v17, v0;
	v18 =	vadd.s32 v3, v47;
	s3 =	simm.s32 $0x2200  }
0xa8: {  	[tilespmem:s3], [sflag:$0x1] =	stream.indirect_vreg.gather [hbm4b:s10+s31], $0x80, v19, vm0, $0xb8;
	[tilespmem:$0x1D000] =	vst v63  }
0xa9: {  	v49 =	vperm.xlane v17, v9;
	v19 =	vadd.s32 v3, v48;
	s3 =	simm.s32 $0x2280  }
0xaa: {  	[tilespmem:s3], [sflag:$0x1] =	stream.indirect_vreg.gather [hbm4b:s10+s31], $0x80, v46, vm0, $0xb8;
	[tilespmem:$0x1D000] =	vst v63  }
0xab: {  	v51 =	vperm.xlane v17, v10;
	v50 =	vadd.s32 v3, v49;
	s3 =	simm.s32 $0x2300  }
0xac: {  	[tilespmem:s3], [sflag:$0x1] =	stream.indirect_vreg.gather [hbm4b:s10+s31], $0x80, v18, vm0, $0xb8;
	[tilespmem:$0x1D000] =	vst v63  }
0xad: {  	v52 =	vperm.xlane v17, v11;
	v18 =	vadd.s32 v3, v51;
	s3 =	simm.s32 $0x2380  }
0xae: {  	[tilespmem:s3], [sflag:$0x1] =	stream.indirect_vreg.gather [hbm4b:s10+s31], $0x80, v19, vm0, $0xb8;
	[tilespmem:$0x1D000] =	vst v63  }
0xaf: {  	v53 =	vperm.xlane v17, v12;
	v19 =	vadd.s32 v3, v52;
	s3 =	simm.s32 $0x2400  }
0xb0: {  	[tilespmem:s3], [sflag:$0x1] =	stream.indirect_vreg.gather [hbm4b:s10+s31], $0x80, v50, vm0, $0xb8;
	[tilespmem:$0x1D000] =	vst v63  }
0xb1: {  	v55 =	vperm.xlane v17, v13;
	v54 =	vadd.s32 v3, v53;
	s3 =	simm.s32 $0x2480  }
0xb2: {  	[tilespmem:s3], [sflag:$0x1] =	stream.indirect_vreg.gather [hbm4b:s10+s31], $0x80, v18, vm0, $0xb8;
	[tilespmem:$0x1D000] =	vst v63  }
0xb3: {  	v56 =	vperm.xlane v17, v14;
	v18 =	vadd.s32 v3, v55;
	s3 =	simm.s32 $0x2500  }
0xb4: {  	[tilespmem:s3], [sflag:$0x1] =	stream.indirect_vreg.gather [hbm4b:s10+s31], $0x80, v19, vm0, $0xb8;
	[tilespmem:$0x1D000] =	vst v63  }
0xb5: {  	v57 =	vperm.xlane v17, v15;
	v19 =	vadd.s32 v3, v56;
	s3 =	simm.s32 $0x2580  }
0xb6: {  	[tilespmem:s3], [sflag:$0x1] =	stream.indirect_vreg.gather [hbm4b:s10+s31], $0x80, v54, vm0, $0xb8;
	[tilespmem:$0x1D000] =	vst v63  }
0xb7: {  	v17 =	vperm.xlane v17, v16;
	v58 =	vadd.s32 v3, v57;
	s3 =	simm.s32 $0x2600  }
0xb8: {  	[tilespmem:s3], [sflag:$0x1] =	stream.indirect_vreg.gather [hbm4b:s10+s31], $0x80, v18, vm0, $0xb8;
	[tilespmem:$0x1D000] =	vst v63  }
0xb9: {  	v17 =	vadd.s32 v3, v17;
	s3 =	simm.s32 $0x2680  }
0xba: {  	[tilespmem:s3], [sflag:$0x1] =	stream.indirect_vreg.gather [hbm4b:s10+s31], $0x80, v19, vm0, $0xb8;
	[tilespmem:$0x1D000] =	vst v63  }
0xbb: {  	s3 =	simm.s32 $0x2700  }
0xbc: {  	[tilespmem:s3], [sflag:$0x1] =	stream.indirect_vreg.gather [hbm4b:s10+s31], $0x80, v58, vm0, $0xb8;
	[tilespmem:$0x1D000] =	vst v63  }
0xbd: {  	s3 =	simm.s32 $0x2780  }
0xbe: {  	[tilespmem:s3], [sflag:$0x1] =	stream.indirect_vreg.gather [hbm4b:s10+s31], $0x80, v17, vm0, $0xb8;
	[tilespmem:$0x1D000] =	vst v63  }
0xbf: {  	v17 =	vld [tilespmem:$0x30];
	_ =	sdelay $0x4  }
0xc0: {  	v18 =	vshll.u32 v17, $0x1  }
0xc1: {  	v17 =	vand.u32 $0x7, v17;
	v18 =	vand.u32 $0xFFFFFFF0, v18  }
0xc2: {  	v17 =	vor.u32 v17, v18  }
0xc3: {  	v18 =	vperm.xlane v17, v2;
	_ =	sdelay $0x1  }
0xc4: {  	v19 =	vperm.xlane v17, v1;
	v18 =	vadd.s32 v3, v18;
	_ =	sdelay $0x1  }
0xc5: {  	v59 =	vperm.xlane v17, v4;
	v19 =	vadd.s32 v3, v19;
	_ =	sdelay $0x1  }
0xc6: {  	s3 =	simm.s32 $0x2800;
	v60 =	vperm.xlane v17, v5;
	v20 =	vadd.s32 v3, v59  }
0xc7: {  	[tilespmem:s3], [sflag:$0x1] =	stream.indirect_vreg.gather [hbm4b:s10+s31], $0x80, v18, vm0, $0xb8;
	[tilespmem:$0x1D000] =	vst v63  }
0xc8: {  	v61 =	vperm.xlane v17, v6;
	v18 =	vadd.s32 v3, v60;
	s3 =	simm.s32 $0x2880  }
0xc9: {  	[tilespmem:s3], [sflag:$0x1] =	stream.indirect_vreg.gather [hbm4b:s10+s31], $0x80, v19, vm0, $0xb8;
	[tilespmem:$0x1D000] =	vst v63  }
0xca: {  	v62 =	vperm.xlane v17, v7;
	v19 =	vadd.s32 v3, v61;
	s3 =	simm.s32 $0x2900  }
0xcb: {  	[tilespmem:s3], [sflag:$0x1] =	stream.indirect_vreg.gather [hbm4b:s10+s31], $0x80, v20, vm0, $0xb8;
	[tilespmem:$0x1D000] =	vst v63  }
0xcc: {  	v24 =	vperm.xlane v17, v8;
	v63 =	vadd.s32 v3, v62;
	s3 =	simm.s32 $0x2980  }
0xcd: {  	[tilespmem:s3], [sflag:$0x1] =	stream.indirect_vreg.gather [hbm4b:s10+s31], $0x80, v18, vm0, $0xb8;
	[tilespmem:$0x1D000] =	vst v63  }
0xce: {  	v25 =	vperm.xlane v17, v0;
	v18 =	vadd.s32 v3, v24;
	s3 =	simm.s32 $0x2A00  }
0xcf: {  	[tilespmem:s3], [sflag:$0x1] =	stream.indirect_vreg.gather [hbm4b:s10+s31], $0x80, v19, vm0, $0xb8;
	[tilespmem:$0x1D000] =	vst v63  }
0xd0: {  	v26 =	vperm.xlane v17, v9;
	v19 =	vadd.s32 v3, v25;
	s3 =	simm.s32 $0x2A80  }
0xd1: {  	[tilespmem:s3], [sflag:$0x1] =	stream.indirect_vreg.gather [hbm4b:s10+s31], $0x80, v63, vm0, $0xb8;
	[tilespmem:$0x1D000] =	vst v63  }
0xd2: {  	v28 =	vperm.xlane v17, v10;
	v27 =	vadd.s32 v3, v26;
	s3 =	simm.s32 $0x2B00  }
0xd3: {  	[tilespmem:s3], [sflag:$0x1] =	stream.indirect_vreg.gather [hbm4b:s10+s31], $0x80, v18, vm0, $0xb8;
	[tilespmem:$0x1D000] =	vst v63  }
0xd4: {  	v29 =	vperm.xlane v17, v11;
	v18 =	vadd.s32 v3, v28;
	s3 =	simm.s32 $0x2B80  }
0xd5: {  	[tilespmem:s3], [sflag:$0x1] =	stream.indirect_vreg.gather [hbm4b:s10+s31], $0x80, v19, vm0, $0xb8;
	[tilespmem:$0x1D000] =	vst v63  }
0xd6: {  	v30 =	vperm.xlane v17, v12;
	v19 =	vadd.s32 v3, v29;
	s3 =	simm.s32 $0x2C00  }
0xd7: {  	[tilespmem:s3], [sflag:$0x1] =	stream.indirect_vreg.gather [hbm4b:s10+s31], $0x80, v27, vm0, $0xb8;
	[tilespmem:$0x1D000] =	vst v63  }
0xd8: {  	v32 =	vperm.xlane v17, v13;
	v31 =	vadd.s32 v3, v30;
	s3 =	simm.s32 $0x2C80  }
0xd9: {  	[tilespmem:s3], [sflag:$0x1] =	stream.indirect_vreg.gather [hbm4b:s10+s31], $0x80, v18, vm0, $0xb8;
	[tilespmem:$0x1D000] =	vst v63  }
0xda: {  	v33 =	vperm.xlane v17, v14;
	v18 =	vadd.s32 v3, v32;
	s3 =	simm.s32 $0x2D00  }
0xdb: {  	[tilespmem:s3], [sflag:$0x1] =	stream.indirect_vreg.gather [hbm4b:s10+s31], $0x80, v19, vm0, $0xb8;
	[tilespmem:$0x1D000] =	vst v63  }
0xdc: {  	v34 =	vperm.xlane v17, v15;
	v19 =	vadd.s32 v3, v33;
	s3 =	simm.s32 $0x2D80  }
0xdd: {  	[tilespmem:s3], [sflag:$0x1] =	stream.indirect_vreg.gather [hbm4b:s10+s31], $0x80, v31, vm0, $0xb8;
	[tilespmem:$0x1D000] =	vst v63  }
0xde: {  	v17 =	vperm.xlane v17, v16;
	v35 =	vadd.s32 v3, v34;
	s3 =	simm.s32 $0x2E00  }
0xdf: {  	[tilespmem:s3], [sflag:$0x1] =	stream.indirect_vreg.gather [hbm4b:s10+s31], $0x80, v18, vm0, $0xb8;
	[tilespmem:$0x1D000] =	vst v63  }
0xe0: {  	v17 =	vadd.s32 v3, v17;
	s3 =	simm.s32 $0x2E80  }
0xe1: {  	[tilespmem:s3], [sflag:$0x1] =	stream.indirect_vreg.gather [hbm4b:s10+s31], $0x80, v19, vm0, $0xb8;
	[tilespmem:$0x1D000] =	vst v63  }
0xe2: {  	s3 =	simm.s32 $0x2F00  }
0xe3: {  	[tilespmem:s3], [sflag:$0x1] =	stream.indirect_vreg.gather [hbm4b:s10+s31], $0x80, v35, vm0, $0xb8;
	[tilespmem:$0x1D000] =	vst v63  }
0xe4: {  	s3 =	simm.s32 $0x2F80  }
0xe5: {  	[tilespmem:s3], [sflag:$0x1] =	stream.indirect_vreg.gather [hbm4b:s10+s31], $0x80, v17, vm0, $0xb8;
	[tilespmem:$0x1D000] =	vst v63  }
0xe6: {  	v17 =	vld [tilespmem:$0x40];
	_ =	sdelay $0x4  }
0xe7: {  	v18 =	vshll.u32 v17, $0x1  }
0xe8: {  	v17 =	vand.u32 $0x7, v17;
	v18 =	vand.u32 $0xFFFFFFF0, v18  }
0xe9: {  	v17 =	vor.u32 v17, v18  }
0xea: {  	v18 =	vperm.xlane v17, v2;
	_ =	sdelay $0x1  }
0xeb: {  	v19 =	vperm.xlane v17, v1;
	v18 =	vadd.s32 v3, v18;
	_ =	sdelay $0x1  }
0xec: {  	v36 =	vperm.xlane v17, v4;
	v19 =	vadd.s32 v3, v19;
	_ =	sdelay $0x1  }
0xed: {  	s3 =	simm.s32 $0x3000;
	v37 =	vperm.xlane v17, v5;
	v20 =	vadd.s32 v3, v36  }
0xee: {  	[tilespmem:s3], [sflag:$0x1] =	stream.indirect_vreg.gather [hbm4b:s10+s31], $0x80, v18, vm0, $0xb8;
	[tilespmem:$0x1D000] =	vst v63  }
0xef: {  	v38 =	vperm.xlane v17, v6;
	v18 =	vadd.s32 v3, v37;
	s3 =	simm.s32 $0x3080  }
0xf0: {  	[tilespmem:s3], [sflag:$0x1] =	stream.indirect_vreg.gather [hbm4b:s10+s31], $0x80, v19, vm0, $0xb8;
	[tilespmem:$0x1D000] =	vst v63  }
0xf1: {  	v39 =	vperm.xlane v17, v7;
	v19 =	vadd.s32 v3, v38;
	s3 =	simm.s32 $0x3100  }
0xf2: {  	[tilespmem:s3], [sflag:$0x1] =	stream.indirect_vreg.gather [hbm4b:s10+s31], $0x80, v20, vm0, $0xb8;
	[tilespmem:$0x1D000] =	vst v63  }
0xf3: {  	v41 =	vperm.xlane v17, v8;
	v40 =	vadd.s32 v3, v39;
	s3 =	simm.s32 $0x3180  }
0xf4: {  	[tilespmem:s3], [sflag:$0x1] =	stream.indirect_vreg.gather [hbm4b:s10+s31], $0x80, v18, vm0, $0xb8;
	[tilespmem:$0x1D000] =	vst v63  }
0xf5: {  	v42 =	vperm.xlane v17, v0;
	v18 =	vadd.s32 v3, v41;
	s3 =	simm.s32 $0x3200  }
0xf6: {  	[tilespmem:s3], [sflag:$0x1] =	stream.indirect_vreg.gather [hbm4b:s10+s31], $0x80, v19, vm0, $0xb8;
	[tilespmem:$0x1D000] =	vst v63  }
0xf7: {  	v43 =	vperm.xlane v17, v9;
	v19 =	vadd.s32 v3, v42;
	s3 =	simm.s32 $0x3280  }
0xf8: {  	[tilespmem:s3], [sflag:$0x1] =	stream.indirect_vreg.gather [hbm4b:s10+s31], $0x80, v40, vm0, $0xb8;
	[tilespmem:$0x1D000] =	vst v63  }
0xf9: {  	v45 =	vperm.xlane v17, v10;
	v44 =	vadd.s32 v3, v43;
	s3 =	simm.s32 $0x3300  }
0xfa: {  	[tilespmem:s3], [sflag:$0x1] =	stream.indirect_vreg.gather [hbm4b:s10+s31], $0x80, v18, vm0, $0xb8;
	[tilespmem:$0x1D000] =	vst v63  }
0xfb: {  	v46 =	vperm.xlane v17, v11;
	v18 =	vadd.s32 v3, v45;
	s3 =	simm.s32 $0x3380  }
0xfc: {  	[tilespmem:s3], [sflag:$0x1] =	stream.indirect_vreg.gather [hbm4b:s10+s31], $0x80, v19, vm0, $0xb8;
	[tilespmem:$0x1D000] =	vst v63  }
0xfd: {  	v47 =	vperm.xlane v17, v12;
	v19 =	vadd.s32 v3, v46;
	s3 =	simm.s32 $0x3400  }
0xfe: {  	[tilespmem:s3], [sflag:$0x1] =	stream.indirect_vreg.gather [hbm4b:s10+s31], $0x80, v44, vm0, $0xb8;
	[tilespmem:$0x1D000] =	vst v63  }
0xff: {  	v49 =	vperm.xlane v17, v13;
	v48 =	vadd.s32 v3, v47;
	s3 =	simm.s32 $0x3480  }
0x100: {  	[tilespmem:s3], [sflag:$0x1] =	stream.indirect_vreg.gather [hbm4b:s10+s31], $0x80, v18, vm0, $0xb8;
	[tilespmem:$0x1D000] =	vst v63  }
0x101: {  	v50 =	vperm.xlane v17, v14;
	v18 =	vadd.s32 v3, v49;
	s3 =	simm.s32 $0x3500  }
0x102: {  	[tilespmem:s3], [sflag:$0x1] =	stream.indirect_vreg.gather [hbm4b:s10+s31], $0x80, v19, vm0, $0xb8;
	[tilespmem:$0x1D000] =	vst v63  }
0x103: {  	v51 =	vperm.xlane v17, v15;
	v19 =	vadd.s32 v3, v50;
	s3 =	simm.s32 $0x3580  }
0x104: {  	[tilespmem:s3], [sflag:$0x1] =	stream.indirect_vreg.gather [hbm4b:s10+s31], $0x80, v48, vm0, $0xb8;
	[tilespmem:$0x1D000] =	vst v63  }
0x105: {  	v17 =	vperm.xlane v17, v16;
	v52 =	vadd.s32 v3, v51;
	s3 =	simm.s32 $0x3600  }
0x106: {  	[tilespmem:s3], [sflag:$0x1] =	stream.indirect_vreg.gather [hbm4b:s10+s31], $0x80, v18, vm0, $0xb8;
	[tilespmem:$0x1D000] =	vst v63  }
0x107: {  	v17 =	vadd.s32 v3, v17;
	s3 =	simm.s32 $0x3680  }
0x108: {  	[tilespmem:s3], [sflag:$0x1] =	stream.indirect_vreg.gather [hbm4b:s10+s31], $0x80, v19, vm0, $0xb8;
	[tilespmem:$0x1D000] =	vst v63  }
0x109: {  	s3 =	simm.s32 $0x3700  }
0x10a: {  	[tilespmem:s3], [sflag:$0x1] =	stream.indirect_vreg.gather [hbm4b:s10+s31], $0x80, v52, vm0, $0xb8;
	[tilespmem:$0x1D000] =	vst v63  }
0x10b: {  	s3 =	simm.s32 $0x3780  }
0x10c: {  	[tilespmem:s3], [sflag:$0x1] =	stream.indirect_vreg.gather [hbm4b:s10+s31], $0x80, v17, vm0, $0xb8;
	[tilespmem:$0x1D000] =	vst v63  }
0x10d: {  	v17 =	vld [tilespmem:$0x50];
	_ =	sdelay $0x4  }
0x10e: {  	v18 =	vshll.u32 v17, $0x1  }
0x10f: {  	v17 =	vand.u32 $0x7, v17;
	v18 =	vand.u32 $0xFFFFFFF0, v18  }
0x110: {  	v17 =	vor.u32 v17, v18  }
0x111: {  	v18 =	vperm.xlane v17, v2;
	_ =	sdelay $0x1  }
0x112: {  	v19 =	vperm.xlane v17, v1;
	v18 =	vadd.s32 v3, v18;
	_ =	sdelay $0x1  }
0x113: {  	v53 =	vperm.xlane v17, v4;
	v19 =	vadd.s32 v3, v19;
	_ =	sdelay $0x1  }
0x114: {  	s3 =	simm.s32 $0x3800;
	v54 =	vperm.xlane v17, v5;
	v20 =	vadd.s32 v3, v53  }
0x115: {  	[tilespmem:s3], [sflag:$0x1] =	stream.indirect_vreg.gather [hbm4b:s10+s31], $0x80, v18, vm0, $0xb8;
	[tilespmem:$0x1D000] =	vst v63  }
0x116: {  	v55 =	vperm.xlane v17, v6;
	v18 =	vadd.s32 v3, v54;
	s3 =	simm.s32 $0x3880  }
0x117: {  	[tilespmem:s3], [sflag:$0x1] =	stream.indirect_vreg.gather [hbm4b:s10+s31], $0x80, v19, vm0, $0xb8;
	[tilespmem:$0x1D000] =	vst v63  }
0x118: {  	v56 =	vperm.xlane v17, v7;
	v19 =	vadd.s32 v3, v55;
	s3 =	simm.s32 $0x3900  }
0x119: {  	[tilespmem:s3], [sflag:$0x1] =	stream.indirect_vreg.gather [hbm4b:s10+s31], $0x80, v20, vm0, $0xb8;
	[tilespmem:$0x1D000] =	vst v63  }
0x11a: {  	v58 =	vperm.xlane v17, v8;
	v57 =	vadd.s32 v3, v56;
	s3 =	simm.s32 $0x3980  }
0x11b: {  	[tilespmem:s3], [sflag:$0x1] =	stream.indirect_vreg.gather [hbm4b:s10+s31], $0x80, v18, vm0, $0xb8;
	[tilespmem:$0x1D000] =	vst v63  }
0x11c: {  	v59 =	vperm.xlane v17, v0;
	v18 =	vadd.s32 v3, v58;
	s3 =	simm.s32 $0x3A00  }
0x11d: {  	[tilespmem:s3], [sflag:$0x1] =	stream.indirect_vreg.gather [hbm4b:s10+s31], $0x80, v19, vm0, $0xb8;
	[tilespmem:$0x1D000] =	vst v63  }
0x11e: {  	v60 =	vperm.xlane v17, v9;
	v19 =	vadd.s32 v3, v59;
	s3 =	simm.s32 $0x3A80  }
0x11f: {  	[tilespmem:s3], [sflag:$0x1] =	stream.indirect_vreg.gather [hbm4b:s10+s31], $0x80, v57, vm0, $0xb8;
	[tilespmem:$0x1D000] =	vst v63  }
0x120: {  	v62 =	vperm.xlane v17, v10;
	v61 =	vadd.s32 v3, v60;
	s3 =	simm.s32 $0x3B00  }
0x121: {  	[tilespmem:s3], [sflag:$0x1] =	stream.indirect_vreg.gather [hbm4b:s10+s31], $0x80, v18, vm0, $0xb8;
	[tilespmem:$0x1D000] =	vst v63  }
0x122: {  	v63 =	vperm.xlane v17, v11;
	v18 =	vadd.s32 v3, v62;
	s3 =	simm.s32 $0x3B80  }
0x123: {  	[tilespmem:s3], [sflag:$0x1] =	stream.indirect_vreg.gather [hbm4b:s10+s31], $0x80, v19, vm0, $0xb8;
	[tilespmem:$0x1D000] =	vst v63  }
0x124: {  	v24 =	vperm.xlane v17, v12;
	v19 =	vadd.s32 v3, v63;
	s3 =	simm.s32 $0x3C00  }
0x125: {  	[tilespmem:s3], [sflag:$0x1] =	stream.indirect_vreg.gather [hbm4b:s10+s31], $0x80, v61, vm0, $0xb8;
	[tilespmem:$0x1D000] =	vst v63  }
0x126: {  	v26 =	vperm.xlane v17, v13;
	v25 =	vadd.s32 v3, v24;
	s3 =	simm.s32 $0x3C80  }
0x127: {  	[tilespmem:s3], [sflag:$0x1] =	stream.indirect_vreg.gather [hbm4b:s10+s31], $0x80, v18, vm0, $0xb8;
	[tilespmem:$0x1D000] =	vst v63  }
0x128: {  	v27 =	vperm.xlane v17, v14;
	v18 =	vadd.s32 v3, v26;
	s3 =	simm.s32 $0x3D00  }
0x129: {  	[tilespmem:s3], [sflag:$0x1] =	stream.indirect_vreg.gather [hbm4b:s10+s31], $0x80, v19, vm0, $0xb8;
	[tilespmem:$0x1D000] =	vst v63  }
0x12a: {  	v28 =	vperm.xlane v17, v15;
	v19 =	vadd.s32 v3, v27;
	s3 =	simm.s32 $0x3D80  }
0x12b: {  	[tilespmem:s3], [sflag:$0x1] =	stream.indirect_vreg.gather [hbm4b:s10+s31], $0x80, v25, vm0, $0xb8;
	[tilespmem:$0x1D000] =	vst v63  }
0x12c: {  	v17 =	vperm.xlane v17, v16;
	v29 =	vadd.s32 v3, v28;
	s3 =	simm.s32 $0x3E00  }
0x12d: {  	[tilespmem:s3], [sflag:$0x1] =	stream.indirect_vreg.gather [hbm4b:s10+s31], $0x80, v18, vm0, $0xb8;
	[tilespmem:$0x1D000] =	vst v63  }
0x12e: {  	v17 =	vadd.s32 v3, v17;
	s3 =	simm.s32 $0x3E80  }
0x12f: {  	[tilespmem:s3], [sflag:$0x1] =	stream.indirect_vreg.gather [hbm4b:s10+s31], $0x80, v19, vm0, $0xb8;
	[tilespmem:$0x1D000] =	vst v63  }
0x130: {  	s3 =	simm.s32 $0x3F00  }
0x131: {  	[tilespmem:s3], [sflag:$0x1] =	stream.indirect_vreg.gather [hbm4b:s10+s31], $0x80, v29, vm0, $0xb8;
	[tilespmem:$0x1D000] =	vst v63  }
0x132: {  	s3 =	simm.s32 $0x3F80  }
0x133: {  	[tilespmem:s3], [sflag:$0x1] =	stream.indirect_vreg.gather [hbm4b:s10+s31], $0x80, v17, vm0, $0xb8;
	[tilespmem:$0x1D000] =	vst v63  }
0x134: {  	v17 =	vld [tilespmem:$0x60];
	_ =	sdelay $0x4  }
0x135: {  	v18 =	vshll.u32 v17, $0x1  }
0x136: {  	v17 =	vand.u32 $0x7, v17;
	v18 =	vand.u32 $0xFFFFFFF0, v18  }
0x137: {  	v17 =	vor.u32 v17, v18  }
0x138: {  	v18 =	vperm.xlane v17, v2;
	_ =	sdelay $0x1  }
0x139: {  	v19 =	vperm.xlane v17, v1;
	v18 =	vadd.s32 v3, v18;
	_ =	sdelay $0x1  }
0x13a: {  	v30 =	vperm.xlane v17, v4;
	v19 =	vadd.s32 v3, v19;
	_ =	sdelay $0x1  }
0x13b: {  	s3 =	simm.s32 $0x4000;
	v31 =	vperm.xlane v17, v5;
	v20 =	vadd.s32 v3, v30  }
0x13c: {  	[tilespmem:s3], [sflag:$0x1] =	stream.indirect_vreg.gather [hbm4b:s10+s31], $0x80, v18, vm0, $0xb8;
	[tilespmem:$0x1D000] =	vst v63  }
0x13d: {  	v32 =	vperm.xlane v17, v6;
	v18 =	vadd.s32 v3, v31;
	s3 =	simm.s32 $0x4080  }
0x13e: {  	[tilespmem:s3], [sflag:$0x1] =	stream.indirect_vreg.gather [hbm4b:s10+s31], $0x80, v19, vm0, $0xb8;
	[tilespmem:$0x1D000] =	vst v63  }
0x13f: {  	v33 =	vperm.xlane v17, v7;
	v19 =	vadd.s32 v3, v32;
	s3 =	simm.s32 $0x4100  }
0x140: {  	[tilespmem:s3], [sflag:$0x1] =	stream.indirect_vreg.gather [hbm4b:s10+s31], $0x80, v20, vm0, $0xb8;
	[tilespmem:$0x1D000] =	vst v63  }
0x141: {  	v35 =	vperm.xlane v17, v8;
	v34 =	vadd.s32 v3, v33;
	s3 =	simm.s32 $0x4180  }
0x142: {  	[tilespmem:s3], [sflag:$0x1] =	stream.indirect_vreg.gather [hbm4b:s10+s31], $0x80, v18, vm0, $0xb8;
	[tilespmem:$0x1D000] =	vst v63  }
0x143: {  	v36 =	vperm.xlane v17, v0;
	v18 =	vadd.s32 v3, v35;
	s3 =	simm.s32 $0x4200  }
0x144: {  	[tilespmem:s3], [sflag:$0x1] =	stream.indirect_vreg.gather [hbm4b:s10+s31], $0x80, v19, vm0, $0xb8;
	[tilespmem:$0x1D000] =	vst v63  }
0x145: {  	v37 =	vperm.xlane v17, v9;
	v19 =	vadd.s32 v3, v36;
	s3 =	simm.s32 $0x4280  }
0x146: {  	[tilespmem:s3], [sflag:$0x1] =	stream.indirect_vreg.gather [hbm4b:s10+s31], $0x80, v34, vm0, $0xb8;
	[tilespmem:$0x1D000] =	vst v63  }
0x147: {  	v39 =	vperm.xlane v17, v10;
	v38 =	vadd.s32 v3, v37;
	s3 =	simm.s32 $0x4300  }
0x148: {  	[tilespmem:s3], [sflag:$0x1] =	stream.indirect_vreg.gather [hbm4b:s10+s31], $0x80, v18, vm0, $0xb8;
	[tilespmem:$0x1D000] =	vst v63  }
0x149: {  	v40 =	vperm.xlane v17, v11;
	v18 =	vadd.s32 v3, v39;
	s3 =	simm.s32 $0x4380  }
0x14a: {  	[tilespmem:s3], [sflag:$0x1] =	stream.indirect_vreg.gather [hbm4b:s10+s31], $0x80, v19, vm0, $0xb8;
	[tilespmem:$0x1D000] =	vst v63  }
0x14b: {  	v41 =	vperm.xlane v17, v12;
	v19 =	vadd.s32 v3, v40;
	s3 =	simm.s32 $0x4400  }
0x14c: {  	[tilespmem:s3], [sflag:$0x1] =	stream.indirect_vreg.gather [hbm4b:s10+s31], $0x80, v38, vm0, $0xb8;
	[tilespmem:$0x1D000] =	vst v63  }
0x14d: {  	v43 =	vperm.xlane v17, v13;
	v42 =	vadd.s32 v3, v41;
	s3 =	simm.s32 $0x4480  }
0x14e: {  	[tilespmem:s3], [sflag:$0x1] =	stream.indirect_vreg.gather [hbm4b:s10+s31], $0x80, v18, vm0, $0xb8;
	[tilespmem:$0x1D000] =	vst v63  }
0x14f: {  	v44 =	vperm.xlane v17, v14;
	v18 =	vadd.s32 v3, v43;
	s3 =	simm.s32 $0x4500  }
0x150: {  	[tilespmem:s3], [sflag:$0x1] =	stream.indirect_vreg.gather [hbm4b:s10+s31], $0x80, v19, vm0, $0xb8;
	[tilespmem:$0x1D000] =	vst v63  }
0x151: {  	v45 =	vperm.xlane v17, v15;
	v19 =	vadd.s32 v3, v44;
	s3 =	simm.s32 $0x4580  }
0x152: {  	[tilespmem:s3], [sflag:$0x1] =	stream.indirect_vreg.gather [hbm4b:s10+s31], $0x80, v42, vm0, $0xb8;
	[tilespmem:$0x1D000] =	vst v63  }
0x153: {  	v17 =	vperm.xlane v17, v16;
	v46 =	vadd.s32 v3, v45;
	s3 =	simm.s32 $0x4600  }
0x154: {  	[tilespmem:s3], [sflag:$0x1] =	stream.indirect_vreg.gather [hbm4b:s10+s31], $0x80, v18, vm0, $0xb8;
	[tilespmem:$0x1D000] =	vst v63  }
0x155: {  	v17 =	vadd.s32 v3, v17;
	s3 =	simm.s32 $0x4680  }
0x156: {  	[tilespmem:s3], [sflag:$0x1] =	stream.indirect_vreg.gather [hbm4b:s10+s31], $0x80, v19, vm0, $0xb8;
	[tilespmem:$0x1D000] =	vst v63  }
0x157: {  	s3 =	simm.s32 $0x4700  }
0x158: {  	[tilespmem:s3], [sflag:$0x1] =	stream.indirect_vreg.gather [hbm4b:s10+s31], $0x80, v46, vm0, $0xb8;
	[tilespmem:$0x1D000] =	vst v63  }
0x159: {  	s3 =	simm.s32 $0x4780  }
0x15a: {  	[tilespmem:s3], [sflag:$0x1] =	stream.indirect_vreg.gather [hbm4b:s10+s31], $0x80, v17, vm0, $0xb8;
	[tilespmem:$0x1D000] =	vst v63  }
0x15b: {  	v17 =	vld [tilespmem:$0x70];
	_ =	sdelay $0x4  }
0x15c: {  	v18 =	vshll.u32 v17, $0x1  }
0x15d: {  	v17 =	vand.u32 $0x7, v17;
	v18 =	vand.u32 $0xFFFFFFF0, v18  }
0x15e: {  	v17 =	vor.u32 v17, v18  }
0x15f: {  	v18 =	vperm.xlane v17, v2;
	_ =	sdelay $0x1  }
0x160: {  	v19 =	vperm.xlane v17, v1;
	v18 =	vadd.s32 v3, v18;
	_ =	sdelay $0x1  }
0x161: {  	v47 =	vperm.xlane v17, v4;
	v19 =	vadd.s32 v3, v19;
	_ =	sdelay $0x1  }
0x162: {  	s3 =	simm.s32 $0x4800;
	v48 =	vperm.xlane v17, v5;
	v20 =	vadd.s32 v3, v47  }
0x163: {  	[tilespmem:s3], [sflag:$0x1] =	stream.indirect_vreg.gather [hbm4b:s10+s31], $0x80, v18, vm0, $0xb8;
	[tilespmem:$0x1D000] =	vst v63  }
0x164: {  	v49 =	vperm.xlane v17, v6;
	v18 =	vadd.s32 v3, v48;
	s3 =	simm.s32 $0x4880  }
0x165: {  	[tilespmem:s3], [sflag:$0x1] =	stream.indirect_vreg.gather [hbm4b:s10+s31], $0x80, v19, vm0, $0xb8;
	[tilespmem:$0x1D000] =	vst v63  }
0x166: {  	v50 =	vperm.xlane v17, v7;
	v19 =	vadd.s32 v3, v49;
	s3 =	simm.s32 $0x4900  }
0x167: {  	[tilespmem:s3], [sflag:$0x1] =	stream.indirect_vreg.gather [hbm4b:s10+s31], $0x80, v20, vm0, $0xb8;
	[tilespmem:$0x1D000] =	vst v63  }
0x168: {  	v52 =	vperm.xlane v17, v8;
	v51 =	vadd.s32 v3, v50;
	s3 =	simm.s32 $0x4980  }
0x169: {  	[tilespmem:s3], [sflag:$0x1] =	stream.indirect_vreg.gather [hbm4b:s10+s31], $0x80, v18, vm0, $0xb8;
	[tilespmem:$0x1D000] =	vst v63  }
0x16a: {  	v53 =	vperm.xlane v17, v0;
	v18 =	vadd.s32 v3, v52;
	s3 =	simm.s32 $0x4A00  }
0x16b: {  	[tilespmem:s3], [sflag:$0x1] =	stream.indirect_vreg.gather [hbm4b:s10+s31], $0x80, v19, vm0, $0xb8;
	[tilespmem:$0x1D000] =	vst v63  }
0x16c: {  	v54 =	vperm.xlane v17, v9;
	v19 =	vadd.s32 v3, v53;
	s3 =	simm.s32 $0x4A80  }
0x16d: {  	[tilespmem:s3], [sflag:$0x1] =	stream.indirect_vreg.gather [hbm4b:s10+s31], $0x80, v51, vm0, $0xb8;
	[tilespmem:$0x1D000] =	vst v63  }
0x16e: {  	v56 =	vperm.xlane v17, v10;
	v55 =	vadd.s32 v3, v54;
	s3 =	simm.s32 $0x4B00  }
0x16f: {  	[tilespmem:s3], [sflag:$0x1] =	stream.indirect_vreg.gather [hbm4b:s10+s31], $0x80, v18, vm0, $0xb8;
	[tilespmem:$0x1D000] =	vst v63  }
0x170: {  	v57 =	vperm.xlane v17, v11;
	v18 =	vadd.s32 v3, v56;
	s3 =	simm.s32 $0x4B80  }
0x171: {  	[tilespmem:s3], [sflag:$0x1] =	stream.indirect_vreg.gather [hbm4b:s10+s31], $0x80, v19, vm0, $0xb8;
	[tilespmem:$0x1D000] =	vst v63  }
0x172: {  	v58 =	vperm.xlane v17, v12;
	v19 =	vadd.s32 v3, v57;
	s3 =	simm.s32 $0x4C00  }
0x173: {  	[tilespmem:s3], [sflag:$0x1] =	stream.indirect_vreg.gather [hbm4b:s10+s31], $0x80, v55, vm0, $0xb8;
	[tilespmem:$0x1D000] =	vst v63  }
0x174: {  	v60 =	vperm.xlane v17, v13;
	v59 =	vadd.s32 v3, v58;
	s3 =	simm.s32 $0x4C80  }
0x175: {  	[tilespmem:s3], [sflag:$0x1] =	stream.indirect_vreg.gather [hbm4b:s10+s31], $0x80, v18, vm0, $0xb8;
	[tilespmem:$0x1D000] =	vst v63  }
0x176: {  	v61 =	vperm.xlane v17, v14;
	v18 =	vadd.s32 v3, v60;
	s3 =	simm.s32 $0x4D00  }
0x177: {  	[tilespmem:s3], [sflag:$0x1] =	stream.indirect_vreg.gather [hbm4b:s10+s31], $0x80, v19, vm0, $0xb8;
	[tilespmem:$0x1D000] =	vst v63  }
0x178: {  	v19 =	vadd.s32 v3, v61;
	s3 =	simm.s32 $0x4D80  }
0x179: {  	v62 =	vperm.xlane v17, v15;
	[tilespmem:s3], [sflag:$0x1] =	stream.indirect_vreg.gather [hbm4b:s10+s31], $0x80, v59, vm0, $0xb8;
	[tilespmem:$0x1D000] =	vst v63  }
0x17a: {  	s3 =	simm.s32 $0x4E00  }
0x17b: {  	v17 =	vperm.xlane v17, v16;
	v63 =	vadd.s32 v3, v62;
	[tilespmem:s3], [sflag:$0x1] =	stream.indirect_vreg.gather [hbm4b:s10+s31], $0x80, v18, vm0, $0xb8;
	[tilespmem:$0x1D000] =	vst v63  }
0x17c: {  	s3 =	simm.s32 $0x4E80  }
0x17d: {  	v17 =	vadd.s32 v3, v17;
	[tilespmem:s3], [sflag:$0x1] =	stream.indirect_vreg.gather [hbm4b:s10+s31], $0x80, v19, vm0, $0xb8;
	[tilespmem:$0x1D000] =	vst v63  }
.Ltmp5:
0x17e: {  	_ = 	snop;
	(pc) =	sbr.rel .LBB2_8-.Ltmp5, $4  }
0x17f: {  	s3 =	simm.s32 $0x4F00  }
0x180: {  	[tilespmem:s3], [sflag:$0x1] =	stream.indirect_vreg.gather [hbm4b:s10+s31], $0x80, v63, vm0, $0xb8;
	[tilespmem:$0x1D000] =	vst v63  }
0x181: {  	s3 =	simm.s32 $0x4F80  }
0x182: {  	[tilespmem:s3], [sflag:$0x1] =	stream.indirect_vreg.gather [hbm4b:s10+s31], $0x80, v17, vm0, $0xb8;
	[tilespmem:$0x1D000] =	vst v63  }
.LBB2_10:
0x183: {  	_ =	swait.ge [sflag:s30], $0x4000;
	s31 =	sadd.s32 $0x400, s31  }
0x184: {  	[sflag:s30] =	ssyncset.done $0x0;
	p1 =	sne.s32 s31, $0x2000  }
.Ltmp6:
0x185: {  	s0 =	sadd.s32 $0x880, s0;
	[sflag:s30] =	ssyncadd.s32 $0xFFFFC000;
	(pc) =	sbr.rel @!p1 .LBB2_11-.Ltmp6, $4  }
0x186: {  	[spmem:s4] =	stream.indirect.scatter.add.f32 [tilespmem:s19], [sflag:$0x3], $0x80, s0, s29, $0xb8;
	[tilespmem:$0x1D000] =	vst v63  }
0x187: {  	_ =	swait.ge [sflag:s14], $0x4000  }
0x188: {  	[sflag:s14] =	ssyncset.done $0x0  }
0x189: {  	[sflag:s14] =	ssyncadd.s32 $0xFFFFC000  }
.LBB2_8:
0x18a: {  	s0 =	sshra.s32 s31, $0x2  }
0x18b: {  	v17 =	vld [tilespmem:s0+$0x80];
	_ =	sdelay $0x4  }
0x18c: {  	v18 =	vshll.u32 v17, $0x1  }
0x18d: {  	v17 =	vand.u32 $0x7, v17;
	v18 =	vand.u32 $0xFFFFFFF0, v18  }
0x18e: {  	v17 =	vor.u32 v17, v18  }
0x18f: {  	v18 =	vperm.xlane v17, v2;
	_ =	sdelay $0x1  }
0x190: {  	v19 =	vperm.xlane v17, v1;
	v18 =	vadd.s32 v3, v18;
	_ =	sdelay $0x1  }
0x191: {  	v20 =	vperm.xlane v17, v4;
	v19 =	vadd.s32 v3, v19;
	_ =	sdelay $0x1  }
0x192: {  	v21 =	vperm.xlane v17, v5;
	v20 =	vadd.s32 v3, v20  }
0x193: {  	[tilespmem:s19], [sflag:$0x2] =	stream.indirect_vreg.gather [hbm4b:s10+s5], $0x80, v18, vm0, $0xb8;
	[tilespmem:$0x1D000] =	vst v63  }
0x194: {  	s3 =	simm.s32 $0x5080;
	v50 =	vperm.xlane v17, v6;
	v18 =	vadd.s32 v3, v21  }
0x195: {  	[tilespmem:s3], [sflag:$0x2] =	stream.indirect_vreg.gather [hbm4b:s10+s5], $0x80, v19, vm0, $0xb8;
	[tilespmem:$0x1D000] =	vst v63  }
0x196: {  	v51 =	vperm.xlane v17, v7;
	v19 =	vadd.s32 v3, v50;
	s3 =	simm.s32 $0x5100  }
0x197: {  	[tilespmem:s3], [sflag:$0x2] =	stream.indirect_vreg.gather [hbm4b:s10+s5], $0x80, v20, vm0, $0xb8;
	[tilespmem:$0x1D000] =	vst v63  }
0x198: {  	v53 =	vperm.xlane v17, v8;
	v52 =	vadd.s32 v3, v51;
	s3 =	simm.s32 $0x5180  }
0x199: {  	[tilespmem:s3], [sflag:$0x2] =	stream.indirect_vreg.gather [hbm4b:s10+s5], $0x80, v18, vm0, $0xb8;
	[tilespmem:$0x1D000] =	vst v63  }
0x19a: {  	v54 =	vperm.xlane v17, v0;
	v18 =	vadd.s32 v3, v53;
	s3 =	simm.s32 $0x5200  }
0x19b: {  	[tilespmem:s3], [sflag:$0x2] =	stream.indirect_vreg.gather [hbm4b:s10+s5], $0x80, v19, vm0, $0xb8;
	[tilespmem:$0x1D000] =	vst v63  }
0x19c: {  	v55 =	vperm.xlane v17, v9;
	v19 =	vadd.s32 v3, v54;
	s3 =	simm.s32 $0x5280  }
0x19d: {  	[tilespmem:s3], [sflag:$0x2] =	stream.indirect_vreg.gather [hbm4b:s10+s5], $0x80, v52, vm0, $0xb8;
	[tilespmem:$0x1D000] =	vst v63  }
0x19e: {  	v57 =	vperm.xlane v17, v10;
	v56 =	vadd.s32 v3, v55;
	s3 =	simm.s32 $0x5300  }
0x19f: {  	[tilespmem:s3], [sflag:$0x2] =	stream.indirect_vreg.gather [hbm4b:s10+s5], $0x80, v18, vm0, $0xb8;
	[tilespmem:$0x1D000] =	vst v63  }
0x1a0: {  	v58 =	vperm.xlane v17, v11;
	v18 =	vadd.s32 v3, v57;
	s3 =	simm.s32 $0x5380  }
0x1a1: {  	[tilespmem:s3], [sflag:$0x2] =	stream.indirect_vreg.gather [hbm4b:s10+s5], $0x80, v19, vm0, $0xb8;
	[tilespmem:$0x1D000] =	vst v63  }
0x1a2: {  	v59 =	vperm.xlane v17, v12;
	v19 =	vadd.s32 v3, v58;
	s3 =	simm.s32 $0x5400  }
0x1a3: {  	[tilespmem:s3], [sflag:$0x2] =	stream.indirect_vreg.gather [hbm4b:s10+s5], $0x80, v56, vm0, $0xb8;
	[tilespmem:$0x1D000] =	vst v63  }
0x1a4: {  	v61 =	vperm.xlane v17, v13;
	v60 =	vadd.s32 v3, v59;
	s3 =	simm.s32 $0x5480  }
0x1a5: {  	[tilespmem:s3], [sflag:$0x2] =	stream.indirect_vreg.gather [hbm4b:s10+s5], $0x80, v18, vm0, $0xb8;
	[tilespmem:$0x1D000] =	vst v63  }
0x1a6: {  	v62 =	vperm.xlane v17, v14;
	v18 =	vadd.s32 v3, v61;
	s3 =	simm.s32 $0x5500  }
0x1a7: {  	[tilespmem:s3], [sflag:$0x2] =	stream.indirect_vreg.gather [hbm4b:s10+s5], $0x80, v19, vm0, $0xb8;
	[tilespmem:$0x1D000] =	vst v63  }
0x1a8: {  	v63 =	vperm.xlane v17, v15;
	v19 =	vadd.s32 v3, v62;
	s3 =	simm.s32 $0x5580  }
0x1a9: {  	[tilespmem:s3], [sflag:$0x2] =	stream.indirect_vreg.gather [hbm4b:s10+s5], $0x80, v60, vm0, $0xb8;
	[tilespmem:$0x1D000] =	vst v63  }
0x1aa: {  	v17 =	vperm.xlane v17, v16;
	v24 =	vadd.s32 v3, v63;
	s3 =	simm.s32 $0x5600  }
0x1ab: {  	[tilespmem:s3], [sflag:$0x2] =	stream.indirect_vreg.gather [hbm4b:s10+s5], $0x80, v18, vm0, $0xb8;
	[tilespmem:$0x1D000] =	vst v63  }
0x1ac: {  	v17 =	vadd.s32 v3, v17;
	s3 =	simm.s32 $0x5680  }
0x1ad: {  	[tilespmem:s3], [sflag:$0x2] =	stream.indirect_vreg.gather [hbm4b:s10+s5], $0x80, v19, vm0, $0xb8;
	[tilespmem:$0x1D000] =	vst v63  }
0x1ae: {  	s3 =	simm.s32 $0x5700  }
0x1af: {  	[tilespmem:s3], [sflag:$0x2] =	stream.indirect_vreg.gather [hbm4b:s10+s5], $0x80, v24, vm0, $0xb8;
	[tilespmem:$0x1D000] =	vst v63  }
0x1b0: {  	s3 =	simm.s32 $0x5780  }
0x1b1: {  	[tilespmem:s3], [sflag:$0x2] =	stream.indirect_vreg.gather [hbm4b:s10+s5], $0x80, v17, vm0, $0xb8;
	[tilespmem:$0x1D000] =	vst v63  }
0x1b2: {  	v17 =	vld [tilespmem:s0+$0x90];
	_ =	sdelay $0x4  }
0x1b3: {  	v18 =	vshll.u32 v17, $0x1  }
0x1b4: {  	v17 =	vand.u32 $0x7, v17;
	v18 =	vand.u32 $0xFFFFFFF0, v18  }
0x1b5: {  	v17 =	vor.u32 v17, v18  }
0x1b6: {  	v18 =	vperm.xlane v17, v2;
	_ =	sdelay $0x1  }
0x1b7: {  	v19 =	vperm.xlane v17, v1;
	v18 =	vadd.s32 v3, v18;
	_ =	sdelay $0x1  }
0x1b8: {  	v25 =	vperm.xlane v17, v4;
	v19 =	vadd.s32 v3, v19;
	_ =	sdelay $0x1  }
0x1b9: {  	s3 =	simm.s32 $0x5800;
	v26 =	vperm.xlane v17, v5;
	v20 =	vadd.s32 v3, v25  }
0x1ba: {  	[tilespmem:s3], [sflag:$0x2] =	stream.indirect_vreg.gather [hbm4b:s10+s5], $0x80, v18, vm0, $0xb8;
	[tilespmem:$0x1D000] =	vst v63  }
0x1bb: {  	v27 =	vperm.xlane v17, v6;
	v18 =	vadd.s32 v3, v26;
	s3 =	simm.s32 $0x5880  }
0x1bc: {  	[tilespmem:s3], [sflag:$0x2] =	stream.indirect_vreg.gather [hbm4b:s10+s5], $0x80, v19, vm0, $0xb8;
	[tilespmem:$0x1D000] =	vst v63  }
0x1bd: {  	v28 =	vperm.xlane v17, v7;
	v19 =	vadd.s32 v3, v27;
	s3 =	simm.s32 $0x5900  }
0x1be: {  	[tilespmem:s3], [sflag:$0x2] =	stream.indirect_vreg.gather [hbm4b:s10+s5], $0x80, v20, vm0, $0xb8;
	[tilespmem:$0x1D000] =	vst v63  }
0x1bf: {  	v30 =	vperm.xlane v17, v8;
	v29 =	vadd.s32 v3, v28;
	s3 =	simm.s32 $0x5980  }
0x1c0: {  	[tilespmem:s3], [sflag:$0x2] =	stream.indirect_vreg.gather [hbm4b:s10+s5], $0x80, v18, vm0, $0xb8;
	[tilespmem:$0x1D000] =	vst v63  }
0x1c1: {  	v31 =	vperm.xlane v17, v0;
	v18 =	vadd.s32 v3, v30;
	s3 =	simm.s32 $0x5A00  }
0x1c2: {  	[tilespmem:s3], [sflag:$0x2] =	stream.indirect_vreg.gather [hbm4b:s10+s5], $0x80, v19, vm0, $0xb8;
	[tilespmem:$0x1D000] =	vst v63  }
0x1c3: {  	v32 =	vperm.xlane v17, v9;
	v19 =	vadd.s32 v3, v31;
	s3 =	simm.s32 $0x5A80  }
0x1c4: {  	[tilespmem:s3], [sflag:$0x2] =	stream.indirect_vreg.gather [hbm4b:s10+s5], $0x80, v29, vm0, $0xb8;
	[tilespmem:$0x1D000] =	vst v63  }
0x1c5: {  	v34 =	vperm.xlane v17, v10;
	v33 =	vadd.s32 v3, v32;
	s3 =	simm.s32 $0x5B00  }
0x1c6: {  	[tilespmem:s3], [sflag:$0x2] =	stream.indirect_vreg.gather [hbm4b:s10+s5], $0x80, v18, vm0, $0xb8;
	[tilespmem:$0x1D000] =	vst v63  }
0x1c7: {  	v35 =	vperm.xlane v17, v11;
	v18 =	vadd.s32 v3, v34;
	s3 =	simm.s32 $0x5B80  }
0x1c8: {  	[tilespmem:s3], [sflag:$0x2] =	stream.indirect_vreg.gather [hbm4b:s10+s5], $0x80, v19, vm0, $0xb8;
	[tilespmem:$0x1D000] =	vst v63  }
0x1c9: {  	v36 =	vperm.xlane v17, v12;
	v19 =	vadd.s32 v3, v35;
	s3 =	simm.s32 $0x5C00  }
0x1ca: {  	[tilespmem:s3], [sflag:$0x2] =	stream.indirect_vreg.gather [hbm4b:s10+s5], $0x80, v33, vm0, $0xb8;
	[tilespmem:$0x1D000] =	vst v63  }
0x1cb: {  	v38 =	vperm.xlane v17, v13;
	v37 =	vadd.s32 v3, v36;
	s3 =	simm.s32 $0x5C80  }
0x1cc: {  	[tilespmem:s3], [sflag:$0x2] =	stream.indirect_vreg.gather [hbm4b:s10+s5], $0x80, v18, vm0, $0xb8;
	[tilespmem:$0x1D000] =	vst v63  }
0x1cd: {  	v39 =	vperm.xlane v17, v14;
	v18 =	vadd.s32 v3, v38;
	s3 =	simm.s32 $0x5D00  }
0x1ce: {  	[tilespmem:s3], [sflag:$0x2] =	stream.indirect_vreg.gather [hbm4b:s10+s5], $0x80, v19, vm0, $0xb8;
	[tilespmem:$0x1D000] =	vst v63  }
0x1cf: {  	v40 =	vperm.xlane v17, v15;
	v19 =	vadd.s32 v3, v39;
	s3 =	simm.s32 $0x5D80  }
0x1d0: {  	[tilespmem:s3], [sflag:$0x2] =	stream.indirect_vreg.gather [hbm4b:s10+s5], $0x80, v37, vm0, $0xb8;
	[tilespmem:$0x1D000] =	vst v63  }
0x1d1: {  	v17 =	vperm.xlane v17, v16;
	v41 =	vadd.s32 v3, v40;
	s3 =	simm.s32 $0x5E00  }
0x1d2: {  	[tilespmem:s3], [sflag:$0x2] =	stream.indirect_vreg.gather [hbm4b:s10+s5], $0x80, v18, vm0, $0xb8;
	[tilespmem:$0x1D000] =	vst v63  }
0x1d3: {  	v17 =	vadd.s32 v3, v17;
	s3 =	simm.s32 $0x5E80  }
0x1d4: {  	[tilespmem:s3], [sflag:$0x2] =	stream.indirect_vreg.gather [hbm4b:s10+s5], $0x80, v19, vm0, $0xb8;
	[tilespmem:$0x1D000] =	vst v63  }
0x1d5: {  	s3 =	simm.s32 $0x5F00  }
0x1d6: {  	[tilespmem:s3], [sflag:$0x2] =	stream.indirect_vreg.gather [hbm4b:s10+s5], $0x80, v41, vm0, $0xb8;
	[tilespmem:$0x1D000] =	vst v63  }
0x1d7: {  	s3 =	simm.s32 $0x5F80  }
0x1d8: {  	[tilespmem:s3], [sflag:$0x2] =	stream.indirect_vreg.gather [hbm4b:s10+s5], $0x80, v17, vm0, $0xb8;
	[tilespmem:$0x1D000] =	vst v63  }
0x1d9: {  	v17 =	vld [tilespmem:s0+$0xA0];
	_ =	sdelay $0x4  }
0x1da: {  	v18 =	vshll.u32 v17, $0x1  }
0x1db: {  	v17 =	vand.u32 $0x7, v17;
	v18 =	vand.u32 $0xFFFFFFF0, v18  }
0x1dc: {  	v17 =	vor.u32 v17, v18  }
0x1dd: {  	v18 =	vperm.xlane v17, v2;
	_ =	sdelay $0x1  }
0x1de: {  	v19 =	vperm.xlane v17, v1;
	v18 =	vadd.s32 v3, v18;
	_ =	sdelay $0x1  }
0x1df: {  	v42 =	vperm.xlane v17, v4;
	v19 =	vadd.s32 v3, v19;
	_ =	sdelay $0x1  }
0x1e0: {  	s3 =	simm.s32 $0x6000;
	v43 =	vperm.xlane v17, v5;
	v20 =	vadd.s32 v3, v42  }
0x1e1: {  	[tilespmem:s3], [sflag:$0x2] =	stream.indirect_vreg.gather [hbm4b:s10+s5], $0x80, v18, vm0, $0xb8;
	[tilespmem:$0x1D000] =	vst v63  }
0x1e2: {  	v44 =	vperm.xlane v17, v6;
	v18 =	vadd.s32 v3, v43;
	s3 =	simm.s32 $0x6080  }
0x1e3: {  	[tilespmem:s3], [sflag:$0x2] =	stream.indirect_vreg.gather [hbm4b:s10+s5], $0x80, v19, vm0, $0xb8;
	[tilespmem:$0x1D000] =	vst v63  }
0x1e4: {  	v45 =	vperm.xlane v17, v7;
	v19 =	vadd.s32 v3, v44;
	s3 =	simm.s32 $0x6100  }
0x1e5: {  	[tilespmem:s3], [sflag:$0x2] =	stream.indirect_vreg.gather [hbm4b:s10+s5], $0x80, v20, vm0, $0xb8;
	[tilespmem:$0x1D000] =	vst v63  }
0x1e6: {  	v47 =	vperm.xlane v17, v8;
	v46 =	vadd.s32 v3, v45;
	s3 =	simm.s32 $0x6180  }
0x1e7: {  	[tilespmem:s3], [sflag:$0x2] =	stream.indirect_vreg.gather [hbm4b:s10+s5], $0x80, v18, vm0, $0xb8;
	[tilespmem:$0x1D000] =	vst v63  }
0x1e8: {  	v48 =	vperm.xlane v17, v0;
	v18 =	vadd.s32 v3, v47;
	s3 =	simm.s32 $0x6200  }
0x1e9: {  	[tilespmem:s3], [sflag:$0x2] =	stream.indirect_vreg.gather [hbm4b:s10+s5], $0x80, v19, vm0, $0xb8;
	[tilespmem:$0x1D000] =	vst v63  }
0x1ea: {  	v49 =	vperm.xlane v17, v9;
	v19 =	vadd.s32 v3, v48;
	s3 =	simm.s32 $0x6280  }
0x1eb: {  	[tilespmem:s3], [sflag:$0x2] =	stream.indirect_vreg.gather [hbm4b:s10+s5], $0x80, v46, vm0, $0xb8;
	[tilespmem:$0x1D000] =	vst v63  }
0x1ec: {  	v51 =	vperm.xlane v17, v10;
	v50 =	vadd.s32 v3, v49;
	s3 =	simm.s32 $0x6300  }
0x1ed: {  	[tilespmem:s3], [sflag:$0x2] =	stream.indirect_vreg.gather [hbm4b:s10+s5], $0x80, v18, vm0, $0xb8;
	[tilespmem:$0x1D000] =	vst v63  }
0x1ee: {  	v52 =	vperm.xlane v17, v11;
	v18 =	vadd.s32 v3, v51;
	s3 =	simm.s32 $0x6380  }
0x1ef: {  	[tilespmem:s3], [sflag:$0x2] =	stream.indirect_vreg.gather [hbm4b:s10+s5], $0x80, v19, vm0, $0xb8;
	[tilespmem:$0x1D000] =	vst v63  }
0x1f0: {  	v53 =	vperm.xlane v17, v12;
	v19 =	vadd.s32 v3, v52;
	s3 =	simm.s32 $0x6400  }
0x1f1: {  	[tilespmem:s3], [sflag:$0x2] =	stream.indirect_vreg.gather [hbm4b:s10+s5], $0x80, v50, vm0, $0xb8;
	[tilespmem:$0x1D000] =	vst v63  }
0x1f2: {  	v55 =	vperm.xlane v17, v13;
	v54 =	vadd.s32 v3, v53;
	s3 =	simm.s32 $0x6480  }
0x1f3: {  	[tilespmem:s3], [sflag:$0x2] =	stream.indirect_vreg.gather [hbm4b:s10+s5], $0x80, v18, vm0, $0xb8;
	[tilespmem:$0x1D000] =	vst v63  }
0x1f4: {  	v56 =	vperm.xlane v17, v14;
	v18 =	vadd.s32 v3, v55;
	s3 =	simm.s32 $0x6500  }
0x1f5: {  	[tilespmem:s3], [sflag:$0x2] =	stream.indirect_vreg.gather [hbm4b:s10+s5], $0x80, v19, vm0, $0xb8;
	[tilespmem:$0x1D000] =	vst v63  }
0x1f6: {  	v57 =	vperm.xlane v17, v15;
	v19 =	vadd.s32 v3, v56;
	s3 =	simm.s32 $0x6580  }
0x1f7: {  	[tilespmem:s3], [sflag:$0x2] =	stream.indirect_vreg.gather [hbm4b:s10+s5], $0x80, v54, vm0, $0xb8;
	[tilespmem:$0x1D000] =	vst v63  }
0x1f8: {  	v17 =	vperm.xlane v17, v16;
	v58 =	vadd.s32 v3, v57;
	s3 =	simm.s32 $0x6600  }
0x1f9: {  	[tilespmem:s3], [sflag:$0x2] =	stream.indirect_vreg.gather [hbm4b:s10+s5], $0x80, v18, vm0, $0xb8;
	[tilespmem:$0x1D000] =	vst v63  }
0x1fa: {  	v17 =	vadd.s32 v3, v17;
	s3 =	simm.s32 $0x6680  }
0x1fb: {  	[tilespmem:s3], [sflag:$0x2] =	stream.indirect_vreg.gather [hbm4b:s10+s5], $0x80, v19, vm0, $0xb8;
	[tilespmem:$0x1D000] =	vst v63  }
0x1fc: {  	s3 =	simm.s32 $0x6700  }
0x1fd: {  	[tilespmem:s3], [sflag:$0x2] =	stream.indirect_vreg.gather [hbm4b:s10+s5], $0x80, v58, vm0, $0xb8;
	[tilespmem:$0x1D000] =	vst v63  }
0x1fe: {  	s3 =	simm.s32 $0x6780  }
0x1ff: {  	[tilespmem:s3], [sflag:$0x2] =	stream.indirect_vreg.gather [hbm4b:s10+s5], $0x80, v17, vm0, $0xb8;
	[tilespmem:$0x1D000] =	vst v63  }
0x200: {  	v17 =	vld [tilespmem:s0+$0xB0];
	_ =	sdelay $0x4  }
0x201: {  	v18 =	vshll.u32 v17, $0x1  }
0x202: {  	v17 =	vand.u32 $0x7, v17;
	v18 =	vand.u32 $0xFFFFFFF0, v18  }
0x203: {  	v17 =	vor.u32 v17, v18  }
0x204: {  	v18 =	vperm.xlane v17, v2;
	_ =	sdelay $0x1  }
0x205: {  	v19 =	vperm.xlane v17, v1;
	v18 =	vadd.s32 v3, v18;
	_ =	sdelay $0x1  }
0x206: {  	v59 =	vperm.xlane v17, v4;
	v19 =	vadd.s32 v3, v19;
	_ =	sdelay $0x1  }
0x207: {  	s3 =	simm.s32 $0x6800;
	v60 =	vperm.xlane v17, v5;
	v20 =	vadd.s32 v3, v59  }
0x208: {  	[tilespmem:s3], [sflag:$0x2] =	stream.indirect_vreg.gather [hbm4b:s10+s5], $0x80, v18, vm0, $0xb8;
	[tilespmem:$0x1D000] =	vst v63  }
0x209: {  	v61 =	vperm.xlane v17, v6;
	v18 =	vadd.s32 v3, v60;
	s3 =	simm.s32 $0x6880  }
0x20a: {  	[tilespmem:s3], [sflag:$0x2] =	stream.indirect_vreg.gather [hbm4b:s10+s5], $0x80, v19, vm0, $0xb8;
	[tilespmem:$0x1D000] =	vst v63  }
0x20b: {  	v62 =	vperm.xlane v17, v7;
	v19 =	vadd.s32 v3, v61;
	s3 =	simm.s32 $0x6900  }
0x20c: {  	[tilespmem:s3], [sflag:$0x2] =	stream.indirect_vreg.gather [hbm4b:s10+s5], $0x80, v20, vm0, $0xb8;
	[tilespmem:$0x1D000] =	vst v63  }
0x20d: {  	v24 =	vperm.xlane v17, v8;
	v63 =	vadd.s32 v3, v62;
	s3 =	simm.s32 $0x6980  }
0x20e: {  	[tilespmem:s3], [sflag:$0x2] =	stream.indirect_vreg.gather [hbm4b:s10+s5], $0x80, v18, vm0, $0xb8;
	[tilespmem:$0x1D000] =	vst v63  }
0x20f: {  	v25 =	vperm.xlane v17, v0;
	v18 =	vadd.s32 v3, v24;
	s3 =	simm.s32 $0x6A00  }
0x210: {  	[tilespmem:s3], [sflag:$0x2] =	stream.indirect_vreg.gather [hbm4b:s10+s5], $0x80, v19, vm0, $0xb8;
	[tilespmem:$0x1D000] =	vst v63  }
0x211: {  	v26 =	vperm.xlane v17, v9;
	v19 =	vadd.s32 v3, v25;
	s3 =	simm.s32 $0x6A80  }
0x212: {  	[tilespmem:s3], [sflag:$0x2] =	stream.indirect_vreg.gather [hbm4b:s10+s5], $0x80, v63, vm0, $0xb8;
	[tilespmem:$0x1D000] =	vst v63  }
0x213: {  	v28 =	vperm.xlane v17, v10;
	v27 =	vadd.s32 v3, v26;
	s3 =	simm.s32 $0x6B00  }
0x214: {  	[tilespmem:s3], [sflag:$0x2] =	stream.indirect_vreg.gather [hbm4b:s10+s5], $0x80, v18, vm0, $0xb8;
	[tilespmem:$0x1D000] =	vst v63  }
0x215: {  	v29 =	vperm.xlane v17, v11;
	v18 =	vadd.s32 v3, v28;
	s3 =	simm.s32 $0x6B80  }
0x216: {  	[tilespmem:s3], [sflag:$0x2] =	stream.indirect_vreg.gather [hbm4b:s10+s5], $0x80, v19, vm0, $0xb8;
	[tilespmem:$0x1D000] =	vst v63  }
0x217: {  	v30 =	vperm.xlane v17, v12;
	v19 =	vadd.s32 v3, v29;
	s3 =	simm.s32 $0x6C00  }
0x218: {  	[tilespmem:s3], [sflag:$0x2] =	stream.indirect_vreg.gather [hbm4b:s10+s5], $0x80, v27, vm0, $0xb8;
	[tilespmem:$0x1D000] =	vst v63  }
0x219: {  	v32 =	vperm.xlane v17, v13;
	v31 =	vadd.s32 v3, v30;
	s3 =	simm.s32 $0x6C80  }
0x21a: {  	[tilespmem:s3], [sflag:$0x2] =	stream.indirect_vreg.gather [hbm4b:s10+s5], $0x80, v18, vm0, $0xb8;
	[tilespmem:$0x1D000] =	vst v63  }
0x21b: {  	v33 =	vperm.xlane v17, v14;
	v18 =	vadd.s32 v3, v32;
	s3 =	simm.s32 $0x6D00  }
0x21c: {  	[tilespmem:s3], [sflag:$0x2] =	stream.indirect_vreg.gather [hbm4b:s10+s5], $0x80, v19, vm0, $0xb8;
	[tilespmem:$0x1D000] =	vst v63  }
0x21d: {  	v34 =	vperm.xlane v17, v15;
	v19 =	vadd.s32 v3, v33;
	s3 =	simm.s32 $0x6D80  }
0x21e: {  	[tilespmem:s3], [sflag:$0x2] =	stream.indirect_vreg.gather [hbm4b:s10+s5], $0x80, v31, vm0, $0xb8;
	[tilespmem:$0x1D000] =	vst v63  }
0x21f: {  	v17 =	vperm.xlane v17, v16;
	v35 =	vadd.s32 v3, v34;
	s3 =	simm.s32 $0x6E00  }
0x220: {  	[tilespmem:s3], [sflag:$0x2] =	stream.indirect_vreg.gather [hbm4b:s10+s5], $0x80, v18, vm0, $0xb8;
	[tilespmem:$0x1D000] =	vst v63  }
0x221: {  	v17 =	vadd.s32 v3, v17;
	s3 =	simm.s32 $0x6E80  }
0x222: {  	[tilespmem:s3], [sflag:$0x2] =	stream.indirect_vreg.gather [hbm4b:s10+s5], $0x80, v19, vm0, $0xb8;
	[tilespmem:$0x1D000] =	vst v63  }
0x223: {  	s3 =	simm.s32 $0x6F00  }
0x224: {  	[tilespmem:s3], [sflag:$0x2] =	stream.indirect_vreg.gather [hbm4b:s10+s5], $0x80, v35, vm0, $0xb8;
	[tilespmem:$0x1D000] =	vst v63  }
0x225: {  	s3 =	simm.s32 $0x6F80  }
0x226: {  	[tilespmem:s3], [sflag:$0x2] =	stream.indirect_vreg.gather [hbm4b:s10+s5], $0x80, v17, vm0, $0xb8;
	[tilespmem:$0x1D000] =	vst v63  }
0x227: {  	v17 =	vld [tilespmem:s0+$0xC0];
	_ =	sdelay $0x4  }
0x228: {  	v18 =	vshll.u32 v17, $0x1  }
0x229: {  	v17 =	vand.u32 $0x7, v17;
	v18 =	vand.u32 $0xFFFFFFF0, v18  }
0x22a: {  	v17 =	vor.u32 v17, v18  }
0x22b: {  	v18 =	vperm.xlane v17, v2;
	_ =	sdelay $0x1  }
0x22c: {  	v19 =	vperm.xlane v17, v1;
	v18 =	vadd.s32 v3, v18;
	_ =	sdelay $0x1  }
0x22d: {  	v36 =	vperm.xlane v17, v4;
	v19 =	vadd.s32 v3, v19;
	_ =	sdelay $0x1  }
0x22e: {  	s3 =	simm.s32 $0x7000;
	v37 =	vperm.xlane v17, v5;
	v20 =	vadd.s32 v3, v36  }
0x22f: {  	[tilespmem:s3], [sflag:$0x2] =	stream.indirect_vreg.gather [hbm4b:s10+s5], $0x80, v18, vm0, $0xb8;
	[tilespmem:$0x1D000] =	vst v63  }
0x230: {  	v38 =	vperm.xlane v17, v6;
	v18 =	vadd.s32 v3, v37;
	s3 =	simm.s32 $0x7080  }
0x231: {  	[tilespmem:s3], [sflag:$0x2] =	stream.indirect_vreg.gather [hbm4b:s10+s5], $0x80, v19, vm0, $0xb8;
	[tilespmem:$0x1D000] =	vst v63  }
0x232: {  	v39 =	vperm.xlane v17, v7;
	v19 =	vadd.s32 v3, v38;
	s3 =	simm.s32 $0x7100  }
0x233: {  	[tilespmem:s3], [sflag:$0x2] =	stream.indirect_vreg.gather [hbm4b:s10+s5], $0x80, v20, vm0, $0xb8;
	[tilespmem:$0x1D000] =	vst v63  }
0x234: {  	v41 =	vperm.xlane v17, v8;
	v40 =	vadd.s32 v3, v39;
	s3 =	simm.s32 $0x7180  }
0x235: {  	[tilespmem:s3], [sflag:$0x2] =	stream.indirect_vreg.gather [hbm4b:s10+s5], $0x80, v18, vm0, $0xb8;
	[tilespmem:$0x1D000] =	vst v63  }
0x236: {  	v42 =	vperm.xlane v17, v0;
	v18 =	vadd.s32 v3, v41;
	s3 =	simm.s32 $0x7200  }
0x237: {  	[tilespmem:s3], [sflag:$0x2] =	stream.indirect_vreg.gather [hbm4b:s10+s5], $0x80, v19, vm0, $0xb8;
	[tilespmem:$0x1D000] =	vst v63  }
0x238: {  	v43 =	vperm.xlane v17, v9;
	v19 =	vadd.s32 v3, v42;
	s3 =	simm.s32 $0x7280  }
0x239: {  	[tilespmem:s3], [sflag:$0x2] =	stream.indirect_vreg.gather [hbm4b:s10+s5], $0x80, v40, vm0, $0xb8;
	[tilespmem:$0x1D000] =	vst v63  }
0x23a: {  	v45 =	vperm.xlane v17, v10;
	v44 =	vadd.s32 v3, v43;
	s3 =	simm.s32 $0x7300  }
0x23b: {  	[tilespmem:s3], [sflag:$0x2] =	stream.indirect_vreg.gather [hbm4b:s10+s5], $0x80, v18, vm0, $0xb8;
	[tilespmem:$0x1D000] =	vst v63  }
0x23c: {  	v46 =	vperm.xlane v17, v11;
	v18 =	vadd.s32 v3, v45;
	s3 =	simm.s32 $0x7380  }
0x23d: {  	[tilespmem:s3], [sflag:$0x2] =	stream.indirect_vreg.gather [hbm4b:s10+s5], $0x80, v19, vm0, $0xb8;
	[tilespmem:$0x1D000] =	vst v63  }
0x23e: {  	v47 =	vperm.xlane v17, v12;
	v19 =	vadd.s32 v3, v46;
	s3 =	simm.s32 $0x7400  }
0x23f: {  	[tilespmem:s3], [sflag:$0x2] =	stream.indirect_vreg.gather [hbm4b:s10+s5], $0x80, v44, vm0, $0xb8;
	[tilespmem:$0x1D000] =	vst v63  }
0x240: {  	v49 =	vperm.xlane v17, v13;
	v48 =	vadd.s32 v3, v47;
	s3 =	simm.s32 $0x7480  }
0x241: {  	[tilespmem:s3], [sflag:$0x2] =	stream.indirect_vreg.gather [hbm4b:s10+s5], $0x80, v18, vm0, $0xb8;
	[tilespmem:$0x1D000] =	vst v63  }
0x242: {  	v50 =	vperm.xlane v17, v14;
	v18 =	vadd.s32 v3, v49;
	s3 =	simm.s32 $0x7500  }
0x243: {  	[tilespmem:s3], [sflag:$0x2] =	stream.indirect_vreg.gather [hbm4b:s10+s5], $0x80, v19, vm0, $0xb8;
	[tilespmem:$0x1D000] =	vst v63  }
0x244: {  	v51 =	vperm.xlane v17, v15;
	v19 =	vadd.s32 v3, v50;
	s3 =	simm.s32 $0x7580  }
0x245: {  	[tilespmem:s3], [sflag:$0x2] =	stream.indirect_vreg.gather [hbm4b:s10+s5], $0x80, v48, vm0, $0xb8;
	[tilespmem:$0x1D000] =	vst v63  }
0x246: {  	v17 =	vperm.xlane v17, v16;
	v52 =	vadd.s32 v3, v51;
	s3 =	simm.s32 $0x7600  }
0x247: {  	[tilespmem:s3], [sflag:$0x2] =	stream.indirect_vreg.gather [hbm4b:s10+s5], $0x80, v18, vm0, $0xb8;
	[tilespmem:$0x1D000] =	vst v63  }
0x248: {  	v17 =	vadd.s32 v3, v17;
	s3 =	simm.s32 $0x7680  }
0x249: {  	[tilespmem:s3], [sflag:$0x2] =	stream.indirect_vreg.gather [hbm4b:s10+s5], $0x80, v19, vm0, $0xb8;
	[tilespmem:$0x1D000] =	vst v63  }
0x24a: {  	s3 =	simm.s32 $0x7700  }
0x24b: {  	[tilespmem:s3], [sflag:$0x2] =	stream.indirect_vreg.gather [hbm4b:s10+s5], $0x80, v52, vm0, $0xb8;
	[tilespmem:$0x1D000] =	vst v63  }
0x24c: {  	s3 =	simm.s32 $0x7780  }
0x24d: {  	[tilespmem:s3], [sflag:$0x2] =	stream.indirect_vreg.gather [hbm4b:s10+s5], $0x80, v17, vm0, $0xb8;
	[tilespmem:$0x1D000] =	vst v63  }
0x24e: {  	v17 =	vld [tilespmem:s0+$0xD0];
	_ =	sdelay $0x4  }
0x24f: {  	v18 =	vshll.u32 v17, $0x1  }
0x250: {  	v17 =	vand.u32 $0x7, v17;
	v18 =	vand.u32 $0xFFFFFFF0, v18  }
0x251: {  	v17 =	vor.u32 v17, v18  }
0x252: {  	v18 =	vperm.xlane v17, v2;
	_ =	sdelay $0x1  }
0x253: {  	v19 =	vperm.xlane v17, v1;
	v18 =	vadd.s32 v3, v18;
	_ =	sdelay $0x1  }
0x254: {  	v53 =	vperm.xlane v17, v4;
	v19 =	vadd.s32 v3, v19;
	_ =	sdelay $0x1  }
0x255: {  	s3 =	simm.s32 $0x7800;
	v54 =	vperm.xlane v17, v5;
	v20 =	vadd.s32 v3, v53  }
0x256: {  	[tilespmem:s3], [sflag:$0x2] =	stream.indirect_vreg.gather [hbm4b:s10+s5], $0x80, v18, vm0, $0xb8;
	[tilespmem:$0x1D000] =	vst v63  }
0x257: {  	v55 =	vperm.xlane v17, v6;
	v18 =	vadd.s32 v3, v54;
	s3 =	simm.s32 $0x7880  }
0x258: {  	[tilespmem:s3], [sflag:$0x2] =	stream.indirect_vreg.gather [hbm4b:s10+s5], $0x80, v19, vm0, $0xb8;
	[tilespmem:$0x1D000] =	vst v63  }
0x259: {  	v56 =	vperm.xlane v17, v7;
	v19 =	vadd.s32 v3, v55;
	s3 =	simm.s32 $0x7900  }
0x25a: {  	[tilespmem:s3], [sflag:$0x2] =	stream.indirect_vreg.gather [hbm4b:s10+s5], $0x80, v20, vm0, $0xb8;
	[tilespmem:$0x1D000] =	vst v63  }
0x25b: {  	v58 =	vperm.xlane v17, v8;
	v57 =	vadd.s32 v3, v56;
	s3 =	simm.s32 $0x7980  }
0x25c: {  	[tilespmem:s3], [sflag:$0x2] =	stream.indirect_vreg.gather [hbm4b:s10+s5], $0x80, v18, vm0, $0xb8;
	[tilespmem:$0x1D000] =	vst v63  }
0x25d: {  	v59 =	vperm.xlane v17, v0;
	v18 =	vadd.s32 v3, v58;
	s3 =	simm.s32 $0x7A00  }
0x25e: {  	[tilespmem:s3], [sflag:$0x2] =	stream.indirect_vreg.gather [hbm4b:s10+s5], $0x80, v19, vm0, $0xb8;
	[tilespmem:$0x1D000] =	vst v63  }
0x25f: {  	v60 =	vperm.xlane v17, v9;
	v19 =	vadd.s32 v3, v59;
	s3 =	simm.s32 $0x7A80  }
0x260: {  	[tilespmem:s3], [sflag:$0x2] =	stream.indirect_vreg.gather [hbm4b:s10+s5], $0x80, v57, vm0, $0xb8;
	[tilespmem:$0x1D000] =	vst v63  }
0x261: {  	v62 =	vperm.xlane v17, v10;
	v61 =	vadd.s32 v3, v60;
	s3 =	simm.s32 $0x7B00  }
0x262: {  	[tilespmem:s3], [sflag:$0x2] =	stream.indirect_vreg.gather [hbm4b:s10+s5], $0x80, v18, vm0, $0xb8;
	[tilespmem:$0x1D000] =	vst v63  }
0x263: {  	v63 =	vperm.xlane v17, v11;
	v18 =	vadd.s32 v3, v62;
	s3 =	simm.s32 $0x7B80  }
0x264: {  	[tilespmem:s3], [sflag:$0x2] =	stream.indirect_vreg.gather [hbm4b:s10+s5], $0x80, v19, vm0, $0xb8;
	[tilespmem:$0x1D000] =	vst v63  }
0x265: {  	v24 =	vperm.xlane v17, v12;
	v19 =	vadd.s32 v3, v63;
	s3 =	simm.s32 $0x7C00  }
0x266: {  	[tilespmem:s3], [sflag:$0x2] =	stream.indirect_vreg.gather [hbm4b:s10+s5], $0x80, v61, vm0, $0xb8;
	[tilespmem:$0x1D000] =	vst v63  }
0x267: {  	v26 =	vperm.xlane v17, v13;
	v25 =	vadd.s32 v3, v24;
	s3 =	simm.s32 $0x7C80  }
0x268: {  	[tilespmem:s3], [sflag:$0x2] =	stream.indirect_vreg.gather [hbm4b:s10+s5], $0x80, v18, vm0, $0xb8;
	[tilespmem:$0x1D000] =	vst v63  }
0x269: {  	v27 =	vperm.xlane v17, v14;
	v18 =	vadd.s32 v3, v26;
	s3 =	simm.s32 $0x7D00  }
0x26a: {  	[tilespmem:s3], [sflag:$0x2] =	stream.indirect_vreg.gather [hbm4b:s10+s5], $0x80, v19, vm0, $0xb8;
	[tilespmem:$0x1D000] =	vst v63  }
0x26b: {  	v28 =	vperm.xlane v17, v15;
	v19 =	vadd.s32 v3, v27;
	s3 =	simm.s32 $0x7D80  }
0x26c: {  	[tilespmem:s3], [sflag:$0x2] =	stream.indirect_vreg.gather [hbm4b:s10+s5], $0x80, v25, vm0, $0xb8;
	[tilespmem:$0x1D000] =	vst v63  }
0x26d: {  	v17 =	vperm.xlane v17, v16;
	v29 =	vadd.s32 v3, v28;
	s3 =	simm.s32 $0x7E00  }
0x26e: {  	[tilespmem:s3], [sflag:$0x2] =	stream.indirect_vreg.gather [hbm4b:s10+s5], $0x80, v18, vm0, $0xb8;
	[tilespmem:$0x1D000] =	vst v63  }
0x26f: {  	v17 =	vadd.s32 v3, v17;
	s3 =	simm.s32 $0x7E80  }
0x270: {  	[tilespmem:s3], [sflag:$0x2] =	stream.indirect_vreg.gather [hbm4b:s10+s5], $0x80, v19, vm0, $0xb8;
	[tilespmem:$0x1D000] =	vst v63  }
0x271: {  	s3 =	simm.s32 $0x7F00  }
0x272: {  	[tilespmem:s3], [sflag:$0x2] =	stream.indirect_vreg.gather [hbm4b:s10+s5], $0x80, v29, vm0, $0xb8;
	[tilespmem:$0x1D000] =	vst v63  }
0x273: {  	s3 =	simm.s32 $0x7F80  }
0x274: {  	[tilespmem:s3], [sflag:$0x2] =	stream.indirect_vreg.gather [hbm4b:s10+s5], $0x80, v17, vm0, $0xb8;
	[tilespmem:$0x1D000] =	vst v63  }
0x275: {  	v17 =	vld [tilespmem:s0+$0xE0];
	_ =	sdelay $0x4  }
0x276: {  	v18 =	vshll.u32 v17, $0x1  }
0x277: {  	v17 =	vand.u32 $0x7, v17;
	v18 =	vand.u32 $0xFFFFFFF0, v18  }
0x278: {  	v17 =	vor.u32 v17, v18  }
0x279: {  	v18 =	vperm.xlane v17, v2;
	_ =	sdelay $0x1  }
0x27a: {  	v19 =	vperm.xlane v17, v1;
	v18 =	vadd.s32 v3, v18;
	_ =	sdelay $0x1  }
0x27b: {  	v30 =	vperm.xlane v17, v4;
	v19 =	vadd.s32 v3, v19;
	_ =	sdelay $0x1  }
0x27c: {  	s3 =	simm.s32 $0x8000;
	v31 =	vperm.xlane v17, v5;
	v20 =	vadd.s32 v3, v30  }
0x27d: {  	[tilespmem:s3], [sflag:$0x2] =	stream.indirect_vreg.gather [hbm4b:s10+s5], $0x80, v18, vm0, $0xb8;
	[tilespmem:$0x1D000] =	vst v63  }
0x27e: {  	v32 =	vperm.xlane v17, v6;
	v18 =	vadd.s32 v3, v31;
	s3 =	simm.s32 $0x8080  }
0x27f: {  	[tilespmem:s3], [sflag:$0x2] =	stream.indirect_vreg.gather [hbm4b:s10+s5], $0x80, v19, vm0, $0xb8;
	[tilespmem:$0x1D000] =	vst v63  }
0x280: {  	v33 =	vperm.xlane v17, v7;
	v19 =	vadd.s32 v3, v32;
	s3 =	simm.s32 $0x8100  }
0x281: {  	[tilespmem:s3], [sflag:$0x2] =	stream.indirect_vreg.gather [hbm4b:s10+s5], $0x80, v20, vm0, $0xb8;
	[tilespmem:$0x1D000] =	vst v63  }
0x282: {  	v35 =	vperm.xlane v17, v8;
	v34 =	vadd.s32 v3, v33;
	s3 =	simm.s32 $0x8180  }
0x283: {  	[tilespmem:s3], [sflag:$0x2] =	stream.indirect_vreg.gather [hbm4b:s10+s5], $0x80, v18, vm0, $0xb8;
	[tilespmem:$0x1D000] =	vst v63  }
0x284: {  	v36 =	vperm.xlane v17, v0;
	v18 =	vadd.s32 v3, v35;
	s3 =	simm.s32 $0x8200  }
0x285: {  	[tilespmem:s3], [sflag:$0x2] =	stream.indirect_vreg.gather [hbm4b:s10+s5], $0x80, v19, vm0, $0xb8;
	[tilespmem:$0x1D000] =	vst v63  }
0x286: {  	v37 =	vperm.xlane v17, v9;
	v19 =	vadd.s32 v3, v36;
	s3 =	simm.s32 $0x8280  }
0x287: {  	[tilespmem:s3], [sflag:$0x2] =	stream.indirect_vreg.gather [hbm4b:s10+s5], $0x80, v34, vm0, $0xb8;
	[tilespmem:$0x1D000] =	vst v63  }
0x288: {  	v39 =	vperm.xlane v17, v10;
	v38 =	vadd.s32 v3, v37;
	s3 =	simm.s32 $0x8300  }
0x289: {  	[tilespmem:s3], [sflag:$0x2] =	stream.indirect_vreg.gather [hbm4b:s10+s5], $0x80, v18, vm0, $0xb8;
	[tilespmem:$0x1D000] =	vst v63  }
0x28a: {  	v40 =	vperm.xlane v17, v11;
	v18 =	vadd.s32 v3, v39;
	s3 =	simm.s32 $0x8380  }
0x28b: {  	[tilespmem:s3], [sflag:$0x2] =	stream.indirect_vreg.gather [hbm4b:s10+s5], $0x80, v19, vm0, $0xb8;
	[tilespmem:$0x1D000] =	vst v63  }
0x28c: {  	v41 =	vperm.xlane v17, v12;
	v19 =	vadd.s32 v3, v40;
	s3 =	simm.s32 $0x8400  }
0x28d: {  	[tilespmem:s3], [sflag:$0x2] =	stream.indirect_vreg.gather [hbm4b:s10+s5], $0x80, v38, vm0, $0xb8;
	[tilespmem:$0x1D000] =	vst v63  }
0x28e: {  	v43 =	vperm.xlane v17, v13;
	v42 =	vadd.s32 v3, v41;
	s3 =	simm.s32 $0x8480  }
0x28f: {  	[tilespmem:s3], [sflag:$0x2] =	stream.indirect_vreg.gather [hbm4b:s10+s5], $0x80, v18, vm0, $0xb8;
	[tilespmem:$0x1D000] =	vst v63  }
0x290: {  	v44 =	vperm.xlane v17, v14;
	v18 =	vadd.s32 v3, v43;
	s3 =	simm.s32 $0x8500  }
0x291: {  	[tilespmem:s3], [sflag:$0x2] =	stream.indirect_vreg.gather [hbm4b:s10+s5], $0x80, v19, vm0, $0xb8;
	[tilespmem:$0x1D000] =	vst v63  }
0x292: {  	v45 =	vperm.xlane v17, v15;
	v19 =	vadd.s32 v3, v44;
	s3 =	simm.s32 $0x8580  }
0x293: {  	[tilespmem:s3], [sflag:$0x2] =	stream.indirect_vreg.gather [hbm4b:s10+s5], $0x80, v42, vm0, $0xb8;
	[tilespmem:$0x1D000] =	vst v63  }
0x294: {  	v17 =	vperm.xlane v17, v16;
	v46 =	vadd.s32 v3, v45;
	s3 =	simm.s32 $0x8600  }
0x295: {  	[tilespmem:s3], [sflag:$0x2] =	stream.indirect_vreg.gather [hbm4b:s10+s5], $0x80, v18, vm0, $0xb8;
	[tilespmem:$0x1D000] =	vst v63  }
0x296: {  	v17 =	vadd.s32 v3, v17;
	s3 =	simm.s32 $0x8680  }
0x297: {  	[tilespmem:s3], [sflag:$0x2] =	stream.indirect_vreg.gather [hbm4b:s10+s5], $0x80, v19, vm0, $0xb8;
	[tilespmem:$0x1D000] =	vst v63  }
0x298: {  	_ = 	snop  }
0x299: {  	[tilespmem:s11], [sflag:$0x2] =	stream.indirect_vreg.gather [hbm4b:s10+s5], $0x80, v46, vm0, $0xb8;
	[tilespmem:$0x1D000] =	vst v63  }
0x29a: {  	_ = 	snop  }
0x29b: {  	[tilespmem:s12], [sflag:$0x2] =	stream.indirect_vreg.gather [hbm4b:s10+s5], $0x80, v17, vm0, $0xb8;
	[tilespmem:$0x1D000] =	vst v63  }
0x29c: {  	v17 =	vld [tilespmem:s0+$0xF0];
	_ =	sdelay $0x4  }
0x29d: {  	v18 =	vshll.u32 v17, $0x1  }
0x29e: {  	v17 =	vand.u32 $0x7, v17;
	v18 =	vand.u32 $0xFFFFFFF0, v18  }
0x29f: {  	v17 =	vor.u32 v17, v18  }
0x2a0: {  	v18 =	vperm.xlane v17, v2;
	_ =	sdelay $0x1  }
0x2a1: {  	v19 =	vperm.xlane v17, v1;
	v18 =	vadd.s32 v3, v18;
	_ =	sdelay $0x1  }
0x2a2: {  	v47 =	vperm.xlane v17, v4;
	v19 =	vadd.s32 v3, v19;
	_ =	sdelay $0x1  }
0x2a3: {  	v48 =	vperm.xlane v17, v5;
	v20 =	vadd.s32 v3, v47  }
0x2a4: {  	[tilespmem:s7], [sflag:$0x2] =	stream.indirect_vreg.gather [hbm4b:s10+s5], $0x80, v18, vm0, $0xb8;
	[tilespmem:$0x1D000] =	vst v63  }
0x2a5: {  	v49 =	vperm.xlane v17, v6;
	v18 =	vadd.s32 v3, v48  }
0x2a6: {  	[tilespmem:s8], [sflag:$0x2] =	stream.indirect_vreg.gather [hbm4b:s10+s5], $0x80, v19, vm0, $0xb8;
	[tilespmem:$0x1D000] =	vst v63  }
0x2a7: {  	v50 =	vperm.xlane v17, v7;
	v19 =	vadd.s32 v3, v49  }
0x2a8: {  	[tilespmem:s25], [sflag:$0x2] =	stream.indirect_vreg.gather [hbm4b:s10+s5], $0x80, v20, vm0, $0xb8;
	[tilespmem:$0x1D000] =	vst v63  }
0x2a9: {  	v52 =	vperm.xlane v17, v8;
	v51 =	vadd.s32 v3, v50  }
0x2aa: {  	[tilespmem:s24], [sflag:$0x2] =	stream.indirect_vreg.gather [hbm4b:s10+s5], $0x80, v18, vm0, $0xb8;
	[tilespmem:$0x1D000] =	vst v63  }
0x2ab: {  	v53 =	vperm.xlane v17, v0;
	v18 =	vadd.s32 v3, v52  }
0x2ac: {  	[tilespmem:s15], [sflag:$0x2] =	stream.indirect_vreg.gather [hbm4b:s10+s5], $0x80, v19, vm0, $0xb8;
	[tilespmem:$0x1D000] =	vst v63  }
0x2ad: {  	v54 =	vperm.xlane v17, v9;
	v19 =	vadd.s32 v3, v53  }
0x2ae: {  	[tilespmem:s21], [sflag:$0x2] =	stream.indirect_vreg.gather [hbm4b:s10+s5], $0x80, v51, vm0, $0xb8;
	[tilespmem:$0x1D000] =	vst v63  }
0x2af: {  	v56 =	vperm.xlane v17, v10;
	v55 =	vadd.s32 v3, v54  }
0x2b0: {  	[tilespmem:s22], [sflag:$0x2] =	stream.indirect_vreg.gather [hbm4b:s10+s5], $0x80, v18, vm0, $0xb8;
	[tilespmem:$0x1D000] =	vst v63  }
0x2b1: {  	v57 =	vperm.xlane v17, v11;
	v18 =	vadd.s32 v3, v56  }
0x2b2: {  	[tilespmem:s23], [sflag:$0x2] =	stream.indirect_vreg.gather [hbm4b:s10+s5], $0x80, v19, vm0, $0xb8;
	[tilespmem:$0x1D000] =	vst v63  }
0x2b3: {  	v58 =	vperm.xlane v17, v12;
	v19 =	vadd.s32 v3, v57  }
0x2b4: {  	[tilespmem:s17], [sflag:$0x2] =	stream.indirect_vreg.gather [hbm4b:s10+s5], $0x80, v55, vm0, $0xb8;
	[tilespmem:$0x1D000] =	vst v63  }
0x2b5: {  	v60 =	vperm.xlane v17, v13;
	v59 =	vadd.s32 v3, v58  }
0x2b6: {  	[tilespmem:s20], [sflag:$0x2] =	stream.indirect_vreg.gather [hbm4b:s10+s5], $0x80, v18, vm0, $0xb8;
	[tilespmem:$0x1D000] =	vst v63  }
0x2b7: {  	v61 =	vperm.xlane v17, v14;
	v18 =	vadd.s32 v3, v60  }
0x2b8: {  	[tilespmem:s18], [sflag:$0x2] =	stream.indirect_vreg.gather [hbm4b:s10+s5], $0x80, v19, vm0, $0xb8;
	[tilespmem:$0x1D000] =	vst v63  }
0x2b9: {  	v62 =	vperm.xlane v17, v15;
	v19 =	vadd.s32 v3, v61  }
0x2ba: {  	[tilespmem:s6], [sflag:$0x2] =	stream.indirect_vreg.gather [hbm4b:s10+s5], $0x80, v59, vm0, $0xb8;
	[tilespmem:$0x1D000] =	vst v63  }
0x2bb: {  	v17 =	vperm.xlane v17, v16;
	v63 =	vadd.s32 v3, v62  }
0x2bc: {  	[tilespmem:s9], [sflag:$0x2] =	stream.indirect_vreg.gather [hbm4b:s10+s5], $0x80, v18, vm0, $0xb8;
	[tilespmem:$0x1D000] =	vst v63  }
0x2bd: {  	v17 =	vadd.s32 v3, v17  }
0x2be: {  	[tilespmem:s13], [sflag:$0x2] =	stream.indirect_vreg.gather [hbm4b:s10+s5], $0x80, v19, vm0, $0xb8;
	[tilespmem:$0x1D000] =	vst v63  }
0x2bf: {  	_ = 	snop  }
0x2c0: {  	[tilespmem:s2], [sflag:$0x2] =	stream.indirect_vreg.gather [hbm4b:s10+s5], $0x80, v63, vm0, $0xb8;
	[tilespmem:$0x1D000] =	vst v63  }
0x2c1: {  	_ = 	snop  }
0x2c2: {  	[tilespmem:s26], [sflag:$0x2] =	stream.indirect_vreg.gather [hbm4b:s10+s5], $0x80, v17, vm0, $0xb8;
	[tilespmem:$0x1D000] =	vst v63  }
0x2c3: {  	_ =	swait.ge [sflag:s28], $0x4000  }
0x2c4: {  	p1 =	seq.s32 s31, $0x1C00;
	[sflag:s28] =	ssyncset.done $0x0  }
.Ltmp7:
0x2c5: {  	s3 =	sadd.s32 $0x800, s0;
	[sflag:s28] =	ssyncadd.s32 $0xFFFFC000;
	(pc) =	sbr.rel @p1 .LBB2_10-.Ltmp7, $4  }
0x2c6: {  	[spmem:s4] =	stream.indirect.scatter.add.f32 [tilespmem:s16], [sflag:$0x3], $0x80, s3, s29, $0xb8;
	[tilespmem:$0x1D000] =	vst v63  }
0x2c7: {  	_ =	swait.ge [sflag:s14], $0x4000  }
0x2c8: {  	[sflag:s14] =	ssyncset.done $0x0  }
0x2c9: {  	[sflag:s14] =	ssyncadd.s32 $0xFFFFC000  }
0x2ca: {  	v17 =	vld [tilespmem:s0+$0x100];
	_ =	sdelay $0x4  }
0x2cb: {  	v18 =	vshll.u32 v17, $0x1  }
0x2cc: {  	v17 =	vand.u32 $0x7, v17;
	v18 =	vand.u32 $0xFFFFFFF0, v18  }
0x2cd: {  	v17 =	vor.u32 v17, v18  }
0x2ce: {  	v18 =	vperm.xlane v17, v2;
	_ =	sdelay $0x1  }
0x2cf: {  	v19 =	vperm.xlane v17, v1;
	v18 =	vadd.s32 v3, v18;
	_ =	sdelay $0x1  }
0x2d0: {  	v20 =	vperm.xlane v17, v4;
	v19 =	vadd.s32 v3, v19;
	_ =	sdelay $0x1  }
0x2d1: {  	v21 =	vperm.xlane v17, v5;
	v20 =	vadd.s32 v3, v20  }
0x2d2: {  	[tilespmem:s16], [sflag:$0x1] =	stream.indirect_vreg.gather [hbm4b:s10+s5], $0x80, v18, vm0, $0xb8;
	[tilespmem:$0x1D000] =	vst v63  }
0x2d3: {  	s3 =	simm.s32 $0x1080;
	v50 =	vperm.xlane v17, v6;
	v18 =	vadd.s32 v3, v21  }
0x2d4: {  	[tilespmem:s3], [sflag:$0x1] =	stream.indirect_vreg.gather [hbm4b:s10+s5], $0x80, v19, vm0, $0xb8;
	[tilespmem:$0x1D000] =	vst v63  }
0x2d5: {  	v51 =	vperm.xlane v17, v7;
	v19 =	vadd.s32 v3, v50;
	s3 =	simm.s32 $0x1100  }
0x2d6: {  	[tilespmem:s3], [sflag:$0x1] =	stream.indirect_vreg.gather [hbm4b:s10+s5], $0x80, v20, vm0, $0xb8;
	[tilespmem:$0x1D000] =	vst v63  }
0x2d7: {  	v53 =	vperm.xlane v17, v8;
	v52 =	vadd.s32 v3, v51;
	s3 =	simm.s32 $0x1180  }
0x2d8: {  	[tilespmem:s3], [sflag:$0x1] =	stream.indirect_vreg.gather [hbm4b:s10+s5], $0x80, v18, vm0, $0xb8;
	[tilespmem:$0x1D000] =	vst v63  }
0x2d9: {  	v54 =	vperm.xlane v17, v0;
	v18 =	vadd.s32 v3, v53;
	s3 =	simm.s32 $0x1200  }
0x2da: {  	[tilespmem:s3], [sflag:$0x1] =	stream.indirect_vreg.gather [hbm4b:s10+s5], $0x80, v19, vm0, $0xb8;
	[tilespmem:$0x1D000] =	vst v63  }
0x2db: {  	v55 =	vperm.xlane v17, v9;
	v19 =	vadd.s32 v3, v54;
	s3 =	simm.s32 $0x1280  }
0x2dc: {  	[tilespmem:s3], [sflag:$0x1] =	stream.indirect_vreg.gather [hbm4b:s10+s5], $0x80, v52, vm0, $0xb8;
	[tilespmem:$0x1D000] =	vst v63  }
0x2dd: {  	v57 =	vperm.xlane v17, v10;
	v56 =	vadd.s32 v3, v55;
	s3 =	simm.s32 $0x1300  }
0x2de: {  	[tilespmem:s3], [sflag:$0x1] =	stream.indirect_vreg.gather [hbm4b:s10+s5], $0x80, v18, vm0, $0xb8;
	[tilespmem:$0x1D000] =	vst v63  }
0x2df: {  	v58 =	vperm.xlane v17, v11;
	v18 =	vadd.s32 v3, v57;
	s3 =	simm.s32 $0x1380  }
0x2e0: {  	[tilespmem:s3], [sflag:$0x1] =	stream.indirect_vreg.gather [hbm4b:s10+s5], $0x80, v19, vm0, $0xb8;
	[tilespmem:$0x1D000] =	vst v63  }
0x2e1: {  	v59 =	vperm.xlane v17, v12;
	v19 =	vadd.s32 v3, v58;
	s3 =	simm.s32 $0x1400  }
0x2e2: {  	[tilespmem:s3], [sflag:$0x1] =	stream.indirect_vreg.gather [hbm4b:s10+s5], $0x80, v56, vm0, $0xb8;
	[tilespmem:$0x1D000] =	vst v63  }
0x2e3: {  	v61 =	vperm.xlane v17, v13;
	v60 =	vadd.s32 v3, v59;
	s3 =	simm.s32 $0x1480  }
0x2e4: {  	[tilespmem:s3], [sflag:$0x1] =	stream.indirect_vreg.gather [hbm4b:s10+s5], $0x80, v18, vm0, $0xb8;
	[tilespmem:$0x1D000] =	vst v63  }
0x2e5: {  	v62 =	vperm.xlane v17, v14;
	v18 =	vadd.s32 v3, v61;
	s3 =	simm.s32 $0x1500  }
0x2e6: {  	[tilespmem:s3], [sflag:$0x1] =	stream.indirect_vreg.gather [hbm4b:s10+s5], $0x80, v19, vm0, $0xb8;
	[tilespmem:$0x1D000] =	vst v63  }
0x2e7: {  	v63 =	vperm.xlane v17, v15;
	v19 =	vadd.s32 v3, v62;
	s3 =	simm.s32 $0x1580  }
0x2e8: {  	[tilespmem:s3], [sflag:$0x1] =	stream.indirect_vreg.gather [hbm4b:s10+s5], $0x80, v60, vm0, $0xb8;
	[tilespmem:$0x1D000] =	vst v63  }
0x2e9: {  	v17 =	vperm.xlane v17, v16;
	v24 =	vadd.s32 v3, v63;
	s3 =	simm.s32 $0x1600  }
0x2ea: {  	[tilespmem:s3], [sflag:$0x1] =	stream.indirect_vreg.gather [hbm4b:s10+s5], $0x80, v18, vm0, $0xb8;
	[tilespmem:$0x1D000] =	vst v63  }
0x2eb: {  	v17 =	vadd.s32 v3, v17;
	s3 =	simm.s32 $0x1680  }
0x2ec: {  	[tilespmem:s3], [sflag:$0x1] =	stream.indirect_vreg.gather [hbm4b:s10+s5], $0x80, v19, vm0, $0xb8;
	[tilespmem:$0x1D000] =	vst v63  }
0x2ed: {  	s3 =	simm.s32 $0x1700  }
0x2ee: {  	[tilespmem:s3], [sflag:$0x1] =	stream.indirect_vreg.gather [hbm4b:s10+s5], $0x80, v24, vm0, $0xb8;
	[tilespmem:$0x1D000] =	vst v63  }
0x2ef: {  	s3 =	simm.s32 $0x1780  }
0x2f0: {  	[tilespmem:s3], [sflag:$0x1] =	stream.indirect_vreg.gather [hbm4b:s10+s5], $0x80, v17, vm0, $0xb8;
	[tilespmem:$0x1D000] =	vst v63  }
0x2f1: {  	v17 =	vld [tilespmem:s0+$0x110];
	_ =	sdelay $0x4  }
0x2f2: {  	v18 =	vshll.u32 v17, $0x1  }
0x2f3: {  	v17 =	vand.u32 $0x7, v17;
	v18 =	vand.u32 $0xFFFFFFF0, v18  }
0x2f4: {  	v17 =	vor.u32 v17, v18  }
0x2f5: {  	v18 =	vperm.xlane v17, v2;
	_ =	sdelay $0x1  }
0x2f6: {  	v19 =	vperm.xlane v17, v1;
	v18 =	vadd.s32 v3, v18;
	_ =	sdelay $0x1  }
0x2f7: {  	v25 =	vperm.xlane v17, v4;
	v19 =	vadd.s32 v3, v19;
	_ =	sdelay $0x1  }
0x2f8: {  	s3 =	simm.s32 $0x1800;
	v26 =	vperm.xlane v17, v5;
	v20 =	vadd.s32 v3, v25  }
0x2f9: {  	[tilespmem:s3], [sflag:$0x1] =	stream.indirect_vreg.gather [hbm4b:s10+s5], $0x80, v18, vm0, $0xb8;
	[tilespmem:$0x1D000] =	vst v63  }
0x2fa: {  	v27 =	vperm.xlane v17, v6;
	v18 =	vadd.s32 v3, v26;
	s3 =	simm.s32 $0x1880  }
0x2fb: {  	[tilespmem:s3], [sflag:$0x1] =	stream.indirect_vreg.gather [hbm4b:s10+s5], $0x80, v19, vm0, $0xb8;
	[tilespmem:$0x1D000] =	vst v63  }
0x2fc: {  	v28 =	vperm.xlane v17, v7;
	v19 =	vadd.s32 v3, v27;
	s3 =	simm.s32 $0x1900  }
0x2fd: {  	[tilespmem:s3], [sflag:$0x1] =	stream.indirect_vreg.gather [hbm4b:s10+s5], $0x80, v20, vm0, $0xb8;
	[tilespmem:$0x1D000] =	vst v63  }
0x2fe: {  	v30 =	vperm.xlane v17, v8;
	v29 =	vadd.s32 v3, v28;
	s3 =	simm.s32 $0x1980  }
0x2ff: {  	[tilespmem:s3], [sflag:$0x1] =	stream.indirect_vreg.gather [hbm4b:s10+s5], $0x80, v18, vm0, $0xb8;
	[tilespmem:$0x1D000] =	vst v63  }
0x300: {  	v31 =	vperm.xlane v17, v0;
	v18 =	vadd.s32 v3, v30;
	s3 =	simm.s32 $0x1A00  }
0x301: {  	[tilespmem:s3], [sflag:$0x1] =	stream.indirect_vreg.gather [hbm4b:s10+s5], $0x80, v19, vm0, $0xb8;
	[tilespmem:$0x1D000] =	vst v63  }
0x302: {  	v32 =	vperm.xlane v17, v9;
	v19 =	vadd.s32 v3, v31;
	s3 =	simm.s32 $0x1A80  }
0x303: {  	[tilespmem:s3], [sflag:$0x1] =	stream.indirect_vreg.gather [hbm4b:s10+s5], $0x80, v29, vm0, $0xb8;
	[tilespmem:$0x1D000] =	vst v63  }
0x304: {  	v34 =	vperm.xlane v17, v10;
	v33 =	vadd.s32 v3, v32;
	s3 =	simm.s32 $0x1B00  }
0x305: {  	[tilespmem:s3], [sflag:$0x1] =	stream.indirect_vreg.gather [hbm4b:s10+s5], $0x80, v18, vm0, $0xb8;
	[tilespmem:$0x1D000] =	vst v63  }
0x306: {  	v35 =	vperm.xlane v17, v11;
	v18 =	vadd.s32 v3, v34;
	s3 =	simm.s32 $0x1B80  }
0x307: {  	[tilespmem:s3], [sflag:$0x1] =	stream.indirect_vreg.gather [hbm4b:s10+s5], $0x80, v19, vm0, $0xb8;
	[tilespmem:$0x1D000] =	vst v63  }
0x308: {  	v36 =	vperm.xlane v17, v12;
	v19 =	vadd.s32 v3, v35;
	s3 =	simm.s32 $0x1C00  }
0x309: {  	[tilespmem:s3], [sflag:$0x1] =	stream.indirect_vreg.gather [hbm4b:s10+s5], $0x80, v33, vm0, $0xb8;
	[tilespmem:$0x1D000] =	vst v63  }
0x30a: {  	v38 =	vperm.xlane v17, v13;
	v37 =	vadd.s32 v3, v36;
	s3 =	simm.s32 $0x1C80  }
0x30b: {  	[tilespmem:s3], [sflag:$0x1] =	stream.indirect_vreg.gather [hbm4b:s10+s5], $0x80, v18, vm0, $0xb8;
	[tilespmem:$0x1D000] =	vst v63  }
0x30c: {  	v39 =	vperm.xlane v17, v14;
	v18 =	vadd.s32 v3, v38;
	s3 =	simm.s32 $0x1D00  }
0x30d: {  	[tilespmem:s3], [sflag:$0x1] =	stream.indirect_vreg.gather [hbm4b:s10+s5], $0x80, v19, vm0, $0xb8;
	[tilespmem:$0x1D000] =	vst v63  }
0x30e: {  	v40 =	vperm.xlane v17, v15;
	v19 =	vadd.s32 v3, v39;
	s3 =	simm.s32 $0x1D80  }
0x30f: {  	[tilespmem:s3], [sflag:$0x1] =	stream.indirect_vreg.gather [hbm4b:s10+s5], $0x80, v37, vm0, $0xb8;
	[tilespmem:$0x1D000] =	vst v63  }
0x310: {  	v17 =	vperm.xlane v17, v16;
	v41 =	vadd.s32 v3, v40;
	s3 =	simm.s32 $0x1E00  }
0x311: {  	[tilespmem:s3], [sflag:$0x1] =	stream.indirect_vreg.gather [hbm4b:s10+s5], $0x80, v18, vm0, $0xb8;
	[tilespmem:$0x1D000] =	vst v63  }
0x312: {  	v17 =	vadd.s32 v3, v17;
	s3 =	simm.s32 $0x1E80  }
0x313: {  	[tilespmem:s3], [sflag:$0x1] =	stream.indirect_vreg.gather [hbm4b:s10+s5], $0x80, v19, vm0, $0xb8;
	[tilespmem:$0x1D000] =	vst v63  }
0x314: {  	s3 =	simm.s32 $0x1F00  }
0x315: {  	[tilespmem:s3], [sflag:$0x1] =	stream.indirect_vreg.gather [hbm4b:s10+s5], $0x80, v41, vm0, $0xb8;
	[tilespmem:$0x1D000] =	vst v63  }
0x316: {  	s3 =	simm.s32 $0x1F80  }
0x317: {  	[tilespmem:s3], [sflag:$0x1] =	stream.indirect_vreg.gather [hbm4b:s10+s5], $0x80, v17, vm0, $0xb8;
	[tilespmem:$0x1D000] =	vst v63  }
0x318: {  	v17 =	vld [tilespmem:s0+$0x120];
	_ =	sdelay $0x4  }
0x319: {  	v18 =	vshll.u32 v17, $0x1  }
0x31a: {  	v17 =	vand.u32 $0x7, v17;
	v18 =	vand.u32 $0xFFFFFFF0, v18  }
0x31b: {  	v17 =	vor.u32 v17, v18  }
0x31c: {  	v18 =	vperm.xlane v17, v2;
	_ =	sdelay $0x1  }
0x31d: {  	v19 =	vperm.xlane v17, v1;
	v18 =	vadd.s32 v3, v18;
	_ =	sdelay $0x1  }
0x31e: {  	v42 =	vperm.xlane v17, v4;
	v19 =	vadd.s32 v3, v19;
	_ =	sdelay $0x1  }
0x31f: {  	s3 =	simm.s32 $0x2000;
	v43 =	vperm.xlane v17, v5;
	v20 =	vadd.s32 v3, v42  }
0x320: {  	[tilespmem:s3], [sflag:$0x1] =	stream.indirect_vreg.gather [hbm4b:s10+s5], $0x80, v18, vm0, $0xb8;
	[tilespmem:$0x1D000] =	vst v63  }
0x321: {  	v44 =	vperm.xlane v17, v6;
	v18 =	vadd.s32 v3, v43;
	s3 =	simm.s32 $0x2080  }
0x322: {  	[tilespmem:s3], [sflag:$0x1] =	stream.indirect_vreg.gather [hbm4b:s10+s5], $0x80, v19, vm0, $0xb8;
	[tilespmem:$0x1D000] =	vst v63  }
0x323: {  	v45 =	vperm.xlane v17, v7;
	v19 =	vadd.s32 v3, v44;
	s3 =	simm.s32 $0x2100  }
0x324: {  	[tilespmem:s3], [sflag:$0x1] =	stream.indirect_vreg.gather [hbm4b:s10+s5], $0x80, v20, vm0, $0xb8;
	[tilespmem:$0x1D000] =	vst v63  }
0x325: {  	v47 =	vperm.xlane v17, v8;
	v46 =	vadd.s32 v3, v45;
	s3 =	simm.s32 $0x2180  }
0x326: {  	[tilespmem:s3], [sflag:$0x1] =	stream.indirect_vreg.gather [hbm4b:s10+s5], $0x80, v18, vm0, $0xb8;
	[tilespmem:$0x1D000] =	vst v63  }
0x327: {  	v48 =	vperm.xlane v17, v0;
	v18 =	vadd.s32 v3, v47;
	s3 =	simm.s32 $0x2200  }
0x328: {  	[tilespmem:s3], [sflag:$0x1] =	stream.indirect_vreg.gather [hbm4b:s10+s5], $0x80, v19, vm0, $0xb8;
	[tilespmem:$0x1D000] =	vst v63  }
0x329: {  	v49 =	vperm.xlane v17, v9;
	v19 =	vadd.s32 v3, v48;
	s3 =	simm.s32 $0x2280  }
0x32a: {  	[tilespmem:s3], [sflag:$0x1] =	stream.indirect_vreg.gather [hbm4b:s10+s5], $0x80, v46, vm0, $0xb8;
	[tilespmem:$0x1D000] =	vst v63  }
0x32b: {  	v51 =	vperm.xlane v17, v10;
	v50 =	vadd.s32 v3, v49;
	s3 =	simm.s32 $0x2300  }
0x32c: {  	[tilespmem:s3], [sflag:$0x1] =	stream.indirect_vreg.gather [hbm4b:s10+s5], $0x80, v18, vm0, $0xb8;
	[tilespmem:$0x1D000] =	vst v63  }
0x32d: {  	v52 =	vperm.xlane v17, v11;
	v18 =	vadd.s32 v3, v51;
	s3 =	simm.s32 $0x2380  }
0x32e: {  	[tilespmem:s3], [sflag:$0x1] =	stream.indirect_vreg.gather [hbm4b:s10+s5], $0x80, v19, vm0, $0xb8;
	[tilespmem:$0x1D000] =	vst v63  }
0x32f: {  	v53 =	vperm.xlane v17, v12;
	v19 =	vadd.s32 v3, v52;
	s3 =	simm.s32 $0x2400  }
0x330: {  	[tilespmem:s3], [sflag:$0x1] =	stream.indirect_vreg.gather [hbm4b:s10+s5], $0x80, v50, vm0, $0xb8;
	[tilespmem:$0x1D000] =	vst v63  }
0x331: {  	v55 =	vperm.xlane v17, v13;
	v54 =	vadd.s32 v3, v53;
	s3 =	simm.s32 $0x2480  }
0x332: {  	[tilespmem:s3], [sflag:$0x1] =	stream.indirect_vreg.gather [hbm4b:s10+s5], $0x80, v18, vm0, $0xb8;
	[tilespmem:$0x1D000] =	vst v63  }
0x333: {  	v56 =	vperm.xlane v17, v14;
	v18 =	vadd.s32 v3, v55;
	s3 =	simm.s32 $0x2500  }
0x334: {  	[tilespmem:s3], [sflag:$0x1] =	stream.indirect_vreg.gather [hbm4b:s10+s5], $0x80, v19, vm0, $0xb8;
	[tilespmem:$0x1D000] =	vst v63  }
0x335: {  	v57 =	vperm.xlane v17, v15;
	v19 =	vadd.s32 v3, v56;
	s3 =	simm.s32 $0x2580  }
0x336: {  	[tilespmem:s3], [sflag:$0x1] =	stream.indirect_vreg.gather [hbm4b:s10+s5], $0x80, v54, vm0, $0xb8;
	[tilespmem:$0x1D000] =	vst v63  }
0x337: {  	v17 =	vperm.xlane v17, v16;
	v58 =	vadd.s32 v3, v57;
	s3 =	simm.s32 $0x2600  }
0x338: {  	[tilespmem:s3], [sflag:$0x1] =	stream.indirect_vreg.gather [hbm4b:s10+s5], $0x80, v18, vm0, $0xb8;
	[tilespmem:$0x1D000] =	vst v63  }
0x339: {  	v17 =	vadd.s32 v3, v17;
	s3 =	simm.s32 $0x2680  }
0x33a: {  	[tilespmem:s3], [sflag:$0x1] =	stream.indirect_vreg.gather [hbm4b:s10+s5], $0x80, v19, vm0, $0xb8;
	[tilespmem:$0x1D000] =	vst v63  }
0x33b: {  	s3 =	simm.s32 $0x2700  }
0x33c: {  	[tilespmem:s3], [sflag:$0x1] =	stream.indirect_vreg.gather [hbm4b:s10+s5], $0x80, v58, vm0, $0xb8;
	[tilespmem:$0x1D000] =	vst v63  }
0x33d: {  	s3 =	simm.s32 $0x2780  }
0x33e: {  	[tilespmem:s3], [sflag:$0x1] =	stream.indirect_vreg.gather [hbm4b:s10+s5], $0x80, v17, vm0, $0xb8;
	[tilespmem:$0x1D000] =	vst v63  }
0x33f: {  	v17 =	vld [tilespmem:s0+$0x130];
	_ =	sdelay $0x4  }
0x340: {  	v18 =	vshll.u32 v17, $0x1  }
0x341: {  	v17 =	vand.u32 $0x7, v17;
	v18 =	vand.u32 $0xFFFFFFF0, v18  }
0x342: {  	v17 =	vor.u32 v17, v18  }
0x343: {  	v18 =	vperm.xlane v17, v2;
	_ =	sdelay $0x1  }
0x344: {  	v19 =	vperm.xlane v17, v1;
	v18 =	vadd.s32 v3, v18;
	_ =	sdelay $0x1  }
0x345: {  	v59 =	vperm.xlane v17, v4;
	v19 =	vadd.s32 v3, v19;
	_ =	sdelay $0x1  }
0x346: {  	s3 =	simm.s32 $0x2800;
	v60 =	vperm.xlane v17, v5;
	v20 =	vadd.s32 v3, v59  }
0x347: {  	[tilespmem:s3], [sflag:$0x1] =	stream.indirect_vreg.gather [hbm4b:s10+s5], $0x80, v18, vm0, $0xb8;
	[tilespmem:$0x1D000] =	vst v63  }
0x348: {  	v61 =	vperm.xlane v17, v6;
	v18 =	vadd.s32 v3, v60;
	s3 =	simm.s32 $0x2880  }
0x349: {  	[tilespmem:s3], [sflag:$0x1] =	stream.indirect_vreg.gather [hbm4b:s10+s5], $0x80, v19, vm0, $0xb8;
	[tilespmem:$0x1D000] =	vst v63  }
0x34a: {  	v62 =	vperm.xlane v17, v7;
	v19 =	vadd.s32 v3, v61;
	s3 =	simm.s32 $0x2900  }
0x34b: {  	[tilespmem:s3], [sflag:$0x1] =	stream.indirect_vreg.gather [hbm4b:s10+s5], $0x80, v20, vm0, $0xb8;
	[tilespmem:$0x1D000] =	vst v63  }
0x34c: {  	v24 =	vperm.xlane v17, v8;
	v63 =	vadd.s32 v3, v62;
	s3 =	simm.s32 $0x2980  }
0x34d: {  	[tilespmem:s3], [sflag:$0x1] =	stream.indirect_vreg.gather [hbm4b:s10+s5], $0x80, v18, vm0, $0xb8;
	[tilespmem:$0x1D000] =	vst v63  }
0x34e: {  	v25 =	vperm.xlane v17, v0;
	v18 =	vadd.s32 v3, v24;
	s3 =	simm.s32 $0x2A00  }
0x34f: {  	[tilespmem:s3], [sflag:$0x1] =	stream.indirect_vreg.gather [hbm4b:s10+s5], $0x80, v19, vm0, $0xb8;
	[tilespmem:$0x1D000] =	vst v63  }
0x350: {  	v26 =	vperm.xlane v17, v9;
	v19 =	vadd.s32 v3, v25;
	s3 =	simm.s32 $0x2A80  }
0x351: {  	[tilespmem:s3], [sflag:$0x1] =	stream.indirect_vreg.gather [hbm4b:s10+s5], $0x80, v63, vm0, $0xb8;
	[tilespmem:$0x1D000] =	vst v63  }
0x352: {  	v28 =	vperm.xlane v17, v10;
	v27 =	vadd.s32 v3, v26;
	s3 =	simm.s32 $0x2B00  }
0x353: {  	[tilespmem:s3], [sflag:$0x1] =	stream.indirect_vreg.gather [hbm4b:s10+s5], $0x80, v18, vm0, $0xb8;
	[tilespmem:$0x1D000] =	vst v63  }
0x354: {  	v29 =	vperm.xlane v17, v11;
	v18 =	vadd.s32 v3, v28;
	s3 =	simm.s32 $0x2B80  }
0x355: {  	[tilespmem:s3], [sflag:$0x1] =	stream.indirect_vreg.gather [hbm4b:s10+s5], $0x80, v19, vm0, $0xb8;
	[tilespmem:$0x1D000] =	vst v63  }
0x356: {  	v30 =	vperm.xlane v17, v12;
	v19 =	vadd.s32 v3, v29;
	s3 =	simm.s32 $0x2C00  }
0x357: {  	[tilespmem:s3], [sflag:$0x1] =	stream.indirect_vreg.gather [hbm4b:s10+s5], $0x80, v27, vm0, $0xb8;
	[tilespmem:$0x1D000] =	vst v63  }
0x358: {  	v32 =	vperm.xlane v17, v13;
	v31 =	vadd.s32 v3, v30;
	s3 =	simm.s32 $0x2C80  }
0x359: {  	[tilespmem:s3], [sflag:$0x1] =	stream.indirect_vreg.gather [hbm4b:s10+s5], $0x80, v18, vm0, $0xb8;
	[tilespmem:$0x1D000] =	vst v63  }
0x35a: {  	v33 =	vperm.xlane v17, v14;
	v18 =	vadd.s32 v3, v32;
	s3 =	simm.s32 $0x2D00  }
0x35b: {  	[tilespmem:s3], [sflag:$0x1] =	stream.indirect_vreg.gather [hbm4b:s10+s5], $0x80, v19, vm0, $0xb8;
	[tilespmem:$0x1D000] =	vst v63  }
0x35c: {  	v34 =	vperm.xlane v17, v15;
	v19 =	vadd.s32 v3, v33;
	s3 =	simm.s32 $0x2D80  }
0x35d: {  	[tilespmem:s3], [sflag:$0x1] =	stream.indirect_vreg.gather [hbm4b:s10+s5], $0x80, v31, vm0, $0xb8;
	[tilespmem:$0x1D000] =	vst v63  }
0x35e: {  	v17 =	vperm.xlane v17, v16;
	v35 =	vadd.s32 v3, v34;
	s3 =	simm.s32 $0x2E00  }
0x35f: {  	[tilespmem:s3], [sflag:$0x1] =	stream.indirect_vreg.gather [hbm4b:s10+s5], $0x80, v18, vm0, $0xb8;
	[tilespmem:$0x1D000] =	vst v63  }
0x360: {  	v17 =	vadd.s32 v3, v17;
	s3 =	simm.s32 $0x2E80  }
0x361: {  	[tilespmem:s3], [sflag:$0x1] =	stream.indirect_vreg.gather [hbm4b:s10+s5], $0x80, v19, vm0, $0xb8;
	[tilespmem:$0x1D000] =	vst v63  }
0x362: {  	s3 =	simm.s32 $0x2F00  }
0x363: {  	[tilespmem:s3], [sflag:$0x1] =	stream.indirect_vreg.gather [hbm4b:s10+s5], $0x80, v35, vm0, $0xb8;
	[tilespmem:$0x1D000] =	vst v63  }
0x364: {  	s3 =	simm.s32 $0x2F80  }
0x365: {  	[tilespmem:s3], [sflag:$0x1] =	stream.indirect_vreg.gather [hbm4b:s10+s5], $0x80, v17, vm0, $0xb8;
	[tilespmem:$0x1D000] =	vst v63  }
0x366: {  	v17 =	vld [tilespmem:s0+$0x140];
	_ =	sdelay $0x4  }
0x367: {  	v18 =	vshll.u32 v17, $0x1  }
0x368: {  	v17 =	vand.u32 $0x7, v17;
	v18 =	vand.u32 $0xFFFFFFF0, v18  }
0x369: {  	v17 =	vor.u32 v17, v18  }
0x36a: {  	v18 =	vperm.xlane v17, v2;
	_ =	sdelay $0x1  }
0x36b: {  	v19 =	vperm.xlane v17, v1;
	v18 =	vadd.s32 v3, v18;
	_ =	sdelay $0x1  }
0x36c: {  	v36 =	vperm.xlane v17, v4;
	v19 =	vadd.s32 v3, v19;
	_ =	sdelay $0x1  }
0x36d: {  	s3 =	simm.s32 $0x3000;
	v37 =	vperm.xlane v17, v5;
	v20 =	vadd.s32 v3, v36  }
0x36e: {  	[tilespmem:s3], [sflag:$0x1] =	stream.indirect_vreg.gather [hbm4b:s10+s5], $0x80, v18, vm0, $0xb8;
	[tilespmem:$0x1D000] =	vst v63  }
0x36f: {  	v38 =	vperm.xlane v17, v6;
	v18 =	vadd.s32 v3, v37;
	s3 =	simm.s32 $0x3080  }
0x370: {  	[tilespmem:s3], [sflag:$0x1] =	stream.indirect_vreg.gather [hbm4b:s10+s5], $0x80, v19, vm0, $0xb8;
	[tilespmem:$0x1D000] =	vst v63  }
0x371: {  	v39 =	vperm.xlane v17, v7;
	v19 =	vadd.s32 v3, v38;
	s3 =	simm.s32 $0x3100  }
0x372: {  	[tilespmem:s3], [sflag:$0x1] =	stream.indirect_vreg.gather [hbm4b:s10+s5], $0x80, v20, vm0, $0xb8;
	[tilespmem:$0x1D000] =	vst v63  }
0x373: {  	v41 =	vperm.xlane v17, v8;
	v40 =	vadd.s32 v3, v39;
	s3 =	simm.s32 $0x3180  }
0x374: {  	[tilespmem:s3], [sflag:$0x1] =	stream.indirect_vreg.gather [hbm4b:s10+s5], $0x80, v18, vm0, $0xb8;
	[tilespmem:$0x1D000] =	vst v63  }
0x375: {  	v42 =	vperm.xlane v17, v0;
	v18 =	vadd.s32 v3, v41;
	s3 =	simm.s32 $0x3200  }
0x376: {  	[tilespmem:s3], [sflag:$0x1] =	stream.indirect_vreg.gather [hbm4b:s10+s5], $0x80, v19, vm0, $0xb8;
	[tilespmem:$0x1D000] =	vst v63  }
0x377: {  	v43 =	vperm.xlane v17, v9;
	v19 =	vadd.s32 v3, v42;
	s3 =	simm.s32 $0x3280  }
0x378: {  	[tilespmem:s3], [sflag:$0x1] =	stream.indirect_vreg.gather [hbm4b:s10+s5], $0x80, v40, vm0, $0xb8;
	[tilespmem:$0x1D000] =	vst v63  }
0x379: {  	v45 =	vperm.xlane v17, v10;
	v44 =	vadd.s32 v3, v43;
	s3 =	simm.s32 $0x3300  }
0x37a: {  	[tilespmem:s3], [sflag:$0x1] =	stream.indirect_vreg.gather [hbm4b:s10+s5], $0x80, v18, vm0, $0xb8;
	[tilespmem:$0x1D000] =	vst v63  }
0x37b: {  	v46 =	vperm.xlane v17, v11;
	v18 =	vadd.s32 v3, v45;
	s3 =	simm.s32 $0x3380  }
0x37c: {  	[tilespmem:s3], [sflag:$0x1] =	stream.indirect_vreg.gather [hbm4b:s10+s5], $0x80, v19, vm0, $0xb8;
	[tilespmem:$0x1D000] =	vst v63  }
0x37d: {  	v47 =	vperm.xlane v17, v12;
	v19 =	vadd.s32 v3, v46;
	s3 =	simm.s32 $0x3400  }
0x37e: {  	[tilespmem:s3], [sflag:$0x1] =	stream.indirect_vreg.gather [hbm4b:s10+s5], $0x80, v44, vm0, $0xb8;
	[tilespmem:$0x1D000] =	vst v63  }
0x37f: {  	v49 =	vperm.xlane v17, v13;
	v48 =	vadd.s32 v3, v47;
	s3 =	simm.s32 $0x3480  }
0x380: {  	[tilespmem:s3], [sflag:$0x1] =	stream.indirect_vreg.gather [hbm4b:s10+s5], $0x80, v18, vm0, $0xb8;
	[tilespmem:$0x1D000] =	vst v63  }
0x381: {  	v50 =	vperm.xlane v17, v14;
	v18 =	vadd.s32 v3, v49;
	s3 =	simm.s32 $0x3500  }
0x382: {  	[tilespmem:s3], [sflag:$0x1] =	stream.indirect_vreg.gather [hbm4b:s10+s5], $0x80, v19, vm0, $0xb8;
	[tilespmem:$0x1D000] =	vst v63  }
0x383: {  	v51 =	vperm.xlane v17, v15;
	v19 =	vadd.s32 v3, v50;
	s3 =	simm.s32 $0x3580  }
0x384: {  	[tilespmem:s3], [sflag:$0x1] =	stream.indirect_vreg.gather [hbm4b:s10+s5], $0x80, v48, vm0, $0xb8;
	[tilespmem:$0x1D000] =	vst v63  }
0x385: {  	v17 =	vperm.xlane v17, v16;
	v52 =	vadd.s32 v3, v51;
	s3 =	simm.s32 $0x3600  }
0x386: {  	[tilespmem:s3], [sflag:$0x1] =	stream.indirect_vreg.gather [hbm4b:s10+s5], $0x80, v18, vm0, $0xb8;
	[tilespmem:$0x1D000] =	vst v63  }
0x387: {  	v17 =	vadd.s32 v3, v17;
	s3 =	simm.s32 $0x3680  }
0x388: {  	[tilespmem:s3], [sflag:$0x1] =	stream.indirect_vreg.gather [hbm4b:s10+s5], $0x80, v19, vm0, $0xb8;
	[tilespmem:$0x1D000] =	vst v63  }
0x389: {  	s3 =	simm.s32 $0x3700  }
0x38a: {  	[tilespmem:s3], [sflag:$0x1] =	stream.indirect_vreg.gather [hbm4b:s10+s5], $0x80, v52, vm0, $0xb8;
	[tilespmem:$0x1D000] =	vst v63  }
0x38b: {  	s3 =	simm.s32 $0x3780  }
0x38c: {  	[tilespmem:s3], [sflag:$0x1] =	stream.indirect_vreg.gather [hbm4b:s10+s5], $0x80, v17, vm0, $0xb8;
	[tilespmem:$0x1D000] =	vst v63  }
0x38d: {  	v17 =	vld [tilespmem:s0+$0x150];
	_ =	sdelay $0x4  }
0x38e: {  	v18 =	vshll.u32 v17, $0x1  }
0x38f: {  	v17 =	vand.u32 $0x7, v17;
	v18 =	vand.u32 $0xFFFFFFF0, v18  }
0x390: {  	v17 =	vor.u32 v17, v18  }
0x391: {  	v18 =	vperm.xlane v17, v2;
	_ =	sdelay $0x1  }
0x392: {  	v19 =	vperm.xlane v17, v1;
	v18 =	vadd.s32 v3, v18;
	_ =	sdelay $0x1  }
0x393: {  	v53 =	vperm.xlane v17, v4;
	v19 =	vadd.s32 v3, v19;
	_ =	sdelay $0x1  }
0x394: {  	s3 =	simm.s32 $0x3800;
	v54 =	vperm.xlane v17, v5;
	v20 =	vadd.s32 v3, v53  }
0x395: {  	[tilespmem:s3], [sflag:$0x1] =	stream.indirect_vreg.gather [hbm4b:s10+s5], $0x80, v18, vm0, $0xb8;
	[tilespmem:$0x1D000] =	vst v63  }
0x396: {  	v55 =	vperm.xlane v17, v6;
	v18 =	vadd.s32 v3, v54;
	s3 =	simm.s32 $0x3880  }
0x397: {  	[tilespmem:s3], [sflag:$0x1] =	stream.indirect_vreg.gather [hbm4b:s10+s5], $0x80, v19, vm0, $0xb8;
	[tilespmem:$0x1D000] =	vst v63  }
0x398: {  	v56 =	vperm.xlane v17, v7;
	v19 =	vadd.s32 v3, v55;
	s3 =	simm.s32 $0x3900  }
0x399: {  	[tilespmem:s3], [sflag:$0x1] =	stream.indirect_vreg.gather [hbm4b:s10+s5], $0x80, v20, vm0, $0xb8;
	[tilespmem:$0x1D000] =	vst v63  }
0x39a: {  	v58 =	vperm.xlane v17, v8;
	v57 =	vadd.s32 v3, v56;
	s3 =	simm.s32 $0x3980  }
0x39b: {  	[tilespmem:s3], [sflag:$0x1] =	stream.indirect_vreg.gather [hbm4b:s10+s5], $0x80, v18, vm0, $0xb8;
	[tilespmem:$0x1D000] =	vst v63  }
0x39c: {  	v59 =	vperm.xlane v17, v0;
	v18 =	vadd.s32 v3, v58;
	s3 =	simm.s32 $0x3A00  }
0x39d: {  	[tilespmem:s3], [sflag:$0x1] =	stream.indirect_vreg.gather [hbm4b:s10+s5], $0x80, v19, vm0, $0xb8;
	[tilespmem:$0x1D000] =	vst v63  }
0x39e: {  	v60 =	vperm.xlane v17, v9;
	v19 =	vadd.s32 v3, v59;
	s3 =	simm.s32 $0x3A80  }
0x39f: {  	[tilespmem:s3], [sflag:$0x1] =	stream.indirect_vreg.gather [hbm4b:s10+s5], $0x80, v57, vm0, $0xb8;
	[tilespmem:$0x1D000] =	vst v63  }
0x3a0: {  	v62 =	vperm.xlane v17, v10;
	v61 =	vadd.s32 v3, v60;
	s3 =	simm.s32 $0x3B00  }
0x3a1: {  	[tilespmem:s3], [sflag:$0x1] =	stream.indirect_vreg.gather [hbm4b:s10+s5], $0x80, v18, vm0, $0xb8;
	[tilespmem:$0x1D000] =	vst v63  }
0x3a2: {  	v63 =	vperm.xlane v17, v11;
	v18 =	vadd.s32 v3, v62;
	s3 =	simm.s32 $0x3B80  }
0x3a3: {  	[tilespmem:s3], [sflag:$0x1] =	stream.indirect_vreg.gather [hbm4b:s10+s5], $0x80, v19, vm0, $0xb8;
	[tilespmem:$0x1D000] =	vst v63  }
0x3a4: {  	v24 =	vperm.xlane v17, v12;
	v19 =	vadd.s32 v3, v63;
	s3 =	simm.s32 $0x3C00  }
0x3a5: {  	[tilespmem:s3], [sflag:$0x1] =	stream.indirect_vreg.gather [hbm4b:s10+s5], $0x80, v61, vm0, $0xb8;
	[tilespmem:$0x1D000] =	vst v63  }
0x3a6: {  	v26 =	vperm.xlane v17, v13;
	v25 =	vadd.s32 v3, v24;
	s3 =	simm.s32 $0x3C80  }
0x3a7: {  	[tilespmem:s3], [sflag:$0x1] =	stream.indirect_vreg.gather [hbm4b:s10+s5], $0x80, v18, vm0, $0xb8;
	[tilespmem:$0x1D000] =	vst v63  }
0x3a8: {  	v27 =	vperm.xlane v17, v14;
	v18 =	vadd.s32 v3, v26;
	s3 =	simm.s32 $0x3D00  }
0x3a9: {  	[tilespmem:s3], [sflag:$0x1] =	stream.indirect_vreg.gather [hbm4b:s10+s5], $0x80, v19, vm0, $0xb8;
	[tilespmem:$0x1D000] =	vst v63  }
0x3aa: {  	v28 =	vperm.xlane v17, v15;
	v19 =	vadd.s32 v3, v27;
	s3 =	simm.s32 $0x3D80  }
0x3ab: {  	[tilespmem:s3], [sflag:$0x1] =	stream.indirect_vreg.gather [hbm4b:s10+s5], $0x80, v25, vm0, $0xb8;
	[tilespmem:$0x1D000] =	vst v63  }
0x3ac: {  	v17 =	vperm.xlane v17, v16;
	v29 =	vadd.s32 v3, v28;
	s3 =	simm.s32 $0x3E00  }
0x3ad: {  	[tilespmem:s3], [sflag:$0x1] =	stream.indirect_vreg.gather [hbm4b:s10+s5], $0x80, v18, vm0, $0xb8;
	[tilespmem:$0x1D000] =	vst v63  }
0x3ae: {  	v17 =	vadd.s32 v3, v17;
	s3 =	simm.s32 $0x3E80  }
0x3af: {  	[tilespmem:s3], [sflag:$0x1] =	stream.indirect_vreg.gather [hbm4b:s10+s5], $0x80, v19, vm0, $0xb8;
	[tilespmem:$0x1D000] =	vst v63  }
0x3b0: {  	s3 =	simm.s32 $0x3F00  }
0x3b1: {  	[tilespmem:s3], [sflag:$0x1] =	stream.indirect_vreg.gather [hbm4b:s10+s5], $0x80, v29, vm0, $0xb8;
	[tilespmem:$0x1D000] =	vst v63  }
0x3b2: {  	s3 =	simm.s32 $0x3F80  }
0x3b3: {  	[tilespmem:s3], [sflag:$0x1] =	stream.indirect_vreg.gather [hbm4b:s10+s5], $0x80, v17, vm0, $0xb8;
	[tilespmem:$0x1D000] =	vst v63  }
0x3b4: {  	v17 =	vld [tilespmem:s0+$0x160];
	_ =	sdelay $0x4  }
0x3b5: {  	v18 =	vshll.u32 v17, $0x1  }
0x3b6: {  	v17 =	vand.u32 $0x7, v17;
	v18 =	vand.u32 $0xFFFFFFF0, v18  }
0x3b7: {  	v17 =	vor.u32 v17, v18  }
0x3b8: {  	v18 =	vperm.xlane v17, v2;
	_ =	sdelay $0x1  }
0x3b9: {  	v19 =	vperm.xlane v17, v1;
	v18 =	vadd.s32 v3, v18;
	_ =	sdelay $0x1  }
0x3ba: {  	v30 =	vperm.xlane v17, v4;
	v19 =	vadd.s32 v3, v19;
	_ =	sdelay $0x1  }
0x3bb: {  	s3 =	simm.s32 $0x4000;
	v31 =	vperm.xlane v17, v5;
	v20 =	vadd.s32 v3, v30  }
0x3bc: {  	[tilespmem:s3], [sflag:$0x1] =	stream.indirect_vreg.gather [hbm4b:s10+s5], $0x80, v18, vm0, $0xb8;
	[tilespmem:$0x1D000] =	vst v63  }
0x3bd: {  	v32 =	vperm.xlane v17, v6;
	v18 =	vadd.s32 v3, v31;
	s3 =	simm.s32 $0x4080  }
0x3be: {  	[tilespmem:s3], [sflag:$0x1] =	stream.indirect_vreg.gather [hbm4b:s10+s5], $0x80, v19, vm0, $0xb8;
	[tilespmem:$0x1D000] =	vst v63  }
0x3bf: {  	v33 =	vperm.xlane v17, v7;
	v19 =	vadd.s32 v3, v32;
	s3 =	simm.s32 $0x4100  }
0x3c0: {  	[tilespmem:s3], [sflag:$0x1] =	stream.indirect_vreg.gather [hbm4b:s10+s5], $0x80, v20, vm0, $0xb8;
	[tilespmem:$0x1D000] =	vst v63  }
0x3c1: {  	v35 =	vperm.xlane v17, v8;
	v34 =	vadd.s32 v3, v33;
	s3 =	simm.s32 $0x4180  }
0x3c2: {  	[tilespmem:s3], [sflag:$0x1] =	stream.indirect_vreg.gather [hbm4b:s10+s5], $0x80, v18, vm0, $0xb8;
	[tilespmem:$0x1D000] =	vst v63  }
0x3c3: {  	v36 =	vperm.xlane v17, v0;
	v18 =	vadd.s32 v3, v35;
	s3 =	simm.s32 $0x4200  }
0x3c4: {  	[tilespmem:s3], [sflag:$0x1] =	stream.indirect_vreg.gather [hbm4b:s10+s5], $0x80, v19, vm0, $0xb8;
	[tilespmem:$0x1D000] =	vst v63  }
0x3c5: {  	v37 =	vperm.xlane v17, v9;
	v19 =	vadd.s32 v3, v36;
	s3 =	simm.s32 $0x4280  }
0x3c6: {  	[tilespmem:s3], [sflag:$0x1] =	stream.indirect_vreg.gather [hbm4b:s10+s5], $0x80, v34, vm0, $0xb8;
	[tilespmem:$0x1D000] =	vst v63  }
0x3c7: {  	v39 =	vperm.xlane v17, v10;
	v38 =	vadd.s32 v3, v37;
	s3 =	simm.s32 $0x4300  }
0x3c8: {  	[tilespmem:s3], [sflag:$0x1] =	stream.indirect_vreg.gather [hbm4b:s10+s5], $0x80, v18, vm0, $0xb8;
	[tilespmem:$0x1D000] =	vst v63  }
0x3c9: {  	v40 =	vperm.xlane v17, v11;
	v18 =	vadd.s32 v3, v39;
	s3 =	simm.s32 $0x4380  }
0x3ca: {  	[tilespmem:s3], [sflag:$0x1] =	stream.indirect_vreg.gather [hbm4b:s10+s5], $0x80, v19, vm0, $0xb8;
	[tilespmem:$0x1D000] =	vst v63  }
0x3cb: {  	v41 =	vperm.xlane v17, v12;
	v19 =	vadd.s32 v3, v40;
	s3 =	simm.s32 $0x4400  }
0x3cc: {  	[tilespmem:s3], [sflag:$0x1] =	stream.indirect_vreg.gather [hbm4b:s10+s5], $0x80, v38, vm0, $0xb8;
	[tilespmem:$0x1D000] =	vst v63  }
0x3cd: {  	v43 =	vperm.xlane v17, v13;
	v42 =	vadd.s32 v3, v41;
	s3 =	simm.s32 $0x4480  }
0x3ce: {  	[tilespmem:s3], [sflag:$0x1] =	stream.indirect_vreg.gather [hbm4b:s10+s5], $0x80, v18, vm0, $0xb8;
	[tilespmem:$0x1D000] =	vst v63  }
0x3cf: {  	v44 =	vperm.xlane v17, v14;
	v18 =	vadd.s32 v3, v43;
	s3 =	simm.s32 $0x4500  }
0x3d0: {  	[tilespmem:s3], [sflag:$0x1] =	stream.indirect_vreg.gather [hbm4b:s10+s5], $0x80, v19, vm0, $0xb8;
	[tilespmem:$0x1D000] =	vst v63  }
0x3d1: {  	v45 =	vperm.xlane v17, v15;
	v19 =	vadd.s32 v3, v44;
	s3 =	simm.s32 $0x4580  }
0x3d2: {  	[tilespmem:s3], [sflag:$0x1] =	stream.indirect_vreg.gather [hbm4b:s10+s5], $0x80, v42, vm0, $0xb8;
	[tilespmem:$0x1D000] =	vst v63  }
0x3d3: {  	v17 =	vperm.xlane v17, v16;
	v46 =	vadd.s32 v3, v45;
	s3 =	simm.s32 $0x4600  }
0x3d4: {  	[tilespmem:s3], [sflag:$0x1] =	stream.indirect_vreg.gather [hbm4b:s10+s5], $0x80, v18, vm0, $0xb8;
	[tilespmem:$0x1D000] =	vst v63  }
0x3d5: {  	v17 =	vadd.s32 v3, v17;
	s3 =	simm.s32 $0x4680  }
0x3d6: {  	[tilespmem:s3], [sflag:$0x1] =	stream.indirect_vreg.gather [hbm4b:s10+s5], $0x80, v19, vm0, $0xb8;
	[tilespmem:$0x1D000] =	vst v63  }
0x3d7: {  	s3 =	simm.s32 $0x4700  }
0x3d8: {  	[tilespmem:s3], [sflag:$0x1] =	stream.indirect_vreg.gather [hbm4b:s10+s5], $0x80, v46, vm0, $0xb8;
	[tilespmem:$0x1D000] =	vst v63  }
0x3d9: {  	s3 =	simm.s32 $0x4780  }
0x3da: {  	[tilespmem:s3], [sflag:$0x1] =	stream.indirect_vreg.gather [hbm4b:s10+s5], $0x80, v17, vm0, $0xb8;
	[tilespmem:$0x1D000] =	vst v63  }
0x3db: {  	v17 =	vld [tilespmem:s0+$0x170];
	_ =	sdelay $0x4  }
0x3dc: {  	v18 =	vshll.u32 v17, $0x1  }
0x3dd: {  	v17 =	vand.u32 $0x7, v17;
	v18 =	vand.u32 $0xFFFFFFF0, v18  }
0x3de: {  	v17 =	vor.u32 v17, v18  }
0x3df: {  	v18 =	vperm.xlane v17, v2;
	_ =	sdelay $0x1  }
0x3e0: {  	v19 =	vperm.xlane v17, v1;
	v18 =	vadd.s32 v3, v18;
	_ =	sdelay $0x1  }
0x3e1: {  	v47 =	vperm.xlane v17, v4;
	v19 =	vadd.s32 v3, v19;
	_ =	sdelay $0x1  }
0x3e2: {  	s3 =	simm.s32 $0x4800;
	v48 =	vperm.xlane v17, v5;
	v20 =	vadd.s32 v3, v47  }
0x3e3: {  	[tilespmem:s3], [sflag:$0x1] =	stream.indirect_vreg.gather [hbm4b:s10+s5], $0x80, v18, vm0, $0xb8;
	[tilespmem:$0x1D000] =	vst v63  }
0x3e4: {  	v49 =	vperm.xlane v17, v6;
	v18 =	vadd.s32 v3, v48;
	s3 =	simm.s32 $0x4880  }
0x3e5: {  	[tilespmem:s3], [sflag:$0x1] =	stream.indirect_vreg.gather [hbm4b:s10+s5], $0x80, v19, vm0, $0xb8;
	[tilespmem:$0x1D000] =	vst v63  }
0x3e6: {  	v50 =	vperm.xlane v17, v7;
	v19 =	vadd.s32 v3, v49;
	s3 =	simm.s32 $0x4900  }
0x3e7: {  	[tilespmem:s3], [sflag:$0x1] =	stream.indirect_vreg.gather [hbm4b:s10+s5], $0x80, v20, vm0, $0xb8;
	[tilespmem:$0x1D000] =	vst v63  }
0x3e8: {  	v52 =	vperm.xlane v17, v8;
	v51 =	vadd.s32 v3, v50;
	s3 =	simm.s32 $0x4980  }
0x3e9: {  	[tilespmem:s3], [sflag:$0x1] =	stream.indirect_vreg.gather [hbm4b:s10+s5], $0x80, v18, vm0, $0xb8;
	[tilespmem:$0x1D000] =	vst v63  }
0x3ea: {  	v53 =	vperm.xlane v17, v0;
	v18 =	vadd.s32 v3, v52;
	s3 =	simm.s32 $0x4A00  }
0x3eb: {  	[tilespmem:s3], [sflag:$0x1] =	stream.indirect_vreg.gather [hbm4b:s10+s5], $0x80, v19, vm0, $0xb8;
	[tilespmem:$0x1D000] =	vst v63  }
0x3ec: {  	v54 =	vperm.xlane v17, v9;
	v19 =	vadd.s32 v3, v53;
	s3 =	simm.s32 $0x4A80  }
0x3ed: {  	[tilespmem:s3], [sflag:$0x1] =	stream.indirect_vreg.gather [hbm4b:s10+s5], $0x80, v51, vm0, $0xb8;
	[tilespmem:$0x1D000] =	vst v63  }
0x3ee: {  	v56 =	vperm.xlane v17, v10;
	v55 =	vadd.s32 v3, v54;
	s3 =	simm.s32 $0x4B00  }
0x3ef: {  	[tilespmem:s3], [sflag:$0x1] =	stream.indirect_vreg.gather [hbm4b:s10+s5], $0x80, v18, vm0, $0xb8;
	[tilespmem:$0x1D000] =	vst v63  }
0x3f0: {  	v57 =	vperm.xlane v17, v11;
	v18 =	vadd.s32 v3, v56;
	s3 =	simm.s32 $0x4B80  }
0x3f1: {  	[tilespmem:s3], [sflag:$0x1] =	stream.indirect_vreg.gather [hbm4b:s10+s5], $0x80, v19, vm0, $0xb8;
	[tilespmem:$0x1D000] =	vst v63  }
0x3f2: {  	v58 =	vperm.xlane v17, v12;
	v19 =	vadd.s32 v3, v57;
	s3 =	simm.s32 $0x4C00  }
0x3f3: {  	[tilespmem:s3], [sflag:$0x1] =	stream.indirect_vreg.gather [hbm4b:s10+s5], $0x80, v55, vm0, $0xb8;
	[tilespmem:$0x1D000] =	vst v63  }
0x3f4: {  	v60 =	vperm.xlane v17, v13;
	v59 =	vadd.s32 v3, v58;
	s3 =	simm.s32 $0x4C80  }
0x3f5: {  	[tilespmem:s3], [sflag:$0x1] =	stream.indirect_vreg.gather [hbm4b:s10+s5], $0x80, v18, vm0, $0xb8;
	[tilespmem:$0x1D000] =	vst v63  }
0x3f6: {  	v61 =	vperm.xlane v17, v14;
	v18 =	vadd.s32 v3, v60;
	s3 =	simm.s32 $0x4D00  }
0x3f7: {  	[tilespmem:s3], [sflag:$0x1] =	stream.indirect_vreg.gather [hbm4b:s10+s5], $0x80, v19, vm0, $0xb8;
	[tilespmem:$0x1D000] =	vst v63  }
0x3f8: {  	v19 =	vadd.s32 v3, v61;
	s3 =	simm.s32 $0x4D80  }
0x3f9: {  	v62 =	vperm.xlane v17, v15;
	[tilespmem:s3], [sflag:$0x1] =	stream.indirect_vreg.gather [hbm4b:s10+s5], $0x80, v59, vm0, $0xb8;
	[tilespmem:$0x1D000] =	vst v63  }
0x3fa: {  	s3 =	simm.s32 $0x4E00  }
0x3fb: {  	v17 =	vperm.xlane v17, v16;
	v63 =	vadd.s32 v3, v62;
	[tilespmem:s3], [sflag:$0x1] =	stream.indirect_vreg.gather [hbm4b:s10+s5], $0x80, v18, vm0, $0xb8;
	[tilespmem:$0x1D000] =	vst v63  }
0x3fc: {  	s3 =	simm.s32 $0x4E80  }
0x3fd: {  	v17 =	vadd.s32 v3, v17;
	[tilespmem:s3], [sflag:$0x1] =	stream.indirect_vreg.gather [hbm4b:s10+s5], $0x80, v19, vm0, $0xb8;
	[tilespmem:$0x1D000] =	vst v63  }
.Ltmp8:
0x3fe: {  	_ = 	snop;
	(pc) =	sbr.rel .LBB2_10-.Ltmp8, $4  }
0x3ff: {  	s3 =	simm.s32 $0x4F00  }
0x400: {  	[tilespmem:s3], [sflag:$0x1] =	stream.indirect_vreg.gather [hbm4b:s10+s5], $0x80, v63, vm0, $0xb8;
	[tilespmem:$0x1D000] =	vst v63  }
0x401: {  	s3 =	simm.s32 $0x4F80  }
0x402: {  	[tilespmem:s3], [sflag:$0x1] =	stream.indirect_vreg.gather [hbm4b:s10+s5], $0x80, v17, vm0, $0xb8;
	[tilespmem:$0x1D000] =	vst v63  }
.LBB2_6:
0x403: {  	s0 =	rddreg [dreg:$0xd]  }
0x404: {  	s0 =	sadd.s32 $0x1, s0  }
0x405: {  	p1 =	seq.s32 s0, $0x5  }
.Ltmp9:
0x406: {  	_ = 	snop;
	(pc) =	sbr.rel @p1 .LBB2_12-.Ltmp9, $1  }
0x407: {  	_ =	sdelay $0x3  }
.LBB2_2:
0x408: {  	[dreg:$0xd] =	wrdreg s0  }
0x409: {  	s0 =	sshll.u32 s0, $0xB;
	s3 =	rddreg [dreg:$0x8]  }
0x40a: {  	s0 =	sadd.s32 s3, s0  }
0x40b: {  	s3 =	rddreg [dreg:$0x1];
	s0 =	sshrl.u32 s0, $0x3  }
0x40c: {  	s31 =	simm.s32 $0x0;
	s3 =	sadd.s32 s3, s0  }
0x40d: {  	[tilespmem:s31], [sflag:$0x3] =	stream.linear.gather [hbm4b:s3+s31], $0x800, $0x38;
	[tilespmem:$0x1D000] =	vst v63  }
0x40e: {  	_ =	swait.ge [sflag:s14], $0x800  }
0x40f: {  	[sflag:s14] =	ssyncset.done $0x0;
	s3 =	rddreg [dreg:$0x5]  }
0x410: {  	[sflag:s14] =	ssyncadd.s32 $0xFFFFF800;
	s0 =	sadd.s32 s3, s0;
	s3 =	simm.s32 $0x800  }
0x411: {  	[tilespmem:s3], [sflag:$0x3] =	stream.linear.gather [hbm4b:s0+s31], $0x800, $0x38;
	[tilespmem:$0x1D000] =	vst v63  }
0x412: {  	_ =	swait.ge [sflag:s14], $0x800  }
0x413: {  	[sflag:s14] =	ssyncset.done $0x0  }
0x414: {  	[sflag:s14] =	ssyncadd.s32 $0xFFFFF800  }
0x415: {  	v17 =	vld [tilespmem:$0x0];
	_ =	sdelay $0x4  }
0x416: {  	v18 =	vshll.u32 v17, $0x1  }
0x417: {  	v17 =	vand.u32 $0x7, v17;
	v18 =	vand.u32 $0xFFFFFFF0, v18  }
0x418: {  	v17 =	vor.u32 v17, v18  }
0x419: {  	v18 =	vperm.xlane v17, v2;
	_ =	sdelay $0x1  }
0x41a: {  	v19 =	vperm.xlane v17, v1;
	v18 =	vadd.s32 v3, v18;
	_ =	sdelay $0x1  }
0x41b: {  	v20 =	vperm.xlane v17, v4;
	v19 =	vadd.s32 v3, v19;
	_ =	sdelay $0x1  }
0x41c: {  	v21 =	vperm.xlane v17, v5;
	v20 =	vadd.s32 v3, v20  }
0x41d: {  	[tilespmem:s16], [sflag:$0x1] =	stream.indirect_vreg.gather [hbm4b:s1+s31], $0x80, v18, vm0, $0xb8;
	[tilespmem:$0x1D000] =	vst v63  }
0x41e: {  	s3 =	simm.s32 $0x1080;
	v50 =	vperm.xlane v17, v6;
	v18 =	vadd.s32 v3, v21  }
0x41f: {  	[tilespmem:s3], [sflag:$0x1] =	stream.indirect_vreg.gather [hbm4b:s1+s31], $0x80, v19, vm0, $0xb8;
	[tilespmem:$0x1D000] =	vst v63  }
0x420: {  	v51 =	vperm.xlane v17, v7;
	v19 =	vadd.s32 v3, v50;
	s3 =	simm.s32 $0x1100  }
0x421: {  	[tilespmem:s3], [sflag:$0x1] =	stream.indirect_vreg.gather [hbm4b:s1+s31], $0x80, v20, vm0, $0xb8;
	[tilespmem:$0x1D000] =	vst v63  }
0x422: {  	v53 =	vperm.xlane v17, v8;
	v52 =	vadd.s32 v3, v51;
	s3 =	simm.s32 $0x1180  }
0x423: {  	[tilespmem:s3], [sflag:$0x1] =	stream.indirect_vreg.gather [hbm4b:s1+s31], $0x80, v18, vm0, $0xb8;
	[tilespmem:$0x1D000] =	vst v63  }
0x424: {  	v54 =	vperm.xlane v17, v0;
	v18 =	vadd.s32 v3, v53;
	s3 =	simm.s32 $0x1200  }
0x425: {  	[tilespmem:s3], [sflag:$0x1] =	stream.indirect_vreg.gather [hbm4b:s1+s31], $0x80, v19, vm0, $0xb8;
	[tilespmem:$0x1D000] =	vst v63  }
0x426: {  	v55 =	vperm.xlane v17, v9;
	v19 =	vadd.s32 v3, v54;
	s3 =	simm.s32 $0x1280  }
0x427: {  	[tilespmem:s3], [sflag:$0x1] =	stream.indirect_vreg.gather [hbm4b:s1+s31], $0x80, v52, vm0, $0xb8;
	[tilespmem:$0x1D000] =	vst v63  }
0x428: {  	v57 =	vperm.xlane v17, v10;
	v56 =	vadd.s32 v3, v55;
	s3 =	simm.s32 $0x1300  }
0x429: {  	[tilespmem:s3], [sflag:$0x1] =	stream.indirect_vreg.gather [hbm4b:s1+s31], $0x80, v18, vm0, $0xb8;
	[tilespmem:$0x1D000] =	vst v63  }
0x42a: {  	v58 =	vperm.xlane v17, v11;
	v18 =	vadd.s32 v3, v57;
	s3 =	simm.s32 $0x1380  }
0x42b: {  	[tilespmem:s3], [sflag:$0x1] =	stream.indirect_vreg.gather [hbm4b:s1+s31], $0x80, v19, vm0, $0xb8;
	[tilespmem:$0x1D000] =	vst v63  }
0x42c: {  	v59 =	vperm.xlane v17, v12;
	v19 =	vadd.s32 v3, v58;
	s3 =	simm.s32 $0x1400  }
0x42d: {  	[tilespmem:s3], [sflag:$0x1] =	stream.indirect_vreg.gather [hbm4b:s1+s31], $0x80, v56, vm0, $0xb8;
	[tilespmem:$0x1D000] =	vst v63  }
0x42e: {  	v61 =	vperm.xlane v17, v13;
	v60 =	vadd.s32 v3, v59;
	s3 =	simm.s32 $0x1480  }
0x42f: {  	[tilespmem:s3], [sflag:$0x1] =	stream.indirect_vreg.gather [hbm4b:s1+s31], $0x80, v18, vm0, $0xb8;
	[tilespmem:$0x1D000] =	vst v63  }
0x430: {  	v62 =	vperm.xlane v17, v14;
	v18 =	vadd.s32 v3, v61;
	s3 =	simm.s32 $0x1500  }
0x431: {  	[tilespmem:s3], [sflag:$0x1] =	stream.indirect_vreg.gather [hbm4b:s1+s31], $0x80, v19, vm0, $0xb8;
	[tilespmem:$0x1D000] =	vst v63  }
0x432: {  	v63 =	vperm.xlane v17, v15;
	v19 =	vadd.s32 v3, v62;
	s3 =	simm.s32 $0x1580  }
0x433: {  	[tilespmem:s3], [sflag:$0x1] =	stream.indirect_vreg.gather [hbm4b:s1+s31], $0x80, v60, vm0, $0xb8;
	[tilespmem:$0x1D000] =	vst v63  }
0x434: {  	v17 =	vperm.xlane v17, v16;
	v24 =	vadd.s32 v3, v63;
	s3 =	simm.s32 $0x1600  }
0x435: {  	[tilespmem:s3], [sflag:$0x1] =	stream.indirect_vreg.gather [hbm4b:s1+s31], $0x80, v18, vm0, $0xb8;
	[tilespmem:$0x1D000] =	vst v63  }
0x436: {  	v17 =	vadd.s32 v3, v17;
	s3 =	simm.s32 $0x1680  }
0x437: {  	[tilespmem:s3], [sflag:$0x1] =	stream.indirect_vreg.gather [hbm4b:s1+s31], $0x80, v19, vm0, $0xb8;
	[tilespmem:$0x1D000] =	vst v63  }
0x438: {  	s3 =	simm.s32 $0x1700  }
0x439: {  	[tilespmem:s3], [sflag:$0x1] =	stream.indirect_vreg.gather [hbm4b:s1+s31], $0x80, v24, vm0, $0xb8;
	[tilespmem:$0x1D000] =	vst v63  }
0x43a: {  	s3 =	simm.s32 $0x1780  }
0x43b: {  	[tilespmem:s3], [sflag:$0x1] =	stream.indirect_vreg.gather [hbm4b:s1+s31], $0x80, v17, vm0, $0xb8;
	[tilespmem:$0x1D000] =	vst v63  }
0x43c: {  	v17 =	vld [tilespmem:$0x10];
	_ =	sdelay $0x4  }
0x43d: {  	v18 =	vshll.u32 v17, $0x1  }
0x43e: {  	v17 =	vand.u32 $0x7, v17;
	v18 =	vand.u32 $0xFFFFFFF0, v18  }
0x43f: {  	v17 =	vor.u32 v17, v18  }
0x440: {  	v18 =	vperm.xlane v17, v2;
	_ =	sdelay $0x1  }
0x441: {  	v19 =	vperm.xlane v17, v1;
	v18 =	vadd.s32 v3, v18;
	_ =	sdelay $0x1  }
0x442: {  	v25 =	vperm.xlane v17, v4;
	v19 =	vadd.s32 v3, v19;
	_ =	sdelay $0x1  }
0x443: {  	s3 =	simm.s32 $0x1800;
	v26 =	vperm.xlane v17, v5;
	v20 =	vadd.s32 v3, v25  }
0x444: {  	[tilespmem:s3], [sflag:$0x1] =	stream.indirect_vreg.gather [hbm4b:s1+s31], $0x80, v18, vm0, $0xb8;
	[tilespmem:$0x1D000] =	vst v63  }
0x445: {  	v27 =	vperm.xlane v17, v6;
	v18 =	vadd.s32 v3, v26;
	s3 =	simm.s32 $0x1880  }
0x446: {  	[tilespmem:s3], [sflag:$0x1] =	stream.indirect_vreg.gather [hbm4b:s1+s31], $0x80, v19, vm0, $0xb8;
	[tilespmem:$0x1D000] =	vst v63  }
0x447: {  	v28 =	vperm.xlane v17, v7;
	v19 =	vadd.s32 v3, v27;
	s3 =	simm.s32 $0x1900  }
0x448: {  	[tilespmem:s3], [sflag:$0x1] =	stream.indirect_vreg.gather [hbm4b:s1+s31], $0x80, v20, vm0, $0xb8;
	[tilespmem:$0x1D000] =	vst v63  }
0x449: {  	v30 =	vperm.xlane v17, v8;
	v29 =	vadd.s32 v3, v28;
	s3 =	simm.s32 $0x1980  }
0x44a: {  	[tilespmem:s3], [sflag:$0x1] =	stream.indirect_vreg.gather [hbm4b:s1+s31], $0x80, v18, vm0, $0xb8;
	[tilespmem:$0x1D000] =	vst v63  }
0x44b: {  	v31 =	vperm.xlane v17, v0;
	v18 =	vadd.s32 v3, v30;
	s3 =	simm.s32 $0x1A00  }
0x44c: {  	[tilespmem:s3], [sflag:$0x1] =	stream.indirect_vreg.gather [hbm4b:s1+s31], $0x80, v19, vm0, $0xb8;
	[tilespmem:$0x1D000] =	vst v63  }
0x44d: {  	v32 =	vperm.xlane v17, v9;
	v19 =	vadd.s32 v3, v31;
	s3 =	simm.s32 $0x1A80  }
0x44e: {  	[tilespmem:s3], [sflag:$0x1] =	stream.indirect_vreg.gather [hbm4b:s1+s31], $0x80, v29, vm0, $0xb8;
	[tilespmem:$0x1D000] =	vst v63  }
0x44f: {  	v34 =	vperm.xlane v17, v10;
	v33 =	vadd.s32 v3, v32;
	s3 =	simm.s32 $0x1B00  }
0x450: {  	[tilespmem:s3], [sflag:$0x1] =	stream.indirect_vreg.gather [hbm4b:s1+s31], $0x80, v18, vm0, $0xb8;
	[tilespmem:$0x1D000] =	vst v63  }
0x451: {  	v35 =	vperm.xlane v17, v11;
	v18 =	vadd.s32 v3, v34;
	s3 =	simm.s32 $0x1B80  }
0x452: {  	[tilespmem:s3], [sflag:$0x1] =	stream.indirect_vreg.gather [hbm4b:s1+s31], $0x80, v19, vm0, $0xb8;
	[tilespmem:$0x1D000] =	vst v63  }
0x453: {  	v36 =	vperm.xlane v17, v12;
	v19 =	vadd.s32 v3, v35;
	s3 =	simm.s32 $0x1C00  }
0x454: {  	[tilespmem:s3], [sflag:$0x1] =	stream.indirect_vreg.gather [hbm4b:s1+s31], $0x80, v33, vm0, $0xb8;
	[tilespmem:$0x1D000] =	vst v63  }
0x455: {  	v38 =	vperm.xlane v17, v13;
	v37 =	vadd.s32 v3, v36;
	s3 =	simm.s32 $0x1C80  }
0x456: {  	[tilespmem:s3], [sflag:$0x1] =	stream.indirect_vreg.gather [hbm4b:s1+s31], $0x80, v18, vm0, $0xb8;
	[tilespmem:$0x1D000] =	vst v63  }
0x457: {  	v39 =	vperm.xlane v17, v14;
	v18 =	vadd.s32 v3, v38;
	s3 =	simm.s32 $0x1D00  }
0x458: {  	[tilespmem:s3], [sflag:$0x1] =	stream.indirect_vreg.gather [hbm4b:s1+s31], $0x80, v19, vm0, $0xb8;
	[tilespmem:$0x1D000] =	vst v63  }
0x459: {  	v40 =	vperm.xlane v17, v15;
	v19 =	vadd.s32 v3, v39;
	s3 =	simm.s32 $0x1D80  }
0x45a: {  	[tilespmem:s3], [sflag:$0x1] =	stream.indirect_vreg.gather [hbm4b:s1+s31], $0x80, v37, vm0, $0xb8;
	[tilespmem:$0x1D000] =	vst v63  }
0x45b: {  	v17 =	vperm.xlane v17, v16;
	v41 =	vadd.s32 v3, v40;
	s3 =	simm.s32 $0x1E00  }
0x45c: {  	[tilespmem:s3], [sflag:$0x1] =	stream.indirect_vreg.gather [hbm4b:s1+s31], $0x80, v18, vm0, $0xb8;
	[tilespmem:$0x1D000] =	vst v63  }
0x45d: {  	v17 =	vadd.s32 v3, v17;
	s3 =	simm.s32 $0x1E80  }
0x45e: {  	[tilespmem:s3], [sflag:$0x1] =	stream.indirect_vreg.gather [hbm4b:s1+s31], $0x80, v19, vm0, $0xb8;
	[tilespmem:$0x1D000] =	vst v63  }
0x45f: {  	s3 =	simm.s32 $0x1F00  }
0x460: {  	[tilespmem:s3], [sflag:$0x1] =	stream.indirect_vreg.gather [hbm4b:s1+s31], $0x80, v41, vm0, $0xb8;
	[tilespmem:$0x1D000] =	vst v63  }
0x461: {  	s3 =	simm.s32 $0x1F80  }
0x462: {  	[tilespmem:s3], [sflag:$0x1] =	stream.indirect_vreg.gather [hbm4b:s1+s31], $0x80, v17, vm0, $0xb8;
	[tilespmem:$0x1D000] =	vst v63  }
0x463: {  	v17 =	vld [tilespmem:$0x20];
	_ =	sdelay $0x4  }
0x464: {  	v18 =	vshll.u32 v17, $0x1  }
0x465: {  	v17 =	vand.u32 $0x7, v17;
	v18 =	vand.u32 $0xFFFFFFF0, v18  }
0x466: {  	v17 =	vor.u32 v17, v18  }
0x467: {  	v18 =	vperm.xlane v17, v2;
	_ =	sdelay $0x1  }
0x468: {  	v19 =	vperm.xlane v17, v1;
	v18 =	vadd.s32 v3, v18;
	_ =	sdelay $0x1  }
0x469: {  	v42 =	vperm.xlane v17, v4;
	v19 =	vadd.s32 v3, v19;
	_ =	sdelay $0x1  }
0x46a: {  	s3 =	simm.s32 $0x2000;
	v43 =	vperm.xlane v17, v5;
	v20 =	vadd.s32 v3, v42  }
0x46b: {  	[tilespmem:s3], [sflag:$0x1] =	stream.indirect_vreg.gather [hbm4b:s1+s31], $0x80, v18, vm0, $0xb8;
	[tilespmem:$0x1D000] =	vst v63  }
0x46c: {  	v44 =	vperm.xlane v17, v6;
	v18 =	vadd.s32 v3, v43;
	s3 =	simm.s32 $0x2080  }
0x46d: {  	[tilespmem:s3], [sflag:$0x1] =	stream.indirect_vreg.gather [hbm4b:s1+s31], $0x80, v19, vm0, $0xb8;
	[tilespmem:$0x1D000] =	vst v63  }
0x46e: {  	v45 =	vperm.xlane v17, v7;
	v19 =	vadd.s32 v3, v44;
	s3 =	simm.s32 $0x2100  }
0x46f: {  	[tilespmem:s3], [sflag:$0x1] =	stream.indirect_vreg.gather [hbm4b:s1+s31], $0x80, v20, vm0, $0xb8;
	[tilespmem:$0x1D000] =	vst v63  }
0x470: {  	v47 =	vperm.xlane v17, v8;
	v46 =	vadd.s32 v3, v45;
	s3 =	simm.s32 $0x2180  }
0x471: {  	[tilespmem:s3], [sflag:$0x1] =	stream.indirect_vreg.gather [hbm4b:s1+s31], $0x80, v18, vm0, $0xb8;
	[tilespmem:$0x1D000] =	vst v63  }
0x472: {  	v48 =	vperm.xlane v17, v0;
	v18 =	vadd.s32 v3, v47;
	s3 =	simm.s32 $0x2200  }
0x473: {  	[tilespmem:s3], [sflag:$0x1] =	stream.indirect_vreg.gather [hbm4b:s1+s31], $0x80, v19, vm0, $0xb8;
	[tilespmem:$0x1D000] =	vst v63  }
0x474: {  	v49 =	vperm.xlane v17, v9;
	v19 =	vadd.s32 v3, v48;
	s3 =	simm.s32 $0x2280  }
0x475: {  	[tilespmem:s3], [sflag:$0x1] =	stream.indirect_vreg.gather [hbm4b:s1+s31], $0x80, v46, vm0, $0xb8;
	[tilespmem:$0x1D000] =	vst v63  }
0x476: {  	v51 =	vperm.xlane v17, v10;
	v50 =	vadd.s32 v3, v49;
	s3 =	simm.s32 $0x2300  }
0x477: {  	[tilespmem:s3], [sflag:$0x1] =	stream.indirect_vreg.gather [hbm4b:s1+s31], $0x80, v18, vm0, $0xb8;
	[tilespmem:$0x1D000] =	vst v63  }
0x478: {  	v52 =	vperm.xlane v17, v11;
	v18 =	vadd.s32 v3, v51;
	s3 =	simm.s32 $0x2380  }
0x479: {  	[tilespmem:s3], [sflag:$0x1] =	stream.indirect_vreg.gather [hbm4b:s1+s31], $0x80, v19, vm0, $0xb8;
	[tilespmem:$0x1D000] =	vst v63  }
0x47a: {  	v53 =	vperm.xlane v17, v12;
	v19 =	vadd.s32 v3, v52;
	s3 =	simm.s32 $0x2400  }
0x47b: {  	[tilespmem:s3], [sflag:$0x1] =	stream.indirect_vreg.gather [hbm4b:s1+s31], $0x80, v50, vm0, $0xb8;
	[tilespmem:$0x1D000] =	vst v63  }
0x47c: {  	v55 =	vperm.xlane v17, v13;
	v54 =	vadd.s32 v3, v53;
	s3 =	simm.s32 $0x2480  }
0x47d: {  	[tilespmem:s3], [sflag:$0x1] =	stream.indirect_vreg.gather [hbm4b:s1+s31], $0x80, v18, vm0, $0xb8;
	[tilespmem:$0x1D000] =	vst v63  }
0x47e: {  	v56 =	vperm.xlane v17, v14;
	v18 =	vadd.s32 v3, v55;
	s3 =	simm.s32 $0x2500  }
0x47f: {  	[tilespmem:s3], [sflag:$0x1] =	stream.indirect_vreg.gather [hbm4b:s1+s31], $0x80, v19, vm0, $0xb8;
	[tilespmem:$0x1D000] =	vst v63  }
0x480: {  	v57 =	vperm.xlane v17, v15;
	v19 =	vadd.s32 v3, v56;
	s3 =	simm.s32 $0x2580  }
0x481: {  	[tilespmem:s3], [sflag:$0x1] =	stream.indirect_vreg.gather [hbm4b:s1+s31], $0x80, v54, vm0, $0xb8;
	[tilespmem:$0x1D000] =	vst v63  }
0x482: {  	v17 =	vperm.xlane v17, v16;
	v58 =	vadd.s32 v3, v57;
	s3 =	simm.s32 $0x2600  }
0x483: {  	[tilespmem:s3], [sflag:$0x1] =	stream.indirect_vreg.gather [hbm4b:s1+s31], $0x80, v18, vm0, $0xb8;
	[tilespmem:$0x1D000] =	vst v63  }
0x484: {  	v17 =	vadd.s32 v3, v17;
	s3 =	simm.s32 $0x2680  }
0x485: {  	[tilespmem:s3], [sflag:$0x1] =	stream.indirect_vreg.gather [hbm4b:s1+s31], $0x80, v19, vm0, $0xb8;
	[tilespmem:$0x1D000] =	vst v63  }
0x486: {  	s3 =	simm.s32 $0x2700  }
0x487: {  	[tilespmem:s3], [sflag:$0x1] =	stream.indirect_vreg.gather [hbm4b:s1+s31], $0x80, v58, vm0, $0xb8;
	[tilespmem:$0x1D000] =	vst v63  }
0x488: {  	s3 =	simm.s32 $0x2780  }
0x489: {  	[tilespmem:s3], [sflag:$0x1] =	stream.indirect_vreg.gather [hbm4b:s1+s31], $0x80, v17, vm0, $0xb8;
	[tilespmem:$0x1D000] =	vst v63  }
0x48a: {  	v17 =	vld [tilespmem:$0x30];
	_ =	sdelay $0x4  }
0x48b: {  	v18 =	vshll.u32 v17, $0x1  }
0x48c: {  	v17 =	vand.u32 $0x7, v17;
	v18 =	vand.u32 $0xFFFFFFF0, v18  }
0x48d: {  	v17 =	vor.u32 v17, v18  }
0x48e: {  	v18 =	vperm.xlane v17, v2;
	_ =	sdelay $0x1  }
0x48f: {  	v19 =	vperm.xlane v17, v1;
	v18 =	vadd.s32 v3, v18;
	_ =	sdelay $0x1  }
0x490: {  	v59 =	vperm.xlane v17, v4;
	v19 =	vadd.s32 v3, v19;
	_ =	sdelay $0x1  }
0x491: {  	s3 =	simm.s32 $0x2800;
	v60 =	vperm.xlane v17, v5;
	v20 =	vadd.s32 v3, v59  }
0x492: {  	[tilespmem:s3], [sflag:$0x1] =	stream.indirect_vreg.gather [hbm4b:s1+s31], $0x80, v18, vm0, $0xb8;
	[tilespmem:$0x1D000] =	vst v63  }
0x493: {  	v61 =	vperm.xlane v17, v6;
	v18 =	vadd.s32 v3, v60;
	s3 =	simm.s32 $0x2880  }
0x494: {  	[tilespmem:s3], [sflag:$0x1] =	stream.indirect_vreg.gather [hbm4b:s1+s31], $0x80, v19, vm0, $0xb8;
	[tilespmem:$0x1D000] =	vst v63  }
0x495: {  	v62 =	vperm.xlane v17, v7;
	v19 =	vadd.s32 v3, v61;
	s3 =	simm.s32 $0x2900  }
0x496: {  	[tilespmem:s3], [sflag:$0x1] =	stream.indirect_vreg.gather [hbm4b:s1+s31], $0x80, v20, vm0, $0xb8;
	[tilespmem:$0x1D000] =	vst v63  }
0x497: {  	v24 =	vperm.xlane v17, v8;
	v63 =	vadd.s32 v3, v62;
	s3 =	simm.s32 $0x2980  }
0x498: {  	[tilespmem:s3], [sflag:$0x1] =	stream.indirect_vreg.gather [hbm4b:s1+s31], $0x80, v18, vm0, $0xb8;
	[tilespmem:$0x1D000] =	vst v63  }
0x499: {  	v25 =	vperm.xlane v17, v0;
	v18 =	vadd.s32 v3, v24;
	s3 =	simm.s32 $0x2A00  }
0x49a: {  	[tilespmem:s3], [sflag:$0x1] =	stream.indirect_vreg.gather [hbm4b:s1+s31], $0x80, v19, vm0, $0xb8;
	[tilespmem:$0x1D000] =	vst v63  }
0x49b: {  	v26 =	vperm.xlane v17, v9;
	v19 =	vadd.s32 v3, v25;
	s3 =	simm.s32 $0x2A80  }
0x49c: {  	[tilespmem:s3], [sflag:$0x1] =	stream.indirect_vreg.gather [hbm4b:s1+s31], $0x80, v63, vm0, $0xb8;
	[tilespmem:$0x1D000] =	vst v63  }
0x49d: {  	v28 =	vperm.xlane v17, v10;
	v27 =	vadd.s32 v3, v26;
	s3 =	simm.s32 $0x2B00  }
0x49e: {  	[tilespmem:s3], [sflag:$0x1] =	stream.indirect_vreg.gather [hbm4b:s1+s31], $0x80, v18, vm0, $0xb8;
	[tilespmem:$0x1D000] =	vst v63  }
0x49f: {  	v29 =	vperm.xlane v17, v11;
	v18 =	vadd.s32 v3, v28;
	s3 =	simm.s32 $0x2B80  }
0x4a0: {  	[tilespmem:s3], [sflag:$0x1] =	stream.indirect_vreg.gather [hbm4b:s1+s31], $0x80, v19, vm0, $0xb8;
	[tilespmem:$0x1D000] =	vst v63  }
0x4a1: {  	v30 =	vperm.xlane v17, v12;
	v19 =	vadd.s32 v3, v29;
	s3 =	simm.s32 $0x2C00  }
0x4a2: {  	[tilespmem:s3], [sflag:$0x1] =	stream.indirect_vreg.gather [hbm4b:s1+s31], $0x80, v27, vm0, $0xb8;
	[tilespmem:$0x1D000] =	vst v63  }
0x4a3: {  	v32 =	vperm.xlane v17, v13;
	v31 =	vadd.s32 v3, v30;
	s3 =	simm.s32 $0x2C80  }
0x4a4: {  	[tilespmem:s3], [sflag:$0x1] =	stream.indirect_vreg.gather [hbm4b:s1+s31], $0x80, v18, vm0, $0xb8;
	[tilespmem:$0x1D000] =	vst v63  }
0x4a5: {  	v33 =	vperm.xlane v17, v14;
	v18 =	vadd.s32 v3, v32;
	s3 =	simm.s32 $0x2D00  }
0x4a6: {  	[tilespmem:s3], [sflag:$0x1] =	stream.indirect_vreg.gather [hbm4b:s1+s31], $0x80, v19, vm0, $0xb8;
	[tilespmem:$0x1D000] =	vst v63  }
0x4a7: {  	v34 =	vperm.xlane v17, v15;
	v19 =	vadd.s32 v3, v33;
	s3 =	simm.s32 $0x2D80  }
0x4a8: {  	[tilespmem:s3], [sflag:$0x1] =	stream.indirect_vreg.gather [hbm4b:s1+s31], $0x80, v31, vm0, $0xb8;
	[tilespmem:$0x1D000] =	vst v63  }
0x4a9: {  	v17 =	vperm.xlane v17, v16;
	v35 =	vadd.s32 v3, v34;
	s3 =	simm.s32 $0x2E00  }
0x4aa: {  	[tilespmem:s3], [sflag:$0x1] =	stream.indirect_vreg.gather [hbm4b:s1+s31], $0x80, v18, vm0, $0xb8;
	[tilespmem:$0x1D000] =	vst v63  }
0x4ab: {  	v17 =	vadd.s32 v3, v17;
	s3 =	simm.s32 $0x2E80  }
0x4ac: {  	[tilespmem:s3], [sflag:$0x1] =	stream.indirect_vreg.gather [hbm4b:s1+s31], $0x80, v19, vm0, $0xb8;
	[tilespmem:$0x1D000] =	vst v63  }
0x4ad: {  	s3 =	simm.s32 $0x2F00  }
0x4ae: {  	[tilespmem:s3], [sflag:$0x1] =	stream.indirect_vreg.gather [hbm4b:s1+s31], $0x80, v35, vm0, $0xb8;
	[tilespmem:$0x1D000] =	vst v63  }
0x4af: {  	s3 =	simm.s32 $0x2F80  }
0x4b0: {  	[tilespmem:s3], [sflag:$0x1] =	stream.indirect_vreg.gather [hbm4b:s1+s31], $0x80, v17, vm0, $0xb8;
	[tilespmem:$0x1D000] =	vst v63  }
0x4b1: {  	v17 =	vld [tilespmem:$0x40];
	_ =	sdelay $0x4  }
0x4b2: {  	v18 =	vshll.u32 v17, $0x1  }
0x4b3: {  	v17 =	vand.u32 $0x7, v17;
	v18 =	vand.u32 $0xFFFFFFF0, v18  }
0x4b4: {  	v17 =	vor.u32 v17, v18  }
0x4b5: {  	v18 =	vperm.xlane v17, v2;
	_ =	sdelay $0x1  }
0x4b6: {  	v19 =	vperm.xlane v17, v1;
	v18 =	vadd.s32 v3, v18;
	_ =	sdelay $0x1  }
0x4b7: {  	v36 =	vperm.xlane v17, v4;
	v19 =	vadd.s32 v3, v19;
	_ =	sdelay $0x1  }
0x4b8: {  	s3 =	simm.s32 $0x3000;
	v37 =	vperm.xlane v17, v5;
	v20 =	vadd.s32 v3, v36  }
0x4b9: {  	[tilespmem:s3], [sflag:$0x1] =	stream.indirect_vreg.gather [hbm4b:s1+s31], $0x80, v18, vm0, $0xb8;
	[tilespmem:$0x1D000] =	vst v63  }
0x4ba: {  	v38 =	vperm.xlane v17, v6;
	v18 =	vadd.s32 v3, v37;
	s3 =	simm.s32 $0x3080  }
0x4bb: {  	[tilespmem:s3], [sflag:$0x1] =	stream.indirect_vreg.gather [hbm4b:s1+s31], $0x80, v19, vm0, $0xb8;
	[tilespmem:$0x1D000] =	vst v63  }
0x4bc: {  	v39 =	vperm.xlane v17, v7;
	v19 =	vadd.s32 v3, v38;
	s3 =	simm.s32 $0x3100  }
0x4bd: {  	[tilespmem:s3], [sflag:$0x1] =	stream.indirect_vreg.gather [hbm4b:s1+s31], $0x80, v20, vm0, $0xb8;
	[tilespmem:$0x1D000] =	vst v63  }
0x4be: {  	v41 =	vperm.xlane v17, v8;
	v40 =	vadd.s32 v3, v39;
	s3 =	simm.s32 $0x3180  }
0x4bf: {  	[tilespmem:s3], [sflag:$0x1] =	stream.indirect_vreg.gather [hbm4b:s1+s31], $0x80, v18, vm0, $0xb8;
	[tilespmem:$0x1D000] =	vst v63  }
0x4c0: {  	v42 =	vperm.xlane v17, v0;
	v18 =	vadd.s32 v3, v41;
	s3 =	simm.s32 $0x3200  }
0x4c1: {  	[tilespmem:s3], [sflag:$0x1] =	stream.indirect_vreg.gather [hbm4b:s1+s31], $0x80, v19, vm0, $0xb8;
	[tilespmem:$0x1D000] =	vst v63  }
0x4c2: {  	v43 =	vperm.xlane v17, v9;
	v19 =	vadd.s32 v3, v42;
	s3 =	simm.s32 $0x3280  }
0x4c3: {  	[tilespmem:s3], [sflag:$0x1] =	stream.indirect_vreg.gather [hbm4b:s1+s31], $0x80, v40, vm0, $0xb8;
	[tilespmem:$0x1D000] =	vst v63  }
0x4c4: {  	v45 =	vperm.xlane v17, v10;
	v44 =	vadd.s32 v3, v43;
	s3 =	simm.s32 $0x3300  }
0x4c5: {  	[tilespmem:s3], [sflag:$0x1] =	stream.indirect_vreg.gather [hbm4b:s1+s31], $0x80, v18, vm0, $0xb8;
	[tilespmem:$0x1D000] =	vst v63  }
0x4c6: {  	v46 =	vperm.xlane v17, v11;
	v18 =	vadd.s32 v3, v45;
	s3 =	simm.s32 $0x3380  }
0x4c7: {  	[tilespmem:s3], [sflag:$0x1] =	stream.indirect_vreg.gather [hbm4b:s1+s31], $0x80, v19, vm0, $0xb8;
	[tilespmem:$0x1D000] =	vst v63  }
0x4c8: {  	v47 =	vperm.xlane v17, v12;
	v19 =	vadd.s32 v3, v46;
	s3 =	simm.s32 $0x3400  }
0x4c9: {  	[tilespmem:s3], [sflag:$0x1] =	stream.indirect_vreg.gather [hbm4b:s1+s31], $0x80, v44, vm0, $0xb8;
	[tilespmem:$0x1D000] =	vst v63  }
0x4ca: {  	v49 =	vperm.xlane v17, v13;
	v48 =	vadd.s32 v3, v47;
	s3 =	simm.s32 $0x3480  }
0x4cb: {  	[tilespmem:s3], [sflag:$0x1] =	stream.indirect_vreg.gather [hbm4b:s1+s31], $0x80, v18, vm0, $0xb8;
	[tilespmem:$0x1D000] =	vst v63  }
0x4cc: {  	v50 =	vperm.xlane v17, v14;
	v18 =	vadd.s32 v3, v49;
	s3 =	simm.s32 $0x3500  }
0x4cd: {  	[tilespmem:s3], [sflag:$0x1] =	stream.indirect_vreg.gather [hbm4b:s1+s31], $0x80, v19, vm0, $0xb8;
	[tilespmem:$0x1D000] =	vst v63  }
0x4ce: {  	v51 =	vperm.xlane v17, v15;
	v19 =	vadd.s32 v3, v50;
	s3 =	simm.s32 $0x3580  }
0x4cf: {  	[tilespmem:s3], [sflag:$0x1] =	stream.indirect_vreg.gather [hbm4b:s1+s31], $0x80, v48, vm0, $0xb8;
	[tilespmem:$0x1D000] =	vst v63  }
0x4d0: {  	v17 =	vperm.xlane v17, v16;
	v52 =	vadd.s32 v3, v51;
	s3 =	simm.s32 $0x3600  }
0x4d1: {  	[tilespmem:s3], [sflag:$0x1] =	stream.indirect_vreg.gather [hbm4b:s1+s31], $0x80, v18, vm0, $0xb8;
	[tilespmem:$0x1D000] =	vst v63  }
0x4d2: {  	v17 =	vadd.s32 v3, v17;
	s3 =	simm.s32 $0x3680  }
0x4d3: {  	[tilespmem:s3], [sflag:$0x1] =	stream.indirect_vreg.gather [hbm4b:s1+s31], $0x80, v19, vm0, $0xb8;
	[tilespmem:$0x1D000] =	vst v63  }
0x4d4: {  	s3 =	simm.s32 $0x3700  }
0x4d5: {  	[tilespmem:s3], [sflag:$0x1] =	stream.indirect_vreg.gather [hbm4b:s1+s31], $0x80, v52, vm0, $0xb8;
	[tilespmem:$0x1D000] =	vst v63  }
0x4d6: {  	s3 =	simm.s32 $0x3780  }
0x4d7: {  	[tilespmem:s3], [sflag:$0x1] =	stream.indirect_vreg.gather [hbm4b:s1+s31], $0x80, v17, vm0, $0xb8;
	[tilespmem:$0x1D000] =	vst v63  }
0x4d8: {  	v17 =	vld [tilespmem:$0x50];
	_ =	sdelay $0x4  }
0x4d9: {  	v18 =	vshll.u32 v17, $0x1  }
0x4da: {  	v17 =	vand.u32 $0x7, v17;
	v18 =	vand.u32 $0xFFFFFFF0, v18  }
0x4db: {  	v17 =	vor.u32 v17, v18  }
0x4dc: {  	v18 =	vperm.xlane v17, v2;
	_ =	sdelay $0x1  }
0x4dd: {  	v19 =	vperm.xlane v17, v1;
	v18 =	vadd.s32 v3, v18;
	_ =	sdelay $0x1  }
0x4de: {  	v53 =	vperm.xlane v17, v4;
	v19 =	vadd.s32 v3, v19;
	_ =	sdelay $0x1  }
0x4df: {  	s3 =	simm.s32 $0x3800;
	v54 =	vperm.xlane v17, v5;
	v20 =	vadd.s32 v3, v53  }
0x4e0: {  	[tilespmem:s3], [sflag:$0x1] =	stream.indirect_vreg.gather [hbm4b:s1+s31], $0x80, v18, vm0, $0xb8;
	[tilespmem:$0x1D000] =	vst v63  }
0x4e1: {  	v55 =	vperm.xlane v17, v6;
	v18 =	vadd.s32 v3, v54;
	s3 =	simm.s32 $0x3880  }
0x4e2: {  	[tilespmem:s3], [sflag:$0x1] =	stream.indirect_vreg.gather [hbm4b:s1+s31], $0x80, v19, vm0, $0xb8;
	[tilespmem:$0x1D000] =	vst v63  }
0x4e3: {  	v56 =	vperm.xlane v17, v7;
	v19 =	vadd.s32 v3, v55;
	s3 =	simm.s32 $0x3900  }
0x4e4: {  	[tilespmem:s3], [sflag:$0x1] =	stream.indirect_vreg.gather [hbm4b:s1+s31], $0x80, v20, vm0, $0xb8;
	[tilespmem:$0x1D000] =	vst v63  }
0x4e5: {  	v58 =	vperm.xlane v17, v8;
	v57 =	vadd.s32 v3, v56;
	s3 =	simm.s32 $0x3980  }
0x4e6: {  	[tilespmem:s3], [sflag:$0x1] =	stream.indirect_vreg.gather [hbm4b:s1+s31], $0x80, v18, vm0, $0xb8;
	[tilespmem:$0x1D000] =	vst v63  }
0x4e7: {  	v59 =	vperm.xlane v17, v0;
	v18 =	vadd.s32 v3, v58;
	s3 =	simm.s32 $0x3A00  }
0x4e8: {  	[tilespmem:s3], [sflag:$0x1] =	stream.indirect_vreg.gather [hbm4b:s1+s31], $0x80, v19, vm0, $0xb8;
	[tilespmem:$0x1D000] =	vst v63  }
0x4e9: {  	v60 =	vperm.xlane v17, v9;
	v19 =	vadd.s32 v3, v59;
	s3 =	simm.s32 $0x3A80  }
0x4ea: {  	[tilespmem:s3], [sflag:$0x1] =	stream.indirect_vreg.gather [hbm4b:s1+s31], $0x80, v57, vm0, $0xb8;
	[tilespmem:$0x1D000] =	vst v63  }
0x4eb: {  	v62 =	vperm.xlane v17, v10;
	v61 =	vadd.s32 v3, v60;
	s3 =	simm.s32 $0x3B00  }
0x4ec: {  	[tilespmem:s3], [sflag:$0x1] =	stream.indirect_vreg.gather [hbm4b:s1+s31], $0x80, v18, vm0, $0xb8;
	[tilespmem:$0x1D000] =	vst v63  }
0x4ed: {  	v63 =	vperm.xlane v17, v11;
	v18 =	vadd.s32 v3, v62;
	s3 =	simm.s32 $0x3B80  }
0x4ee: {  	[tilespmem:s3], [sflag:$0x1] =	stream.indirect_vreg.gather [hbm4b:s1+s31], $0x80, v19, vm0, $0xb8;
	[tilespmem:$0x1D000] =	vst v63  }
0x4ef: {  	v24 =	vperm.xlane v17, v12;
	v19 =	vadd.s32 v3, v63;
	s3 =	simm.s32 $0x3C00  }
0x4f0: {  	[tilespmem:s3], [sflag:$0x1] =	stream.indirect_vreg.gather [hbm4b:s1+s31], $0x80, v61, vm0, $0xb8;
	[tilespmem:$0x1D000] =	vst v63  }
0x4f1: {  	v26 =	vperm.xlane v17, v13;
	v25 =	vadd.s32 v3, v24;
	s3 =	simm.s32 $0x3C80  }
0x4f2: {  	[tilespmem:s3], [sflag:$0x1] =	stream.indirect_vreg.gather [hbm4b:s1+s31], $0x80, v18, vm0, $0xb8;
	[tilespmem:$0x1D000] =	vst v63  }
0x4f3: {  	v27 =	vperm.xlane v17, v14;
	v18 =	vadd.s32 v3, v26;
	s3 =	simm.s32 $0x3D00  }
0x4f4: {  	[tilespmem:s3], [sflag:$0x1] =	stream.indirect_vreg.gather [hbm4b:s1+s31], $0x80, v19, vm0, $0xb8;
	[tilespmem:$0x1D000] =	vst v63  }
0x4f5: {  	v28 =	vperm.xlane v17, v15;
	v19 =	vadd.s32 v3, v27;
	s3 =	simm.s32 $0x3D80  }
0x4f6: {  	[tilespmem:s3], [sflag:$0x1] =	stream.indirect_vreg.gather [hbm4b:s1+s31], $0x80, v25, vm0, $0xb8;
	[tilespmem:$0x1D000] =	vst v63  }
0x4f7: {  	v17 =	vperm.xlane v17, v16;
	v29 =	vadd.s32 v3, v28;
	s3 =	simm.s32 $0x3E00  }
0x4f8: {  	[tilespmem:s3], [sflag:$0x1] =	stream.indirect_vreg.gather [hbm4b:s1+s31], $0x80, v18, vm0, $0xb8;
	[tilespmem:$0x1D000] =	vst v63  }
0x4f9: {  	v17 =	vadd.s32 v3, v17;
	s3 =	simm.s32 $0x3E80  }
0x4fa: {  	[tilespmem:s3], [sflag:$0x1] =	stream.indirect_vreg.gather [hbm4b:s1+s31], $0x80, v19, vm0, $0xb8;
	[tilespmem:$0x1D000] =	vst v63  }
0x4fb: {  	s3 =	simm.s32 $0x3F00  }
0x4fc: {  	[tilespmem:s3], [sflag:$0x1] =	stream.indirect_vreg.gather [hbm4b:s1+s31], $0x80, v29, vm0, $0xb8;
	[tilespmem:$0x1D000] =	vst v63  }
0x4fd: {  	s3 =	simm.s32 $0x3F80  }
0x4fe: {  	[tilespmem:s3], [sflag:$0x1] =	stream.indirect_vreg.gather [hbm4b:s1+s31], $0x80, v17, vm0, $0xb8;
	[tilespmem:$0x1D000] =	vst v63  }
0x4ff: {  	v17 =	vld [tilespmem:$0x60];
	_ =	sdelay $0x4  }
0x500: {  	v18 =	vshll.u32 v17, $0x1  }
0x501: {  	v17 =	vand.u32 $0x7, v17;
	v18 =	vand.u32 $0xFFFFFFF0, v18  }
0x502: {  	v17 =	vor.u32 v17, v18  }
0x503: {  	v18 =	vperm.xlane v17, v2;
	_ =	sdelay $0x1  }
0x504: {  	v19 =	vperm.xlane v17, v1;
	v18 =	vadd.s32 v3, v18;
	_ =	sdelay $0x1  }
0x505: {  	v30 =	vperm.xlane v17, v4;
	v19 =	vadd.s32 v3, v19;
	_ =	sdelay $0x1  }
0x506: {  	s3 =	simm.s32 $0x4000;
	v31 =	vperm.xlane v17, v5;
	v20 =	vadd.s32 v3, v30  }
0x507: {  	[tilespmem:s3], [sflag:$0x1] =	stream.indirect_vreg.gather [hbm4b:s1+s31], $0x80, v18, vm0, $0xb8;
	[tilespmem:$0x1D000] =	vst v63  }
0x508: {  	v32 =	vperm.xlane v17, v6;
	v18 =	vadd.s32 v3, v31;
	s3 =	simm.s32 $0x4080  }
0x509: {  	[tilespmem:s3], [sflag:$0x1] =	stream.indirect_vreg.gather [hbm4b:s1+s31], $0x80, v19, vm0, $0xb8;
	[tilespmem:$0x1D000] =	vst v63  }
0x50a: {  	v33 =	vperm.xlane v17, v7;
	v19 =	vadd.s32 v3, v32;
	s3 =	simm.s32 $0x4100  }
0x50b: {  	[tilespmem:s3], [sflag:$0x1] =	stream.indirect_vreg.gather [hbm4b:s1+s31], $0x80, v20, vm0, $0xb8;
	[tilespmem:$0x1D000] =	vst v63  }
0x50c: {  	v35 =	vperm.xlane v17, v8;
	v34 =	vadd.s32 v3, v33;
	s3 =	simm.s32 $0x4180  }
0x50d: {  	[tilespmem:s3], [sflag:$0x1] =	stream.indirect_vreg.gather [hbm4b:s1+s31], $0x80, v18, vm0, $0xb8;
	[tilespmem:$0x1D000] =	vst v63  }
0x50e: {  	v36 =	vperm.xlane v17, v0;
	v18 =	vadd.s32 v3, v35;
	s3 =	simm.s32 $0x4200  }
0x50f: {  	[tilespmem:s3], [sflag:$0x1] =	stream.indirect_vreg.gather [hbm4b:s1+s31], $0x80, v19, vm0, $0xb8;
	[tilespmem:$0x1D000] =	vst v63  }
0x510: {  	v37 =	vperm.xlane v17, v9;
	v19 =	vadd.s32 v3, v36;
	s3 =	simm.s32 $0x4280  }
0x511: {  	[tilespmem:s3], [sflag:$0x1] =	stream.indirect_vreg.gather [hbm4b:s1+s31], $0x80, v34, vm0, $0xb8;
	[tilespmem:$0x1D000] =	vst v63  }
0x512: {  	v39 =	vperm.xlane v17, v10;
	v38 =	vadd.s32 v3, v37;
	s3 =	simm.s32 $0x4300  }
0x513: {  	[tilespmem:s3], [sflag:$0x1] =	stream.indirect_vreg.gather [hbm4b:s1+s31], $0x80, v18, vm0, $0xb8;
	[tilespmem:$0x1D000] =	vst v63  }
0x514: {  	v40 =	vperm.xlane v17, v11;
	v18 =	vadd.s32 v3, v39;
	s3 =	simm.s32 $0x4380  }
0x515: {  	[tilespmem:s3], [sflag:$0x1] =	stream.indirect_vreg.gather [hbm4b:s1+s31], $0x80, v19, vm0, $0xb8;
	[tilespmem:$0x1D000] =	vst v63  }
0x516: {  	v41 =	vperm.xlane v17, v12;
	v19 =	vadd.s32 v3, v40;
	s3 =	simm.s32 $0x4400  }
0x517: {  	[tilespmem:s3], [sflag:$0x1] =	stream.indirect_vreg.gather [hbm4b:s1+s31], $0x80, v38, vm0, $0xb8;
	[tilespmem:$0x1D000] =	vst v63  }
0x518: {  	v43 =	vperm.xlane v17, v13;
	v42 =	vadd.s32 v3, v41;
	s3 =	simm.s32 $0x4480  }
0x519: {  	[tilespmem:s3], [sflag:$0x1] =	stream.indirect_vreg.gather [hbm4b:s1+s31], $0x80, v18, vm0, $0xb8;
	[tilespmem:$0x1D000] =	vst v63  }
0x51a: {  	v44 =	vperm.xlane v17, v14;
	v18 =	vadd.s32 v3, v43;
	s3 =	simm.s32 $0x4500  }
0x51b: {  	[tilespmem:s3], [sflag:$0x1] =	stream.indirect_vreg.gather [hbm4b:s1+s31], $0x80, v19, vm0, $0xb8;
	[tilespmem:$0x1D000] =	vst v63  }
0x51c: {  	v45 =	vperm.xlane v17, v15;
	v19 =	vadd.s32 v3, v44;
	s3 =	simm.s32 $0x4580  }
0x51d: {  	[tilespmem:s3], [sflag:$0x1] =	stream.indirect_vreg.gather [hbm4b:s1+s31], $0x80, v42, vm0, $0xb8;
	[tilespmem:$0x1D000] =	vst v63  }
0x51e: {  	v17 =	vperm.xlane v17, v16;
	v46 =	vadd.s32 v3, v45;
	s3 =	simm.s32 $0x4600  }
0x51f: {  	[tilespmem:s3], [sflag:$0x1] =	stream.indirect_vreg.gather [hbm4b:s1+s31], $0x80, v18, vm0, $0xb8;
	[tilespmem:$0x1D000] =	vst v63  }
0x520: {  	v17 =	vadd.s32 v3, v17;
	s3 =	simm.s32 $0x4680  }
0x521: {  	[tilespmem:s3], [sflag:$0x1] =	stream.indirect_vreg.gather [hbm4b:s1+s31], $0x80, v19, vm0, $0xb8;
	[tilespmem:$0x1D000] =	vst v63  }
0x522: {  	s3 =	simm.s32 $0x4700  }
0x523: {  	[tilespmem:s3], [sflag:$0x1] =	stream.indirect_vreg.gather [hbm4b:s1+s31], $0x80, v46, vm0, $0xb8;
	[tilespmem:$0x1D000] =	vst v63  }
0x524: {  	s3 =	simm.s32 $0x4780  }
0x525: {  	[tilespmem:s3], [sflag:$0x1] =	stream.indirect_vreg.gather [hbm4b:s1+s31], $0x80, v17, vm0, $0xb8;
	[tilespmem:$0x1D000] =	vst v63  }
0x526: {  	v17 =	vld [tilespmem:$0x70];
	_ =	sdelay $0x4  }
0x527: {  	v18 =	vshll.u32 v17, $0x1  }
0x528: {  	v17 =	vand.u32 $0x7, v17;
	v18 =	vand.u32 $0xFFFFFFF0, v18  }
0x529: {  	v17 =	vor.u32 v17, v18  }
0x52a: {  	v18 =	vperm.xlane v17, v2;
	_ =	sdelay $0x1  }
0x52b: {  	v19 =	vperm.xlane v17, v1;
	v18 =	vadd.s32 v3, v18;
	_ =	sdelay $0x1  }
0x52c: {  	v47 =	vperm.xlane v17, v4;
	v19 =	vadd.s32 v3, v19;
	_ =	sdelay $0x1  }
0x52d: {  	s3 =	simm.s32 $0x4800;
	v48 =	vperm.xlane v17, v5;
	v20 =	vadd.s32 v3, v47  }
0x52e: {  	[tilespmem:s3], [sflag:$0x1] =	stream.indirect_vreg.gather [hbm4b:s1+s31], $0x80, v18, vm0, $0xb8;
	[tilespmem:$0x1D000] =	vst v63  }
0x52f: {  	v49 =	vperm.xlane v17, v6;
	v18 =	vadd.s32 v3, v48;
	s3 =	simm.s32 $0x4880  }
0x530: {  	[tilespmem:s3], [sflag:$0x1] =	stream.indirect_vreg.gather [hbm4b:s1+s31], $0x80, v19, vm0, $0xb8;
	[tilespmem:$0x1D000] =	vst v63  }
0x531: {  	v50 =	vperm.xlane v17, v7;
	v19 =	vadd.s32 v3, v49;
	s3 =	simm.s32 $0x4900  }
0x532: {  	[tilespmem:s3], [sflag:$0x1] =	stream.indirect_vreg.gather [hbm4b:s1+s31], $0x80, v20, vm0, $0xb8;
	[tilespmem:$0x1D000] =	vst v63  }
0x533: {  	v52 =	vperm.xlane v17, v8;
	v51 =	vadd.s32 v3, v50;
	s3 =	simm.s32 $0x4980  }
0x534: {  	[tilespmem:s3], [sflag:$0x1] =	stream.indirect_vreg.gather [hbm4b:s1+s31], $0x80, v18, vm0, $0xb8;
	[tilespmem:$0x1D000] =	vst v63  }
0x535: {  	v53 =	vperm.xlane v17, v0;
	v18 =	vadd.s32 v3, v52;
	s3 =	simm.s32 $0x4A00  }
0x536: {  	[tilespmem:s3], [sflag:$0x1] =	stream.indirect_vreg.gather [hbm4b:s1+s31], $0x80, v19, vm0, $0xb8;
	[tilespmem:$0x1D000] =	vst v63  }
0x537: {  	v54 =	vperm.xlane v17, v9;
	v19 =	vadd.s32 v3, v53;
	s3 =	simm.s32 $0x4A80  }
0x538: {  	[tilespmem:s3], [sflag:$0x1] =	stream.indirect_vreg.gather [hbm4b:s1+s31], $0x80, v51, vm0, $0xb8;
	[tilespmem:$0x1D000] =	vst v63  }
0x539: {  	v56 =	vperm.xlane v17, v10;
	v55 =	vadd.s32 v3, v54;
	s3 =	simm.s32 $0x4B00  }
0x53a: {  	[tilespmem:s3], [sflag:$0x1] =	stream.indirect_vreg.gather [hbm4b:s1+s31], $0x80, v18, vm0, $0xb8;
	[tilespmem:$0x1D000] =	vst v63  }
0x53b: {  	v57 =	vperm.xlane v17, v11;
	v18 =	vadd.s32 v3, v56;
	s3 =	simm.s32 $0x4B80  }
0x53c: {  	[tilespmem:s3], [sflag:$0x1] =	stream.indirect_vreg.gather [hbm4b:s1+s31], $0x80, v19, vm0, $0xb8;
	[tilespmem:$0x1D000] =	vst v63  }
0x53d: {  	v58 =	vperm.xlane v17, v12;
	v19 =	vadd.s32 v3, v57;
	s3 =	simm.s32 $0x4C00  }
0x53e: {  	[tilespmem:s3], [sflag:$0x1] =	stream.indirect_vreg.gather [hbm4b:s1+s31], $0x80, v55, vm0, $0xb8;
	[tilespmem:$0x1D000] =	vst v63  }
0x53f: {  	v60 =	vperm.xlane v17, v13;
	v59 =	vadd.s32 v3, v58;
	s3 =	simm.s32 $0x4C80  }
0x540: {  	[tilespmem:s3], [sflag:$0x1] =	stream.indirect_vreg.gather [hbm4b:s1+s31], $0x80, v18, vm0, $0xb8;
	[tilespmem:$0x1D000] =	vst v63  }
0x541: {  	v61 =	vperm.xlane v17, v14;
	v18 =	vadd.s32 v3, v60;
	s3 =	simm.s32 $0x4D00  }
0x542: {  	[tilespmem:s3], [sflag:$0x1] =	stream.indirect_vreg.gather [hbm4b:s1+s31], $0x80, v19, vm0, $0xb8;
	[tilespmem:$0x1D000] =	vst v63  }
0x543: {  	v19 =	vadd.s32 v3, v61;
	s3 =	simm.s32 $0x4D80  }
0x544: {  	v62 =	vperm.xlane v17, v15;
	[tilespmem:s3], [sflag:$0x1] =	stream.indirect_vreg.gather [hbm4b:s1+s31], $0x80, v59, vm0, $0xb8;
	[tilespmem:$0x1D000] =	vst v63  }
0x545: {  	s3 =	simm.s32 $0x4E00  }
0x546: {  	v17 =	vperm.xlane v17, v16;
	v63 =	vadd.s32 v3, v62;
	[tilespmem:s3], [sflag:$0x1] =	stream.indirect_vreg.gather [hbm4b:s1+s31], $0x80, v18, vm0, $0xb8;
	[tilespmem:$0x1D000] =	vst v63  }
0x547: {  	s3 =	simm.s32 $0x4E80  }
0x548: {  	v17 =	vadd.s32 v3, v17;
	[tilespmem:s3], [sflag:$0x1] =	stream.indirect_vreg.gather [hbm4b:s1+s31], $0x80, v19, vm0, $0xb8;
	[tilespmem:$0x1D000] =	vst v63  }
.Ltmp10:
0x549: {  	_ = 	snop;
	(pc) =	sbr.rel .LBB2_3-.Ltmp10, $4  }
0x54a: {  	s3 =	simm.s32 $0x4F00  }
0x54b: {  	[tilespmem:s3], [sflag:$0x1] =	stream.indirect_vreg.gather [hbm4b:s1+s31], $0x80, v63, vm0, $0xb8;
	[tilespmem:$0x1D000] =	vst v63  }
0x54c: {  	s3 =	simm.s32 $0x4F80  }
0x54d: {  	[tilespmem:s3], [sflag:$0x1] =	stream.indirect_vreg.gather [hbm4b:s1+s31], $0x80, v17, vm0, $0xb8;
	[tilespmem:$0x1D000] =	vst v63  }
.LBB2_5:
0x54e: {  	_ =	swait.ge [sflag:s30], $0x4000;
	s31 =	sadd.s32 $0x400, s31  }
0x54f: {  	[sflag:s30] =	ssyncset.done $0x0;
	p1 =	sne.s32 s31, $0x2000  }
.Ltmp11:
0x550: {  	s0 =	sadd.s32 $0x880, s0;
	[sflag:s30] =	ssyncadd.s32 $0xFFFFC000;
	(pc) =	sbr.rel @!p1 .LBB2_6-.Ltmp11, $4  }
0x551: {  	[spmem:s4] =	stream.indirect.scatter.add.f32 [tilespmem:s19], [sflag:$0x3], $0x80, s0, s29, $0xb8;
	[tilespmem:$0x1D000] =	vst v63  }
0x552: {  	_ =	swait.ge [sflag:s14], $0x4000  }
0x553: {  	[sflag:s14] =	ssyncset.done $0x0  }
0x554: {  	[sflag:s14] =	ssyncadd.s32 $0xFFFFC000  }
.LBB2_3:
0x555: {  	s0 =	sshra.s32 s31, $0x2  }
0x556: {  	v17 =	vld [tilespmem:s0+$0x80];
	_ =	sdelay $0x4  }
0x557: {  	v18 =	vshll.u32 v17, $0x1  }
0x558: {  	v17 =	vand.u32 $0x7, v17;
	v18 =	vand.u32 $0xFFFFFFF0, v18  }
0x559: {  	v17 =	vor.u32 v17, v18  }
0x55a: {  	v18 =	vperm.xlane v17, v2;
	_ =	sdelay $0x1  }
0x55b: {  	v19 =	vperm.xlane v17, v1;
	v18 =	vadd.s32 v3, v18;
	_ =	sdelay $0x1  }
0x55c: {  	v20 =	vperm.xlane v17, v4;
	v19 =	vadd.s32 v3, v19;
	_ =	sdelay $0x1  }
0x55d: {  	v21 =	vperm.xlane v17, v5;
	v20 =	vadd.s32 v3, v20  }
0x55e: {  	[tilespmem:s19], [sflag:$0x2] =	stream.indirect_vreg.gather [hbm4b:s1+s5], $0x80, v18, vm0, $0xb8;
	[tilespmem:$0x1D000] =	vst v63  }
0x55f: {  	s3 =	simm.s32 $0x5080;
	v50 =	vperm.xlane v17, v6;
	v18 =	vadd.s32 v3, v21  }
0x560: {  	[tilespmem:s3], [sflag:$0x2] =	stream.indirect_vreg.gather [hbm4b:s1+s5], $0x80, v19, vm0, $0xb8;
	[tilespmem:$0x1D000] =	vst v63  }
0x561: {  	v51 =	vperm.xlane v17, v7;
	v19 =	vadd.s32 v3, v50;
	s3 =	simm.s32 $0x5100  }
0x562: {  	[tilespmem:s3], [sflag:$0x2] =	stream.indirect_vreg.gather [hbm4b:s1+s5], $0x80, v20, vm0, $0xb8;
	[tilespmem:$0x1D000] =	vst v63  }
0x563: {  	v53 =	vperm.xlane v17, v8;
	v52 =	vadd.s32 v3, v51;
	s3 =	simm.s32 $0x5180  }
0x564: {  	[tilespmem:s3], [sflag:$0x2] =	stream.indirect_vreg.gather [hbm4b:s1+s5], $0x80, v18, vm0, $0xb8;
	[tilespmem:$0x1D000] =	vst v63  }
0x565: {  	v54 =	vperm.xlane v17, v0;
	v18 =	vadd.s32 v3, v53;
	s3 =	simm.s32 $0x5200  }
0x566: {  	[tilespmem:s3], [sflag:$0x2] =	stream.indirect_vreg.gather [hbm4b:s1+s5], $0x80, v19, vm0, $0xb8;
	[tilespmem:$0x1D000] =	vst v63  }
0x567: {  	v55 =	vperm.xlane v17, v9;
	v19 =	vadd.s32 v3, v54;
	s3 =	simm.s32 $0x5280  }
0x568: {  	[tilespmem:s3], [sflag:$0x2] =	stream.indirect_vreg.gather [hbm4b:s1+s5], $0x80, v52, vm0, $0xb8;
	[tilespmem:$0x1D000] =	vst v63  }
0x569: {  	v57 =	vperm.xlane v17, v10;
	v56 =	vadd.s32 v3, v55;
	s3 =	simm.s32 $0x5300  }
0x56a: {  	[tilespmem:s3], [sflag:$0x2] =	stream.indirect_vreg.gather [hbm4b:s1+s5], $0x80, v18, vm0, $0xb8;
	[tilespmem:$0x1D000] =	vst v63  }
0x56b: {  	v58 =	vperm.xlane v17, v11;
	v18 =	vadd.s32 v3, v57;
	s3 =	simm.s32 $0x5380  }
0x56c: {  	[tilespmem:s3], [sflag:$0x2] =	stream.indirect_vreg.gather [hbm4b:s1+s5], $0x80, v19, vm0, $0xb8;
	[tilespmem:$0x1D000] =	vst v63  }
0x56d: {  	v59 =	vperm.xlane v17, v12;
	v19 =	vadd.s32 v3, v58;
	s3 =	simm.s32 $0x5400  }
0x56e: {  	[tilespmem:s3], [sflag:$0x2] =	stream.indirect_vreg.gather [hbm4b:s1+s5], $0x80, v56, vm0, $0xb8;
	[tilespmem:$0x1D000] =	vst v63  }
0x56f: {  	v61 =	vperm.xlane v17, v13;
	v60 =	vadd.s32 v3, v59;
	s3 =	simm.s32 $0x5480  }
0x570: {  	[tilespmem:s3], [sflag:$0x2] =	stream.indirect_vreg.gather [hbm4b:s1+s5], $0x80, v18, vm0, $0xb8;
	[tilespmem:$0x1D000] =	vst v63  }
0x571: {  	v62 =	vperm.xlane v17, v14;
	v18 =	vadd.s32 v3, v61;
	s3 =	simm.s32 $0x5500  }
0x572: {  	[tilespmem:s3], [sflag:$0x2] =	stream.indirect_vreg.gather [hbm4b:s1+s5], $0x80, v19, vm0, $0xb8;
	[tilespmem:$0x1D000] =	vst v63  }
0x573: {  	v63 =	vperm.xlane v17, v15;
	v19 =	vadd.s32 v3, v62;
	s3 =	simm.s32 $0x5580  }
0x574: {  	[tilespmem:s3], [sflag:$0x2] =	stream.indirect_vreg.gather [hbm4b:s1+s5], $0x80, v60, vm0, $0xb8;
	[tilespmem:$0x1D000] =	vst v63  }
0x575: {  	v17 =	vperm.xlane v17, v16;
	v24 =	vadd.s32 v3, v63;
	s3 =	simm.s32 $0x5600  }
0x576: {  	[tilespmem:s3], [sflag:$0x2] =	stream.indirect_vreg.gather [hbm4b:s1+s5], $0x80, v18, vm0, $0xb8;
	[tilespmem:$0x1D000] =	vst v63  }
0x577: {  	v17 =	vadd.s32 v3, v17;
	s3 =	simm.s32 $0x5680  }
0x578: {  	[tilespmem:s3], [sflag:$0x2] =	stream.indirect_vreg.gather [hbm4b:s1+s5], $0x80, v19, vm0, $0xb8;
	[tilespmem:$0x1D000] =	vst v63  }
0x579: {  	s3 =	simm.s32 $0x5700  }
0x57a: {  	[tilespmem:s3], [sflag:$0x2] =	stream.indirect_vreg.gather [hbm4b:s1+s5], $0x80, v24, vm0, $0xb8;
	[tilespmem:$0x1D000] =	vst v63  }
0x57b: {  	s3 =	simm.s32 $0x5780  }
0x57c: {  	[tilespmem:s3], [sflag:$0x2] =	stream.indirect_vreg.gather [hbm4b:s1+s5], $0x80, v17, vm0, $0xb8;
	[tilespmem:$0x1D000] =	vst v63  }
0x57d: {  	v17 =	vld [tilespmem:s0+$0x90];
	_ =	sdelay $0x4  }
0x57e: {  	v18 =	vshll.u32 v17, $0x1  }
0x57f: {  	v17 =	vand.u32 $0x7, v17;
	v18 =	vand.u32 $0xFFFFFFF0, v18  }
0x580: {  	v17 =	vor.u32 v17, v18  }
0x581: {  	v18 =	vperm.xlane v17, v2;
	_ =	sdelay $0x1  }
0x582: {  	v19 =	vperm.xlane v17, v1;
	v18 =	vadd.s32 v3, v18;
	_ =	sdelay $0x1  }
0x583: {  	v25 =	vperm.xlane v17, v4;
	v19 =	vadd.s32 v3, v19;
	_ =	sdelay $0x1  }
0x584: {  	s3 =	simm.s32 $0x5800;
	v26 =	vperm.xlane v17, v5;
	v20 =	vadd.s32 v3, v25  }
0x585: {  	[tilespmem:s3], [sflag:$0x2] =	stream.indirect_vreg.gather [hbm4b:s1+s5], $0x80, v18, vm0, $0xb8;
	[tilespmem:$0x1D000] =	vst v63  }
0x586: {  	v27 =	vperm.xlane v17, v6;
	v18 =	vadd.s32 v3, v26;
	s3 =	simm.s32 $0x5880  }
0x587: {  	[tilespmem:s3], [sflag:$0x2] =	stream.indirect_vreg.gather [hbm4b:s1+s5], $0x80, v19, vm0, $0xb8;
	[tilespmem:$0x1D000] =	vst v63  }
0x588: {  	v28 =	vperm.xlane v17, v7;
	v19 =	vadd.s32 v3, v27;
	s3 =	simm.s32 $0x5900  }
0x589: {  	[tilespmem:s3], [sflag:$0x2] =	stream.indirect_vreg.gather [hbm4b:s1+s5], $0x80, v20, vm0, $0xb8;
	[tilespmem:$0x1D000] =	vst v63  }
0x58a: {  	v30 =	vperm.xlane v17, v8;
	v29 =	vadd.s32 v3, v28;
	s3 =	simm.s32 $0x5980  }
0x58b: {  	[tilespmem:s3], [sflag:$0x2] =	stream.indirect_vreg.gather [hbm4b:s1+s5], $0x80, v18, vm0, $0xb8;
	[tilespmem:$0x1D000] =	vst v63  }
0x58c: {  	v31 =	vperm.xlane v17, v0;
	v18 =	vadd.s32 v3, v30;
	s3 =	simm.s32 $0x5A00  }
0x58d: {  	[tilespmem:s3], [sflag:$0x2] =	stream.indirect_vreg.gather [hbm4b:s1+s5], $0x80, v19, vm0, $0xb8;
	[tilespmem:$0x1D000] =	vst v63  }
0x58e: {  	v32 =	vperm.xlane v17, v9;
	v19 =	vadd.s32 v3, v31;
	s3 =	simm.s32 $0x5A80  }
0x58f: {  	[tilespmem:s3], [sflag:$0x2] =	stream.indirect_vreg.gather [hbm4b:s1+s5], $0x80, v29, vm0, $0xb8;
	[tilespmem:$0x1D000] =	vst v63  }
0x590: {  	v34 =	vperm.xlane v17, v10;
	v33 =	vadd.s32 v3, v32;
	s3 =	simm.s32 $0x5B00  }
0x591: {  	[tilespmem:s3], [sflag:$0x2] =	stream.indirect_vreg.gather [hbm4b:s1+s5], $0x80, v18, vm0, $0xb8;
	[tilespmem:$0x1D000] =	vst v63  }
0x592: {  	v35 =	vperm.xlane v17, v11;
	v18 =	vadd.s32 v3, v34;
	s3 =	simm.s32 $0x5B80  }
0x593: {  	[tilespmem:s3], [sflag:$0x2] =	stream.indirect_vreg.gather [hbm4b:s1+s5], $0x80, v19, vm0, $0xb8;
	[tilespmem:$0x1D000] =	vst v63  }
0x594: {  	v36 =	vperm.xlane v17, v12;
	v19 =	vadd.s32 v3, v35;
	s3 =	simm.s32 $0x5C00  }
0x595: {  	[tilespmem:s3], [sflag:$0x2] =	stream.indirect_vreg.gather [hbm4b:s1+s5], $0x80, v33, vm0, $0xb8;
	[tilespmem:$0x1D000] =	vst v63  }
0x596: {  	v38 =	vperm.xlane v17, v13;
	v37 =	vadd.s32 v3, v36;
	s3 =	simm.s32 $0x5C80  }
0x597: {  	[tilespmem:s3], [sflag:$0x2] =	stream.indirect_vreg.gather [hbm4b:s1+s5], $0x80, v18, vm0, $0xb8;
	[tilespmem:$0x1D000] =	vst v63  }
0x598: {  	v39 =	vperm.xlane v17, v14;
	v18 =	vadd.s32 v3, v38;
	s3 =	simm.s32 $0x5D00  }
0x599: {  	[tilespmem:s3], [sflag:$0x2] =	stream.indirect_vreg.gather [hbm4b:s1+s5], $0x80, v19, vm0, $0xb8;
	[tilespmem:$0x1D000] =	vst v63  }
0x59a: {  	v40 =	vperm.xlane v17, v15;
	v19 =	vadd.s32 v3, v39;
	s3 =	simm.s32 $0x5D80  }
0x59b: {  	[tilespmem:s3], [sflag:$0x2] =	stream.indirect_vreg.gather [hbm4b:s1+s5], $0x80, v37, vm0, $0xb8;
	[tilespmem:$0x1D000] =	vst v63  }
0x59c: {  	v17 =	vperm.xlane v17, v16;
	v41 =	vadd.s32 v3, v40;
	s3 =	simm.s32 $0x5E00  }
0x59d: {  	[tilespmem:s3], [sflag:$0x2] =	stream.indirect_vreg.gather [hbm4b:s1+s5], $0x80, v18, vm0, $0xb8;
	[tilespmem:$0x1D000] =	vst v63  }
0x59e: {  	v17 =	vadd.s32 v3, v17;
	s3 =	simm.s32 $0x5E80  }
0x59f: {  	[tilespmem:s3], [sflag:$0x2] =	stream.indirect_vreg.gather [hbm4b:s1+s5], $0x80, v19, vm0, $0xb8;
	[tilespmem:$0x1D000] =	vst v63  }
0x5a0: {  	s3 =	simm.s32 $0x5F00  }
0x5a1: {  	[tilespmem:s3], [sflag:$0x2] =	stream.indirect_vreg.gather [hbm4b:s1+s5], $0x80, v41, vm0, $0xb8;
	[tilespmem:$0x1D000] =	vst v63  }
0x5a2: {  	s3 =	simm.s32 $0x5F80  }
0x5a3: {  	[tilespmem:s3], [sflag:$0x2] =	stream.indirect_vreg.gather [hbm4b:s1+s5], $0x80, v17, vm0, $0xb8;
	[tilespmem:$0x1D000] =	vst v63  }
0x5a4: {  	v17 =	vld [tilespmem:s0+$0xA0];
	_ =	sdelay $0x4  }
0x5a5: {  	v18 =	vshll.u32 v17, $0x1  }
0x5a6: {  	v17 =	vand.u32 $0x7, v17;
	v18 =	vand.u32 $0xFFFFFFF0, v18  }
0x5a7: {  	v17 =	vor.u32 v17, v18  }
0x5a8: {  	v18 =	vperm.xlane v17, v2;
	_ =	sdelay $0x1  }
0x5a9: {  	v19 =	vperm.xlane v17, v1;
	v18 =	vadd.s32 v3, v18;
	_ =	sdelay $0x1  }
0x5aa: {  	v42 =	vperm.xlane v17, v4;
	v19 =	vadd.s32 v3, v19;
	_ =	sdelay $0x1  }
0x5ab: {  	s3 =	simm.s32 $0x6000;
	v43 =	vperm.xlane v17, v5;
	v20 =	vadd.s32 v3, v42  }
0x5ac: {  	[tilespmem:s3], [sflag:$0x2] =	stream.indirect_vreg.gather [hbm4b:s1+s5], $0x80, v18, vm0, $0xb8;
	[tilespmem:$0x1D000] =	vst v63  }
0x5ad: {  	v44 =	vperm.xlane v17, v6;
	v18 =	vadd.s32 v3, v43;
	s3 =	simm.s32 $0x6080  }
0x5ae: {  	[tilespmem:s3], [sflag:$0x2] =	stream.indirect_vreg.gather [hbm4b:s1+s5], $0x80, v19, vm0, $0xb8;
	[tilespmem:$0x1D000] =	vst v63  }
0x5af: {  	v45 =	vperm.xlane v17, v7;
	v19 =	vadd.s32 v3, v44;
	s3 =	simm.s32 $0x6100  }
0x5b0: {  	[tilespmem:s3], [sflag:$0x2] =	stream.indirect_vreg.gather [hbm4b:s1+s5], $0x80, v20, vm0, $0xb8;
	[tilespmem:$0x1D000] =	vst v63  }
0x5b1: {  	v47 =	vperm.xlane v17, v8;
	v46 =	vadd.s32 v3, v45;
	s3 =	simm.s32 $0x6180  }
0x5b2: {  	[tilespmem:s3], [sflag:$0x2] =	stream.indirect_vreg.gather [hbm4b:s1+s5], $0x80, v18, vm0, $0xb8;
	[tilespmem:$0x1D000] =	vst v63  }
0x5b3: {  	v48 =	vperm.xlane v17, v0;
	v18 =	vadd.s32 v3, v47;
	s3 =	simm.s32 $0x6200  }
0x5b4: {  	[tilespmem:s3], [sflag:$0x2] =	stream.indirect_vreg.gather [hbm4b:s1+s5], $0x80, v19, vm0, $0xb8;
	[tilespmem:$0x1D000] =	vst v63  }
0x5b5: {  	v49 =	vperm.xlane v17, v9;
	v19 =	vadd.s32 v3, v48;
	s3 =	simm.s32 $0x6280  }
0x5b6: {  	[tilespmem:s3], [sflag:$0x2] =	stream.indirect_vreg.gather [hbm4b:s1+s5], $0x80, v46, vm0, $0xb8;
	[tilespmem:$0x1D000] =	vst v63  }
0x5b7: {  	v51 =	vperm.xlane v17, v10;
	v50 =	vadd.s32 v3, v49;
	s3 =	simm.s32 $0x6300  }
0x5b8: {  	[tilespmem:s3], [sflag:$0x2] =	stream.indirect_vreg.gather [hbm4b:s1+s5], $0x80, v18, vm0, $0xb8;
	[tilespmem:$0x1D000] =	vst v63  }
0x5b9: {  	v52 =	vperm.xlane v17, v11;
	v18 =	vadd.s32 v3, v51;
	s3 =	simm.s32 $0x6380  }
0x5ba: {  	[tilespmem:s3], [sflag:$0x2] =	stream.indirect_vreg.gather [hbm4b:s1+s5], $0x80, v19, vm0, $0xb8;
	[tilespmem:$0x1D000] =	vst v63  }
0x5bb: {  	v53 =	vperm.xlane v17, v12;
	v19 =	vadd.s32 v3, v52;
	s3 =	simm.s32 $0x6400  }
0x5bc: {  	[tilespmem:s3], [sflag:$0x2] =	stream.indirect_vreg.gather [hbm4b:s1+s5], $0x80, v50, vm0, $0xb8;
	[tilespmem:$0x1D000] =	vst v63  }
0x5bd: {  	v55 =	vperm.xlane v17, v13;
	v54 =	vadd.s32 v3, v53;
	s3 =	simm.s32 $0x6480  }
0x5be: {  	[tilespmem:s3], [sflag:$0x2] =	stream.indirect_vreg.gather [hbm4b:s1+s5], $0x80, v18, vm0, $0xb8;
	[tilespmem:$0x1D000] =	vst v63  }
0x5bf: {  	v56 =	vperm.xlane v17, v14;
	v18 =	vadd.s32 v3, v55;
	s3 =	simm.s32 $0x6500  }
0x5c0: {  	[tilespmem:s3], [sflag:$0x2] =	stream.indirect_vreg.gather [hbm4b:s1+s5], $0x80, v19, vm0, $0xb8;
	[tilespmem:$0x1D000] =	vst v63  }
0x5c1: {  	v57 =	vperm.xlane v17, v15;
	v19 =	vadd.s32 v3, v56;
	s3 =	simm.s32 $0x6580  }
0x5c2: {  	[tilespmem:s3], [sflag:$0x2] =	stream.indirect_vreg.gather [hbm4b:s1+s5], $0x80, v54, vm0, $0xb8;
	[tilespmem:$0x1D000] =	vst v63  }
0x5c3: {  	v17 =	vperm.xlane v17, v16;
	v58 =	vadd.s32 v3, v57;
	s3 =	simm.s32 $0x6600  }
0x5c4: {  	[tilespmem:s3], [sflag:$0x2] =	stream.indirect_vreg.gather [hbm4b:s1+s5], $0x80, v18, vm0, $0xb8;
	[tilespmem:$0x1D000] =	vst v63  }
0x5c5: {  	v17 =	vadd.s32 v3, v17;
	s3 =	simm.s32 $0x6680  }
0x5c6: {  	[tilespmem:s3], [sflag:$0x2] =	stream.indirect_vreg.gather [hbm4b:s1+s5], $0x80, v19, vm0, $0xb8;
	[tilespmem:$0x1D000] =	vst v63  }
0x5c7: {  	s3 =	simm.s32 $0x6700  }
0x5c8: {  	[tilespmem:s3], [sflag:$0x2] =	stream.indirect_vreg.gather [hbm4b:s1+s5], $0x80, v58, vm0, $0xb8;
	[tilespmem:$0x1D000] =	vst v63  }
0x5c9: {  	s3 =	simm.s32 $0x6780  }
0x5ca: {  	[tilespmem:s3], [sflag:$0x2] =	stream.indirect_vreg.gather [hbm4b:s1+s5], $0x80, v17, vm0, $0xb8;
	[tilespmem:$0x1D000] =	vst v63  }
0x5cb: {  	v17 =	vld [tilespmem:s0+$0xB0];
	_ =	sdelay $0x4  }
0x5cc: {  	v18 =	vshll.u32 v17, $0x1  }
0x5cd: {  	v17 =	vand.u32 $0x7, v17;
	v18 =	vand.u32 $0xFFFFFFF0, v18  }
0x5ce: {  	v17 =	vor.u32 v17, v18  }
0x5cf: {  	v18 =	vperm.xlane v17, v2;
	_ =	sdelay $0x1  }
0x5d0: {  	v19 =	vperm.xlane v17, v1;
	v18 =	vadd.s32 v3, v18;
	_ =	sdelay $0x1  }
0x5d1: {  	v59 =	vperm.xlane v17, v4;
	v19 =	vadd.s32 v3, v19;
	_ =	sdelay $0x1  }
0x5d2: {  	s3 =	simm.s32 $0x6800;
	v60 =	vperm.xlane v17, v5;
	v20 =	vadd.s32 v3, v59  }
0x5d3: {  	[tilespmem:s3], [sflag:$0x2] =	stream.indirect_vreg.gather [hbm4b:s1+s5], $0x80, v18, vm0, $0xb8;
	[tilespmem:$0x1D000] =	vst v63  }
0x5d4: {  	v61 =	vperm.xlane v17, v6;
	v18 =	vadd.s32 v3, v60;
	s3 =	simm.s32 $0x6880  }
0x5d5: {  	[tilespmem:s3], [sflag:$0x2] =	stream.indirect_vreg.gather [hbm4b:s1+s5], $0x80, v19, vm0, $0xb8;
	[tilespmem:$0x1D000] =	vst v63  }
0x5d6: {  	v62 =	vperm.xlane v17, v7;
	v19 =	vadd.s32 v3, v61;
	s3 =	simm.s32 $0x6900  }
0x5d7: {  	[tilespmem:s3], [sflag:$0x2] =	stream.indirect_vreg.gather [hbm4b:s1+s5], $0x80, v20, vm0, $0xb8;
	[tilespmem:$0x1D000] =	vst v63  }
0x5d8: {  	v24 =	vperm.xlane v17, v8;
	v63 =	vadd.s32 v3, v62;
	s3 =	simm.s32 $0x6980  }
0x5d9: {  	[tilespmem:s3], [sflag:$0x2] =	stream.indirect_vreg.gather [hbm4b:s1+s5], $0x80, v18, vm0, $0xb8;
	[tilespmem:$0x1D000] =	vst v63  }
0x5da: {  	v25 =	vperm.xlane v17, v0;
	v18 =	vadd.s32 v3, v24;
	s3 =	simm.s32 $0x6A00  }
0x5db: {  	[tilespmem:s3], [sflag:$0x2] =	stream.indirect_vreg.gather [hbm4b:s1+s5], $0x80, v19, vm0, $0xb8;
	[tilespmem:$0x1D000] =	vst v63  }
0x5dc: {  	v26 =	vperm.xlane v17, v9;
	v19 =	vadd.s32 v3, v25;
	s3 =	simm.s32 $0x6A80  }
0x5dd: {  	[tilespmem:s3], [sflag:$0x2] =	stream.indirect_vreg.gather [hbm4b:s1+s5], $0x80, v63, vm0, $0xb8;
	[tilespmem:$0x1D000] =	vst v63  }
0x5de: {  	v28 =	vperm.xlane v17, v10;
	v27 =	vadd.s32 v3, v26;
	s3 =	simm.s32 $0x6B00  }
0x5df: {  	[tilespmem:s3], [sflag:$0x2] =	stream.indirect_vreg.gather [hbm4b:s1+s5], $0x80, v18, vm0, $0xb8;
	[tilespmem:$0x1D000] =	vst v63  }
0x5e0: {  	v29 =	vperm.xlane v17, v11;
	v18 =	vadd.s32 v3, v28;
	s3 =	simm.s32 $0x6B80  }
0x5e1: {  	[tilespmem:s3], [sflag:$0x2] =	stream.indirect_vreg.gather [hbm4b:s1+s5], $0x80, v19, vm0, $0xb8;
	[tilespmem:$0x1D000] =	vst v63  }
0x5e2: {  	v30 =	vperm.xlane v17, v12;
	v19 =	vadd.s32 v3, v29;
	s3 =	simm.s32 $0x6C00  }
0x5e3: {  	[tilespmem:s3], [sflag:$0x2] =	stream.indirect_vreg.gather [hbm4b:s1+s5], $0x80, v27, vm0, $0xb8;
	[tilespmem:$0x1D000] =	vst v63  }
0x5e4: {  	v32 =	vperm.xlane v17, v13;
	v31 =	vadd.s32 v3, v30;
	s3 =	simm.s32 $0x6C80  }
0x5e5: {  	[tilespmem:s3], [sflag:$0x2] =	stream.indirect_vreg.gather [hbm4b:s1+s5], $0x80, v18, vm0, $0xb8;
	[tilespmem:$0x1D000] =	vst v63  }
0x5e6: {  	v33 =	vperm.xlane v17, v14;
	v18 =	vadd.s32 v3, v32;
	s3 =	simm.s32 $0x6D00  }
0x5e7: {  	[tilespmem:s3], [sflag:$0x2] =	stream.indirect_vreg.gather [hbm4b:s1+s5], $0x80, v19, vm0, $0xb8;
	[tilespmem:$0x1D000] =	vst v63  }
0x5e8: {  	v34 =	vperm.xlane v17, v15;
	v19 =	vadd.s32 v3, v33;
	s3 =	simm.s32 $0x6D80  }
0x5e9: {  	[tilespmem:s3], [sflag:$0x2] =	stream.indirect_vreg.gather [hbm4b:s1+s5], $0x80, v31, vm0, $0xb8;
	[tilespmem:$0x1D000] =	vst v63  }
0x5ea: {  	v17 =	vperm.xlane v17, v16;
	v35 =	vadd.s32 v3, v34;
	s3 =	simm.s32 $0x6E00  }
0x5eb: {  	[tilespmem:s3], [sflag:$0x2] =	stream.indirect_vreg.gather [hbm4b:s1+s5], $0x80, v18, vm0, $0xb8;
	[tilespmem:$0x1D000] =	vst v63  }
0x5ec: {  	v17 =	vadd.s32 v3, v17;
	s3 =	simm.s32 $0x6E80  }
0x5ed: {  	[tilespmem:s3], [sflag:$0x2] =	stream.indirect_vreg.gather [hbm4b:s1+s5], $0x80, v19, vm0, $0xb8;
	[tilespmem:$0x1D000] =	vst v63  }
0x5ee: {  	s3 =	simm.s32 $0x6F00  }
0x5ef: {  	[tilespmem:s3], [sflag:$0x2] =	stream.indirect_vreg.gather [hbm4b:s1+s5], $0x80, v35, vm0, $0xb8;
	[tilespmem:$0x1D000] =	vst v63  }
0x5f0: {  	s3 =	simm.s32 $0x6F80  }
0x5f1: {  	[tilespmem:s3], [sflag:$0x2] =	stream.indirect_vreg.gather [hbm4b:s1+s5], $0x80, v17, vm0, $0xb8;
	[tilespmem:$0x1D000] =	vst v63  }
0x5f2: {  	v17 =	vld [tilespmem:s0+$0xC0];
	_ =	sdelay $0x4  }
0x5f3: {  	v18 =	vshll.u32 v17, $0x1  }
0x5f4: {  	v17 =	vand.u32 $0x7, v17;
	v18 =	vand.u32 $0xFFFFFFF0, v18  }
0x5f5: {  	v17 =	vor.u32 v17, v18  }
0x5f6: {  	v18 =	vperm.xlane v17, v2;
	_ =	sdelay $0x1  }
0x5f7: {  	v19 =	vperm.xlane v17, v1;
	v18 =	vadd.s32 v3, v18;
	_ =	sdelay $0x1  }
0x5f8: {  	v36 =	vperm.xlane v17, v4;
	v19 =	vadd.s32 v3, v19;
	_ =	sdelay $0x1  }
0x5f9: {  	s3 =	simm.s32 $0x7000;
	v37 =	vperm.xlane v17, v5;
	v20 =	vadd.s32 v3, v36  }
0x5fa: {  	[tilespmem:s3], [sflag:$0x2] =	stream.indirect_vreg.gather [hbm4b:s1+s5], $0x80, v18, vm0, $0xb8;
	[tilespmem:$0x1D000] =	vst v63  }
0x5fb: {  	v38 =	vperm.xlane v17, v6;
	v18 =	vadd.s32 v3, v37;
	s3 =	simm.s32 $0x7080  }
0x5fc: {  	[tilespmem:s3], [sflag:$0x2] =	stream.indirect_vreg.gather [hbm4b:s1+s5], $0x80, v19, vm0, $0xb8;
	[tilespmem:$0x1D000] =	vst v63  }
0x5fd: {  	v39 =	vperm.xlane v17, v7;
	v19 =	vadd.s32 v3, v38;
	s3 =	simm.s32 $0x7100  }
0x5fe: {  	[tilespmem:s3], [sflag:$0x2] =	stream.indirect_vreg.gather [hbm4b:s1+s5], $0x80, v20, vm0, $0xb8;
	[tilespmem:$0x1D000] =	vst v63  }
0x5ff: {  	v41 =	vperm.xlane v17, v8;
	v40 =	vadd.s32 v3, v39;
	s3 =	simm.s32 $0x7180  }
0x600: {  	[tilespmem:s3], [sflag:$0x2] =	stream.indirect_vreg.gather [hbm4b:s1+s5], $0x80, v18, vm0, $0xb8;
	[tilespmem:$0x1D000] =	vst v63  }
0x601: {  	v42 =	vperm.xlane v17, v0;
	v18 =	vadd.s32 v3, v41;
	s3 =	simm.s32 $0x7200  }
0x602: {  	[tilespmem:s3], [sflag:$0x2] =	stream.indirect_vreg.gather [hbm4b:s1+s5], $0x80, v19, vm0, $0xb8;
	[tilespmem:$0x1D000] =	vst v63  }
0x603: {  	v43 =	vperm.xlane v17, v9;
	v19 =	vadd.s32 v3, v42;
	s3 =	simm.s32 $0x7280  }
0x604: {  	[tilespmem:s3], [sflag:$0x2] =	stream.indirect_vreg.gather [hbm4b:s1+s5], $0x80, v40, vm0, $0xb8;
	[tilespmem:$0x1D000] =	vst v63  }
0x605: {  	v45 =	vperm.xlane v17, v10;
	v44 =	vadd.s32 v3, v43;
	s3 =	simm.s32 $0x7300  }
0x606: {  	[tilespmem:s3], [sflag:$0x2] =	stream.indirect_vreg.gather [hbm4b:s1+s5], $0x80, v18, vm0, $0xb8;
	[tilespmem:$0x1D000] =	vst v63  }
0x607: {  	v46 =	vperm.xlane v17, v11;
	v18 =	vadd.s32 v3, v45;
	s3 =	simm.s32 $0x7380  }
0x608: {  	[tilespmem:s3], [sflag:$0x2] =	stream.indirect_vreg.gather [hbm4b:s1+s5], $0x80, v19, vm0, $0xb8;
	[tilespmem:$0x1D000] =	vst v63  }
0x609: {  	v47 =	vperm.xlane v17, v12;
	v19 =	vadd.s32 v3, v46;
	s3 =	simm.s32 $0x7400  }
0x60a: {  	[tilespmem:s3], [sflag:$0x2] =	stream.indirect_vreg.gather [hbm4b:s1+s5], $0x80, v44, vm0, $0xb8;
	[tilespmem:$0x1D000] =	vst v63  }
0x60b: {  	v49 =	vperm.xlane v17, v13;
	v48 =	vadd.s32 v3, v47;
	s3 =	simm.s32 $0x7480  }
0x60c: {  	[tilespmem:s3], [sflag:$0x2] =	stream.indirect_vreg.gather [hbm4b:s1+s5], $0x80, v18, vm0, $0xb8;
	[tilespmem:$0x1D000] =	vst v63  }
0x60d: {  	v50 =	vperm.xlane v17, v14;
	v18 =	vadd.s32 v3, v49;
	s3 =	simm.s32 $0x7500  }
0x60e: {  	[tilespmem:s3], [sflag:$0x2] =	stream.indirect_vreg.gather [hbm4b:s1+s5], $0x80, v19, vm0, $0xb8;
	[tilespmem:$0x1D000] =	vst v63  }
0x60f: {  	v51 =	vperm.xlane v17, v15;
	v19 =	vadd.s32 v3, v50;
	s3 =	simm.s32 $0x7580  }
0x610: {  	[tilespmem:s3], [sflag:$0x2] =	stream.indirect_vreg.gather [hbm4b:s1+s5], $0x80, v48, vm0, $0xb8;
	[tilespmem:$0x1D000] =	vst v63  }
0x611: {  	v17 =	vperm.xlane v17, v16;
	v52 =	vadd.s32 v3, v51;
	s3 =	simm.s32 $0x7600  }
0x612: {  	[tilespmem:s3], [sflag:$0x2] =	stream.indirect_vreg.gather [hbm4b:s1+s5], $0x80, v18, vm0, $0xb8;
	[tilespmem:$0x1D000] =	vst v63  }
0x613: {  	v17 =	vadd.s32 v3, v17;
	s3 =	simm.s32 $0x7680  }
0x614: {  	[tilespmem:s3], [sflag:$0x2] =	stream.indirect_vreg.gather [hbm4b:s1+s5], $0x80, v19, vm0, $0xb8;
	[tilespmem:$0x1D000] =	vst v63  }
0x615: {  	s3 =	simm.s32 $0x7700  }
0x616: {  	[tilespmem:s3], [sflag:$0x2] =	stream.indirect_vreg.gather [hbm4b:s1+s5], $0x80, v52, vm0, $0xb8;
	[tilespmem:$0x1D000] =	vst v63  }
0x617: {  	s3 =	simm.s32 $0x7780  }
0x618: {  	[tilespmem:s3], [sflag:$0x2] =	stream.indirect_vreg.gather [hbm4b:s1+s5], $0x80, v17, vm0, $0xb8;
	[tilespmem:$0x1D000] =	vst v63  }
0x619: {  	v17 =	vld [tilespmem:s0+$0xD0];
	_ =	sdelay $0x4  }
0x61a: {  	v18 =	vshll.u32 v17, $0x1  }
0x61b: {  	v17 =	vand.u32 $0x7, v17;
	v18 =	vand.u32 $0xFFFFFFF0, v18  }
0x61c: {  	v17 =	vor.u32 v17, v18  }
0x61d: {  	v18 =	vperm.xlane v17, v2;
	_ =	sdelay $0x1  }
0x61e: {  	v19 =	vperm.xlane v17, v1;
	v18 =	vadd.s32 v3, v18;
	_ =	sdelay $0x1  }
0x61f: {  	v53 =	vperm.xlane v17, v4;
	v19 =	vadd.s32 v3, v19;
	_ =	sdelay $0x1  }
0x620: {  	s3 =	simm.s32 $0x7800;
	v54 =	vperm.xlane v17, v5;
	v20 =	vadd.s32 v3, v53  }
0x621: {  	[tilespmem:s3], [sflag:$0x2] =	stream.indirect_vreg.gather [hbm4b:s1+s5], $0x80, v18, vm0, $0xb8;
	[tilespmem:$0x1D000] =	vst v63  }
0x622: {  	v55 =	vperm.xlane v17, v6;
	v18 =	vadd.s32 v3, v54;
	s3 =	simm.s32 $0x7880  }
0x623: {  	[tilespmem:s3], [sflag:$0x2] =	stream.indirect_vreg.gather [hbm4b:s1+s5], $0x80, v19, vm0, $0xb8;
	[tilespmem:$0x1D000] =	vst v63  }
0x624: {  	v56 =	vperm.xlane v17, v7;
	v19 =	vadd.s32 v3, v55;
	s3 =	simm.s32 $0x7900  }
0x625: {  	[tilespmem:s3], [sflag:$0x2] =	stream.indirect_vreg.gather [hbm4b:s1+s5], $0x80, v20, vm0, $0xb8;
	[tilespmem:$0x1D000] =	vst v63  }
0x626: {  	v58 =	vperm.xlane v17, v8;
	v57 =	vadd.s32 v3, v56;
	s3 =	simm.s32 $0x7980  }
0x627: {  	[tilespmem:s3], [sflag:$0x2] =	stream.indirect_vreg.gather [hbm4b:s1+s5], $0x80, v18, vm0, $0xb8;
	[tilespmem:$0x1D000] =	vst v63  }
0x628: {  	v59 =	vperm.xlane v17, v0;
	v18 =	vadd.s32 v3, v58;
	s3 =	simm.s32 $0x7A00  }
0x629: {  	[tilespmem:s3], [sflag:$0x2] =	stream.indirect_vreg.gather [hbm4b:s1+s5], $0x80, v19, vm0, $0xb8;
	[tilespmem:$0x1D000] =	vst v63  }
0x62a: {  	v60 =	vperm.xlane v17, v9;
	v19 =	vadd.s32 v3, v59;
	s3 =	simm.s32 $0x7A80  }
0x62b: {  	[tilespmem:s3], [sflag:$0x2] =	stream.indirect_vreg.gather [hbm4b:s1+s5], $0x80, v57, vm0, $0xb8;
	[tilespmem:$0x1D000] =	vst v63  }
0x62c: {  	v62 =	vperm.xlane v17, v10;
	v61 =	vadd.s32 v3, v60;
	s3 =	simm.s32 $0x7B00  }
0x62d: {  	[tilespmem:s3], [sflag:$0x2] =	stream.indirect_vreg.gather [hbm4b:s1+s5], $0x80, v18, vm0, $0xb8;
	[tilespmem:$0x1D000] =	vst v63  }
0x62e: {  	v63 =	vperm.xlane v17, v11;
	v18 =	vadd.s32 v3, v62;
	s3 =	simm.s32 $0x7B80  }
0x62f: {  	[tilespmem:s3], [sflag:$0x2] =	stream.indirect_vreg.gather [hbm4b:s1+s5], $0x80, v19, vm0, $0xb8;
	[tilespmem:$0x1D000] =	vst v63  }
0x630: {  	v24 =	vperm.xlane v17, v12;
	v19 =	vadd.s32 v3, v63;
	s3 =	simm.s32 $0x7C00  }
0x631: {  	[tilespmem:s3], [sflag:$0x2] =	stream.indirect_vreg.gather [hbm4b:s1+s5], $0x80, v61, vm0, $0xb8;
	[tilespmem:$0x1D000] =	vst v63  }
0x632: {  	v26 =	vperm.xlane v17, v13;
	v25 =	vadd.s32 v3, v24;
	s3 =	simm.s32 $0x7C80  }
0x633: {  	[tilespmem:s3], [sflag:$0x2] =	stream.indirect_vreg.gather [hbm4b:s1+s5], $0x80, v18, vm0, $0xb8;
	[tilespmem:$0x1D000] =	vst v63  }
0x634: {  	v27 =	vperm.xlane v17, v14;
	v18 =	vadd.s32 v3, v26;
	s3 =	simm.s32 $0x7D00  }
0x635: {  	[tilespmem:s3], [sflag:$0x2] =	stream.indirect_vreg.gather [hbm4b:s1+s5], $0x80, v19, vm0, $0xb8;
	[tilespmem:$0x1D000] =	vst v63  }
0x636: {  	v28 =	vperm.xlane v17, v15;
	v19 =	vadd.s32 v3, v27;
	s3 =	simm.s32 $0x7D80  }
0x637: {  	[tilespmem:s3], [sflag:$0x2] =	stream.indirect_vreg.gather [hbm4b:s1+s5], $0x80, v25, vm0, $0xb8;
	[tilespmem:$0x1D000] =	vst v63  }
0x638: {  	v17 =	vperm.xlane v17, v16;
	v29 =	vadd.s32 v3, v28;
	s3 =	simm.s32 $0x7E00  }
0x639: {  	[tilespmem:s3], [sflag:$0x2] =	stream.indirect_vreg.gather [hbm4b:s1+s5], $0x80, v18, vm0, $0xb8;
	[tilespmem:$0x1D000] =	vst v63  }
0x63a: {  	v17 =	vadd.s32 v3, v17;
	s3 =	simm.s32 $0x7E80  }
0x63b: {  	[tilespmem:s3], [sflag:$0x2] =	stream.indirect_vreg.gather [hbm4b:s1+s5], $0x80, v19, vm0, $0xb8;
	[tilespmem:$0x1D000] =	vst v63  }
0x63c: {  	s3 =	simm.s32 $0x7F00  }
0x63d: {  	[tilespmem:s3], [sflag:$0x2] =	stream.indirect_vreg.gather [hbm4b:s1+s5], $0x80, v29, vm0, $0xb8;
	[tilespmem:$0x1D000] =	vst v63  }
0x63e: {  	s3 =	simm.s32 $0x7F80  }
0x63f: {  	[tilespmem:s3], [sflag:$0x2] =	stream.indirect_vreg.gather [hbm4b:s1+s5], $0x80, v17, vm0, $0xb8;
	[tilespmem:$0x1D000] =	vst v63  }
0x640: {  	v17 =	vld [tilespmem:s0+$0xE0];
	_ =	sdelay $0x4  }
0x641: {  	v18 =	vshll.u32 v17, $0x1  }
0x642: {  	v17 =	vand.u32 $0x7, v17;
	v18 =	vand.u32 $0xFFFFFFF0, v18  }
0x643: {  	v17 =	vor.u32 v17, v18  }
0x644: {  	v18 =	vperm.xlane v17, v2;
	_ =	sdelay $0x1  }
0x645: {  	v19 =	vperm.xlane v17, v1;
	v18 =	vadd.s32 v3, v18;
	_ =	sdelay $0x1  }
0x646: {  	v30 =	vperm.xlane v17, v4;
	v19 =	vadd.s32 v3, v19;
	_ =	sdelay $0x1  }
0x647: {  	s3 =	simm.s32 $0x8000;
	v31 =	vperm.xlane v17, v5;
	v20 =	vadd.s32 v3, v30  }
0x648: {  	[tilespmem:s3], [sflag:$0x2] =	stream.indirect_vreg.gather [hbm4b:s1+s5], $0x80, v18, vm0, $0xb8;
	[tilespmem:$0x1D000] =	vst v63  }
0x649: {  	v32 =	vperm.xlane v17, v6;
	v18 =	vadd.s32 v3, v31;
	s3 =	simm.s32 $0x8080  }
0x64a: {  	[tilespmem:s3], [sflag:$0x2] =	stream.indirect_vreg.gather [hbm4b:s1+s5], $0x80, v19, vm0, $0xb8;
	[tilespmem:$0x1D000] =	vst v63  }
0x64b: {  	v33 =	vperm.xlane v17, v7;
	v19 =	vadd.s32 v3, v32;
	s3 =	simm.s32 $0x8100  }
0x64c: {  	[tilespmem:s3], [sflag:$0x2] =	stream.indirect_vreg.gather [hbm4b:s1+s5], $0x80, v20, vm0, $0xb8;
	[tilespmem:$0x1D000] =	vst v63  }
0x64d: {  	v35 =	vperm.xlane v17, v8;
	v34 =	vadd.s32 v3, v33;
	s3 =	simm.s32 $0x8180  }
0x64e: {  	[tilespmem:s3], [sflag:$0x2] =	stream.indirect_vreg.gather [hbm4b:s1+s5], $0x80, v18, vm0, $0xb8;
	[tilespmem:$0x1D000] =	vst v63  }
0x64f: {  	v36 =	vperm.xlane v17, v0;
	v18 =	vadd.s32 v3, v35;
	s3 =	simm.s32 $0x8200  }
0x650: {  	[tilespmem:s3], [sflag:$0x2] =	stream.indirect_vreg.gather [hbm4b:s1+s5], $0x80, v19, vm0, $0xb8;
	[tilespmem:$0x1D000] =	vst v63  }
0x651: {  	v37 =	vperm.xlane v17, v9;
	v19 =	vadd.s32 v3, v36;
	s3 =	simm.s32 $0x8280  }
0x652: {  	[tilespmem:s3], [sflag:$0x2] =	stream.indirect_vreg.gather [hbm4b:s1+s5], $0x80, v34, vm0, $0xb8;
	[tilespmem:$0x1D000] =	vst v63  }
0x653: {  	v39 =	vperm.xlane v17, v10;
	v38 =	vadd.s32 v3, v37;
	s3 =	simm.s32 $0x8300  }
0x654: {  	[tilespmem:s3], [sflag:$0x2] =	stream.indirect_vreg.gather [hbm4b:s1+s5], $0x80, v18, vm0, $0xb8;
	[tilespmem:$0x1D000] =	vst v63  }
0x655: {  	v40 =	vperm.xlane v17, v11;
	v18 =	vadd.s32 v3, v39;
	s3 =	simm.s32 $0x8380  }
0x656: {  	[tilespmem:s3], [sflag:$0x2] =	stream.indirect_vreg.gather [hbm4b:s1+s5], $0x80, v19, vm0, $0xb8;
	[tilespmem:$0x1D000] =	vst v63  }
0x657: {  	v41 =	vperm.xlane v17, v12;
	v19 =	vadd.s32 v3, v40;
	s3 =	simm.s32 $0x8400  }
0x658: {  	[tilespmem:s3], [sflag:$0x2] =	stream.indirect_vreg.gather [hbm4b:s1+s5], $0x80, v38, vm0, $0xb8;
	[tilespmem:$0x1D000] =	vst v63  }
0x659: {  	v43 =	vperm.xlane v17, v13;
	v42 =	vadd.s32 v3, v41;
	s3 =	simm.s32 $0x8480  }
0x65a: {  	[tilespmem:s3], [sflag:$0x2] =	stream.indirect_vreg.gather [hbm4b:s1+s5], $0x80, v18, vm0, $0xb8;
	[tilespmem:$0x1D000] =	vst v63  }
0x65b: {  	v44 =	vperm.xlane v17, v14;
	v18 =	vadd.s32 v3, v43;
	s3 =	simm.s32 $0x8500  }
0x65c: {  	[tilespmem:s3], [sflag:$0x2] =	stream.indirect_vreg.gather [hbm4b:s1+s5], $0x80, v19, vm0, $0xb8;
	[tilespmem:$0x1D000] =	vst v63  }
0x65d: {  	v45 =	vperm.xlane v17, v15;
	v19 =	vadd.s32 v3, v44;
	s3 =	simm.s32 $0x8580  }
0x65e: {  	[tilespmem:s3], [sflag:$0x2] =	stream.indirect_vreg.gather [hbm4b:s1+s5], $0x80, v42, vm0, $0xb8;
	[tilespmem:$0x1D000] =	vst v63  }
0x65f: {  	v17 =	vperm.xlane v17, v16;
	v46 =	vadd.s32 v3, v45;
	s3 =	simm.s32 $0x8600  }
0x660: {  	[tilespmem:s3], [sflag:$0x2] =	stream.indirect_vreg.gather [hbm4b:s1+s5], $0x80, v18, vm0, $0xb8;
	[tilespmem:$0x1D000] =	vst v63  }
0x661: {  	v17 =	vadd.s32 v3, v17;
	s3 =	simm.s32 $0x8680  }
0x662: {  	[tilespmem:s3], [sflag:$0x2] =	stream.indirect_vreg.gather [hbm4b:s1+s5], $0x80, v19, vm0, $0xb8;
	[tilespmem:$0x1D000] =	vst v63  }
0x663: {  	_ = 	snop  }
0x664: {  	[tilespmem:s11], [sflag:$0x2] =	stream.indirect_vreg.gather [hbm4b:s1+s5], $0x80, v46, vm0, $0xb8;
	[tilespmem:$0x1D000] =	vst v63  }
0x665: {  	_ = 	snop  }
0x666: {  	[tilespmem:s12], [sflag:$0x2] =	stream.indirect_vreg.gather [hbm4b:s1+s5], $0x80, v17, vm0, $0xb8;
	[tilespmem:$0x1D000] =	vst v63  }
0x667: {  	v17 =	vld [tilespmem:s0+$0xF0];
	_ =	sdelay $0x4  }
0x668: {  	v18 =	vshll.u32 v17, $0x1  }
0x669: {  	v17 =	vand.u32 $0x7, v17;
	v18 =	vand.u32 $0xFFFFFFF0, v18  }
0x66a: {  	v17 =	vor.u32 v17, v18  }
0x66b: {  	v18 =	vperm.xlane v17, v2;
	_ =	sdelay $0x1  }
0x66c: {  	v19 =	vperm.xlane v17, v1;
	v18 =	vadd.s32 v3, v18;
	_ =	sdelay $0x1  }
0x66d: {  	v47 =	vperm.xlane v17, v4;
	v19 =	vadd.s32 v3, v19;
	_ =	sdelay $0x1  }
0x66e: {  	v48 =	vperm.xlane v17, v5;
	v20 =	vadd.s32 v3, v47  }
0x66f: {  	[tilespmem:s7], [sflag:$0x2] =	stream.indirect_vreg.gather [hbm4b:s1+s5], $0x80, v18, vm0, $0xb8;
	[tilespmem:$0x1D000] =	vst v63  }
0x670: {  	v49 =	vperm.xlane v17, v6;
	v18 =	vadd.s32 v3, v48  }
0x671: {  	[tilespmem:s8], [sflag:$0x2] =	stream.indirect_vreg.gather [hbm4b:s1+s5], $0x80, v19, vm0, $0xb8;
	[tilespmem:$0x1D000] =	vst v63  }
0x672: {  	v50 =	vperm.xlane v17, v7;
	v19 =	vadd.s32 v3, v49  }
0x673: {  	[tilespmem:s25], [sflag:$0x2] =	stream.indirect_vreg.gather [hbm4b:s1+s5], $0x80, v20, vm0, $0xb8;
	[tilespmem:$0x1D000] =	vst v63  }
0x674: {  	v52 =	vperm.xlane v17, v8;
	v51 =	vadd.s32 v3, v50  }
0x675: {  	[tilespmem:s24], [sflag:$0x2] =	stream.indirect_vreg.gather [hbm4b:s1+s5], $0x80, v18, vm0, $0xb8;
	[tilespmem:$0x1D000] =	vst v63  }
0x676: {  	v53 =	vperm.xlane v17, v0;
	v18 =	vadd.s32 v3, v52  }
0x677: {  	[tilespmem:s15], [sflag:$0x2] =	stream.indirect_vreg.gather [hbm4b:s1+s5], $0x80, v19, vm0, $0xb8;
	[tilespmem:$0x1D000] =	vst v63  }
0x678: {  	v54 =	vperm.xlane v17, v9;
	v19 =	vadd.s32 v3, v53  }
0x679: {  	[tilespmem:s21], [sflag:$0x2] =	stream.indirect_vreg.gather [hbm4b:s1+s5], $0x80, v51, vm0, $0xb8;
	[tilespmem:$0x1D000] =	vst v63  }
0x67a: {  	v56 =	vperm.xlane v17, v10;
	v55 =	vadd.s32 v3, v54  }
0x67b: {  	[tilespmem:s22], [sflag:$0x2] =	stream.indirect_vreg.gather [hbm4b:s1+s5], $0x80, v18, vm0, $0xb8;
	[tilespmem:$0x1D000] =	vst v63  }
0x67c: {  	v57 =	vperm.xlane v17, v11;
	v18 =	vadd.s32 v3, v56  }
0x67d: {  	[tilespmem:s23], [sflag:$0x2] =	stream.indirect_vreg.gather [hbm4b:s1+s5], $0x80, v19, vm0, $0xb8;
	[tilespmem:$0x1D000] =	vst v63  }
0x67e: {  	v58 =	vperm.xlane v17, v12;
	v19 =	vadd.s32 v3, v57  }
0x67f: {  	[tilespmem:s17], [sflag:$0x2] =	stream.indirect_vreg.gather [hbm4b:s1+s5], $0x80, v55, vm0, $0xb8;
	[tilespmem:$0x1D000] =	vst v63  }
0x680: {  	v60 =	vperm.xlane v17, v13;
	v59 =	vadd.s32 v3, v58  }
0x681: {  	[tilespmem:s20], [sflag:$0x2] =	stream.indirect_vreg.gather [hbm4b:s1+s5], $0x80, v18, vm0, $0xb8;
	[tilespmem:$0x1D000] =	vst v63  }
0x682: {  	v61 =	vperm.xlane v17, v14;
	v18 =	vadd.s32 v3, v60  }
0x683: {  	[tilespmem:s18], [sflag:$0x2] =	stream.indirect_vreg.gather [hbm4b:s1+s5], $0x80, v19, vm0, $0xb8;
	[tilespmem:$0x1D000] =	vst v63  }
0x684: {  	v62 =	vperm.xlane v17, v15;
	v19 =	vadd.s32 v3, v61  }
0x685: {  	[tilespmem:s6], [sflag:$0x2] =	stream.indirect_vreg.gather [hbm4b:s1+s5], $0x80, v59, vm0, $0xb8;
	[tilespmem:$0x1D000] =	vst v63  }
0x686: {  	v17 =	vperm.xlane v17, v16;
	v63 =	vadd.s32 v3, v62  }
0x687: {  	[tilespmem:s9], [sflag:$0x2] =	stream.indirect_vreg.gather [hbm4b:s1+s5], $0x80, v18, vm0, $0xb8;
	[tilespmem:$0x1D000] =	vst v63  }
0x688: {  	v17 =	vadd.s32 v3, v17  }
0x689: {  	[tilespmem:s13], [sflag:$0x2] =	stream.indirect_vreg.gather [hbm4b:s1+s5], $0x80, v19, vm0, $0xb8;
	[tilespmem:$0x1D000] =	vst v63  }
0x68a: {  	_ = 	snop  }
0x68b: {  	[tilespmem:s2], [sflag:$0x2] =	stream.indirect_vreg.gather [hbm4b:s1+s5], $0x80, v63, vm0, $0xb8;
	[tilespmem:$0x1D000] =	vst v63  }
0x68c: {  	_ = 	snop  }
0x68d: {  	[tilespmem:s26], [sflag:$0x2] =	stream.indirect_vreg.gather [hbm4b:s1+s5], $0x80, v17, vm0, $0xb8;
	[tilespmem:$0x1D000] =	vst v63  }
0x68e: {  	_ =	swait.ge [sflag:s28], $0x4000  }
0x68f: {  	p1 =	seq.s32 s31, $0x1C00;
	[sflag:s28] =	ssyncset.done $0x0  }
.Ltmp12:
0x690: {  	s3 =	sadd.s32 $0x800, s0;
	[sflag:s28] =	ssyncadd.s32 $0xFFFFC000;
	(pc) =	sbr.rel @p1 .LBB2_5-.Ltmp12, $4  }
0x691: {  	[spmem:s4] =	stream.indirect.scatter.add.f32 [tilespmem:s16], [sflag:$0x3], $0x80, s3, s29, $0xb8;
	[tilespmem:$0x1D000] =	vst v63  }
0x692: {  	_ =	swait.ge [sflag:s14], $0x4000  }
0x693: {  	[sflag:s14] =	ssyncset.done $0x0  }
0x694: {  	[sflag:s14] =	ssyncadd.s32 $0xFFFFC000  }
0x695: {  	v17 =	vld [tilespmem:s0+$0x100];
	_ =	sdelay $0x4  }
0x696: {  	v18 =	vshll.u32 v17, $0x1  }
0x697: {  	v17 =	vand.u32 $0x7, v17;
	v18 =	vand.u32 $0xFFFFFFF0, v18  }
0x698: {  	v17 =	vor.u32 v17, v18  }
0x699: {  	v18 =	vperm.xlane v17, v2;
	_ =	sdelay $0x1  }
0x69a: {  	v19 =	vperm.xlane v17, v1;
	v18 =	vadd.s32 v3, v18;
	_ =	sdelay $0x1  }
0x69b: {  	v20 =	vperm.xlane v17, v4;
	v19 =	vadd.s32 v3, v19;
	_ =	sdelay $0x1  }
0x69c: {  	v21 =	vperm.xlane v17, v5;
	v20 =	vadd.s32 v3, v20  }
0x69d: {  	[tilespmem:s16], [sflag:$0x1] =	stream.indirect_vreg.gather [hbm4b:s1+s5], $0x80, v18, vm0, $0xb8;
	[tilespmem:$0x1D000] =	vst v63  }
0x69e: {  	s3 =	simm.s32 $0x1080;
	v50 =	vperm.xlane v17, v6;
	v18 =	vadd.s32 v3, v21  }
0x69f: {  	[tilespmem:s3], [sflag:$0x1] =	stream.indirect_vreg.gather [hbm4b:s1+s5], $0x80, v19, vm0, $0xb8;
	[tilespmem:$0x1D000] =	vst v63  }
0x6a0: {  	v51 =	vperm.xlane v17, v7;
	v19 =	vadd.s32 v3, v50;
	s3 =	simm.s32 $0x1100  }
0x6a1: {  	[tilespmem:s3], [sflag:$0x1] =	stream.indirect_vreg.gather [hbm4b:s1+s5], $0x80, v20, vm0, $0xb8;
	[tilespmem:$0x1D000] =	vst v63  }
0x6a2: {  	v53 =	vperm.xlane v17, v8;
	v52 =	vadd.s32 v3, v51;
	s3 =	simm.s32 $0x1180  }
0x6a3: {  	[tilespmem:s3], [sflag:$0x1] =	stream.indirect_vreg.gather [hbm4b:s1+s5], $0x80, v18, vm0, $0xb8;
	[tilespmem:$0x1D000] =	vst v63  }
0x6a4: {  	v54 =	vperm.xlane v17, v0;
	v18 =	vadd.s32 v3, v53;
	s3 =	simm.s32 $0x1200  }
0x6a5: {  	[tilespmem:s3], [sflag:$0x1] =	stream.indirect_vreg.gather [hbm4b:s1+s5], $0x80, v19, vm0, $0xb8;
	[tilespmem:$0x1D000] =	vst v63  }
0x6a6: {  	v55 =	vperm.xlane v17, v9;
	v19 =	vadd.s32 v3, v54;
	s3 =	simm.s32 $0x1280  }
0x6a7: {  	[tilespmem:s3], [sflag:$0x1] =	stream.indirect_vreg.gather [hbm4b:s1+s5], $0x80, v52, vm0, $0xb8;
	[tilespmem:$0x1D000] =	vst v63  }
0x6a8: {  	v57 =	vperm.xlane v17, v10;
	v56 =	vadd.s32 v3, v55;
	s3 =	simm.s32 $0x1300  }
0x6a9: {  	[tilespmem:s3], [sflag:$0x1] =	stream.indirect_vreg.gather [hbm4b:s1+s5], $0x80, v18, vm0, $0xb8;
	[tilespmem:$0x1D000] =	vst v63  }
0x6aa: {  	v58 =	vperm.xlane v17, v11;
	v18 =	vadd.s32 v3, v57;
	s3 =	simm.s32 $0x1380  }
0x6ab: {  	[tilespmem:s3], [sflag:$0x1] =	stream.indirect_vreg.gather [hbm4b:s1+s5], $0x80, v19, vm0, $0xb8;
	[tilespmem:$0x1D000] =	vst v63  }
0x6ac: {  	v59 =	vperm.xlane v17, v12;
	v19 =	vadd.s32 v3, v58;
	s3 =	simm.s32 $0x1400  }
0x6ad: {  	[tilespmem:s3], [sflag:$0x1] =	stream.indirect_vreg.gather [hbm4b:s1+s5], $0x80, v56, vm0, $0xb8;
	[tilespmem:$0x1D000] =	vst v63  }
0x6ae: {  	v61 =	vperm.xlane v17, v13;
	v60 =	vadd.s32 v3, v59;
	s3 =	simm.s32 $0x1480  }
0x6af: {  	[tilespmem:s3], [sflag:$0x1] =	stream.indirect_vreg.gather [hbm4b:s1+s5], $0x80, v18, vm0, $0xb8;
	[tilespmem:$0x1D000] =	vst v63  }
0x6b0: {  	v62 =	vperm.xlane v17, v14;
	v18 =	vadd.s32 v3, v61;
	s3 =	simm.s32 $0x1500  }
0x6b1: {  	[tilespmem:s3], [sflag:$0x1] =	stream.indirect_vreg.gather [hbm4b:s1+s5], $0x80, v19, vm0, $0xb8;
	[tilespmem:$0x1D000] =	vst v63  }
0x6b2: {  	v63 =	vperm.xlane v17, v15;
	v19 =	vadd.s32 v3, v62;
	s3 =	simm.s32 $0x1580  }
0x6b3: {  	[tilespmem:s3], [sflag:$0x1] =	stream.indirect_vreg.gather [hbm4b:s1+s5], $0x80, v60, vm0, $0xb8;
	[tilespmem:$0x1D000] =	vst v63  }
0x6b4: {  	v17 =	vperm.xlane v17, v16;
	v24 =	vadd.s32 v3, v63;
	s3 =	simm.s32 $0x1600  }
0x6b5: {  	[tilespmem:s3], [sflag:$0x1] =	stream.indirect_vreg.gather [hbm4b:s1+s5], $0x80, v18, vm0, $0xb8;
	[tilespmem:$0x1D000] =	vst v63  }
0x6b6: {  	v17 =	vadd.s32 v3, v17;
	s3 =	simm.s32 $0x1680  }
0x6b7: {  	[tilespmem:s3], [sflag:$0x1] =	stream.indirect_vreg.gather [hbm4b:s1+s5], $0x80, v19, vm0, $0xb8;
	[tilespmem:$0x1D000] =	vst v63  }
0x6b8: {  	s3 =	simm.s32 $0x1700  }
0x6b9: {  	[tilespmem:s3], [sflag:$0x1] =	stream.indirect_vreg.gather [hbm4b:s1+s5], $0x80, v24, vm0, $0xb8;
	[tilespmem:$0x1D000] =	vst v63  }
0x6ba: {  	s3 =	simm.s32 $0x1780  }
0x6bb: {  	[tilespmem:s3], [sflag:$0x1] =	stream.indirect_vreg.gather [hbm4b:s1+s5], $0x80, v17, vm0, $0xb8;
	[tilespmem:$0x1D000] =	vst v63  }
0x6bc: {  	v17 =	vld [tilespmem:s0+$0x110];
	_ =	sdelay $0x4  }
0x6bd: {  	v18 =	vshll.u32 v17, $0x1  }
0x6be: {  	v17 =	vand.u32 $0x7, v17;
	v18 =	vand.u32 $0xFFFFFFF0, v18  }
0x6bf: {  	v17 =	vor.u32 v17, v18  }
0x6c0: {  	v18 =	vperm.xlane v17, v2;
	_ =	sdelay $0x1  }
0x6c1: {  	v19 =	vperm.xlane v17, v1;
	v18 =	vadd.s32 v3, v18;
	_ =	sdelay $0x1  }
0x6c2: {  	v25 =	vperm.xlane v17, v4;
	v19 =	vadd.s32 v3, v19;
	_ =	sdelay $0x1  }
0x6c3: {  	s3 =	simm.s32 $0x1800;
	v26 =	vperm.xlane v17, v5;
	v20 =	vadd.s32 v3, v25  }
0x6c4: {  	[tilespmem:s3], [sflag:$0x1] =	stream.indirect_vreg.gather [hbm4b:s1+s5], $0x80, v18, vm0, $0xb8;
	[tilespmem:$0x1D000] =	vst v63  }
0x6c5: {  	v27 =	vperm.xlane v17, v6;
	v18 =	vadd.s32 v3, v26;
	s3 =	simm.s32 $0x1880  }
0x6c6: {  	[tilespmem:s3], [sflag:$0x1] =	stream.indirect_vreg.gather [hbm4b:s1+s5], $0x80, v19, vm0, $0xb8;
	[tilespmem:$0x1D000] =	vst v63  }
0x6c7: {  	v28 =	vperm.xlane v17, v7;
	v19 =	vadd.s32 v3, v27;
	s3 =	simm.s32 $0x1900  }
0x6c8: {  	[tilespmem:s3], [sflag:$0x1] =	stream.indirect_vreg.gather [hbm4b:s1+s5], $0x80, v20, vm0, $0xb8;
	[tilespmem:$0x1D000] =	vst v63  }
0x6c9: {  	v30 =	vperm.xlane v17, v8;
	v29 =	vadd.s32 v3, v28;
	s3 =	simm.s32 $0x1980  }
0x6ca: {  	[tilespmem:s3], [sflag:$0x1] =	stream.indirect_vreg.gather [hbm4b:s1+s5], $0x80, v18, vm0, $0xb8;
	[tilespmem:$0x1D000] =	vst v63  }
0x6cb: {  	v31 =	vperm.xlane v17, v0;
	v18 =	vadd.s32 v3, v30;
	s3 =	simm.s32 $0x1A00  }
0x6cc: {  	[tilespmem:s3], [sflag:$0x1] =	stream.indirect_vreg.gather [hbm4b:s1+s5], $0x80, v19, vm0, $0xb8;
	[tilespmem:$0x1D000] =	vst v63  }
0x6cd: {  	v32 =	vperm.xlane v17, v9;
	v19 =	vadd.s32 v3, v31;
	s3 =	simm.s32 $0x1A80  }
0x6ce: {  	[tilespmem:s3], [sflag:$0x1] =	stream.indirect_vreg.gather [hbm4b:s1+s5], $0x80, v29, vm0, $0xb8;
	[tilespmem:$0x1D000] =	vst v63  }
0x6cf: {  	v34 =	vperm.xlane v17, v10;
	v33 =	vadd.s32 v3, v32;
	s3 =	simm.s32 $0x1B00  }
0x6d0: {  	[tilespmem:s3], [sflag:$0x1] =	stream.indirect_vreg.gather [hbm4b:s1+s5], $0x80, v18, vm0, $0xb8;
	[tilespmem:$0x1D000] =	vst v63  }
0x6d1: {  	v35 =	vperm.xlane v17, v11;
	v18 =	vadd.s32 v3, v34;
	s3 =	simm.s32 $0x1B80  }
0x6d2: {  	[tilespmem:s3], [sflag:$0x1] =	stream.indirect_vreg.gather [hbm4b:s1+s5], $0x80, v19, vm0, $0xb8;
	[tilespmem:$0x1D000] =	vst v63  }
0x6d3: {  	v36 =	vperm.xlane v17, v12;
	v19 =	vadd.s32 v3, v35;
	s3 =	simm.s32 $0x1C00  }
0x6d4: {  	[tilespmem:s3], [sflag:$0x1] =	stream.indirect_vreg.gather [hbm4b:s1+s5], $0x80, v33, vm0, $0xb8;
	[tilespmem:$0x1D000] =	vst v63  }
0x6d5: {  	v38 =	vperm.xlane v17, v13;
	v37 =	vadd.s32 v3, v36;
	s3 =	simm.s32 $0x1C80  }
0x6d6: {  	[tilespmem:s3], [sflag:$0x1] =	stream.indirect_vreg.gather [hbm4b:s1+s5], $0x80, v18, vm0, $0xb8;
	[tilespmem:$0x1D000] =	vst v63  }
0x6d7: {  	v39 =	vperm.xlane v17, v14;
	v18 =	vadd.s32 v3, v38;
	s3 =	simm.s32 $0x1D00  }
0x6d8: {  	[tilespmem:s3], [sflag:$0x1] =	stream.indirect_vreg.gather [hbm4b:s1+s5], $0x80, v19, vm0, $0xb8;
	[tilespmem:$0x1D000] =	vst v63  }
0x6d9: {  	v40 =	vperm.xlane v17, v15;
	v19 =	vadd.s32 v3, v39;
	s3 =	simm.s32 $0x1D80  }
0x6da: {  	[tilespmem:s3], [sflag:$0x1] =	stream.indirect_vreg.gather [hbm4b:s1+s5], $0x80, v37, vm0, $0xb8;
	[tilespmem:$0x1D000] =	vst v63  }
0x6db: {  	v17 =	vperm.xlane v17, v16;
	v41 =	vadd.s32 v3, v40;
	s3 =	simm.s32 $0x1E00  }
0x6dc: {  	[tilespmem:s3], [sflag:$0x1] =	stream.indirect_vreg.gather [hbm4b:s1+s5], $0x80, v18, vm0, $0xb8;
	[tilespmem:$0x1D000] =	vst v63  }
0x6dd: {  	v17 =	vadd.s32 v3, v17;
	s3 =	simm.s32 $0x1E80  }
0x6de: {  	[tilespmem:s3], [sflag:$0x1] =	stream.indirect_vreg.gather [hbm4b:s1+s5], $0x80, v19, vm0, $0xb8;
	[tilespmem:$0x1D000] =	vst v63  }
0x6df: {  	s3 =	simm.s32 $0x1F00  }
0x6e0: {  	[tilespmem:s3], [sflag:$0x1] =	stream.indirect_vreg.gather [hbm4b:s1+s5], $0x80, v41, vm0, $0xb8;
	[tilespmem:$0x1D000] =	vst v63  }
0x6e1: {  	s3 =	simm.s32 $0x1F80  }
0x6e2: {  	[tilespmem:s3], [sflag:$0x1] =	stream.indirect_vreg.gather [hbm4b:s1+s5], $0x80, v17, vm0, $0xb8;
	[tilespmem:$0x1D000] =	vst v63  }
0x6e3: {  	v17 =	vld [tilespmem:s0+$0x120];
	_ =	sdelay $0x4  }
0x6e4: {  	v18 =	vshll.u32 v17, $0x1  }
0x6e5: {  	v17 =	vand.u32 $0x7, v17;
	v18 =	vand.u32 $0xFFFFFFF0, v18  }
0x6e6: {  	v17 =	vor.u32 v17, v18  }
0x6e7: {  	v18 =	vperm.xlane v17, v2;
	_ =	sdelay $0x1  }
0x6e8: {  	v19 =	vperm.xlane v17, v1;
	v18 =	vadd.s32 v3, v18;
	_ =	sdelay $0x1  }
0x6e9: {  	v42 =	vperm.xlane v17, v4;
	v19 =	vadd.s32 v3, v19;
	_ =	sdelay $0x1  }
0x6ea: {  	s3 =	simm.s32 $0x2000;
	v43 =	vperm.xlane v17, v5;
	v20 =	vadd.s32 v3, v42  }
0x6eb: {  	[tilespmem:s3], [sflag:$0x1] =	stream.indirect_vreg.gather [hbm4b:s1+s5], $0x80, v18, vm0, $0xb8;
	[tilespmem:$0x1D000] =	vst v63  }
0x6ec: {  	v44 =	vperm.xlane v17, v6;
	v18 =	vadd.s32 v3, v43;
	s3 =	simm.s32 $0x2080  }
0x6ed: {  	[tilespmem:s3], [sflag:$0x1] =	stream.indirect_vreg.gather [hbm4b:s1+s5], $0x80, v19, vm0, $0xb8;
	[tilespmem:$0x1D000] =	vst v63  }
0x6ee: {  	v45 =	vperm.xlane v17, v7;
	v19 =	vadd.s32 v3, v44;
	s3 =	simm.s32 $0x2100  }
0x6ef: {  	[tilespmem:s3], [sflag:$0x1] =	stream.indirect_vreg.gather [hbm4b:s1+s5], $0x80, v20, vm0, $0xb8;
	[tilespmem:$0x1D000] =	vst v63  }
0x6f0: {  	v47 =	vperm.xlane v17, v8;
	v46 =	vadd.s32 v3, v45;
	s3 =	simm.s32 $0x2180  }
0x6f1: {  	[tilespmem:s3], [sflag:$0x1] =	stream.indirect_vreg.gather [hbm4b:s1+s5], $0x80, v18, vm0, $0xb8;
	[tilespmem:$0x1D000] =	vst v63  }
0x6f2: {  	v48 =	vperm.xlane v17, v0;
	v18 =	vadd.s32 v3, v47;
	s3 =	simm.s32 $0x2200  }
0x6f3: {  	[tilespmem:s3], [sflag:$0x1] =	stream.indirect_vreg.gather [hbm4b:s1+s5], $0x80, v19, vm0, $0xb8;
	[tilespmem:$0x1D000] =	vst v63  }
0x6f4: {  	v49 =	vperm.xlane v17, v9;
	v19 =	vadd.s32 v3, v48;
	s3 =	simm.s32 $0x2280  }
0x6f5: {  	[tilespmem:s3], [sflag:$0x1] =	stream.indirect_vreg.gather [hbm4b:s1+s5], $0x80, v46, vm0, $0xb8;
	[tilespmem:$0x1D000] =	vst v63  }
0x6f6: {  	v51 =	vperm.xlane v17, v10;
	v50 =	vadd.s32 v3, v49;
	s3 =	simm.s32 $0x2300  }
0x6f7: {  	[tilespmem:s3], [sflag:$0x1] =	stream.indirect_vreg.gather [hbm4b:s1+s5], $0x80, v18, vm0, $0xb8;
	[tilespmem:$0x1D000] =	vst v63  }
0x6f8: {  	v52 =	vperm.xlane v17, v11;
	v18 =	vadd.s32 v3, v51;
	s3 =	simm.s32 $0x2380  }
0x6f9: {  	[tilespmem:s3], [sflag:$0x1] =	stream.indirect_vreg.gather [hbm4b:s1+s5], $0x80, v19, vm0, $0xb8;
	[tilespmem:$0x1D000] =	vst v63  }
0x6fa: {  	v53 =	vperm.xlane v17, v12;
	v19 =	vadd.s32 v3, v52;
	s3 =	simm.s32 $0x2400  }
0x6fb: {  	[tilespmem:s3], [sflag:$0x1] =	stream.indirect_vreg.gather [hbm4b:s1+s5], $0x80, v50, vm0, $0xb8;
	[tilespmem:$0x1D000] =	vst v63  }
0x6fc: {  	v55 =	vperm.xlane v17, v13;
	v54 =	vadd.s32 v3, v53;
	s3 =	simm.s32 $0x2480  }
0x6fd: {  	[tilespmem:s3], [sflag:$0x1] =	stream.indirect_vreg.gather [hbm4b:s1+s5], $0x80, v18, vm0, $0xb8;
	[tilespmem:$0x1D000] =	vst v63  }
0x6fe: {  	v56 =	vperm.xlane v17, v14;
	v18 =	vadd.s32 v3, v55;
	s3 =	simm.s32 $0x2500  }
0x6ff: {  	[tilespmem:s3], [sflag:$0x1] =	stream.indirect_vreg.gather [hbm4b:s1+s5], $0x80, v19, vm0, $0xb8;
	[tilespmem:$0x1D000] =	vst v63  }
0x700: {  	v57 =	vperm.xlane v17, v15;
	v19 =	vadd.s32 v3, v56;
	s3 =	simm.s32 $0x2580  }
0x701: {  	[tilespmem:s3], [sflag:$0x1] =	stream.indirect_vreg.gather [hbm4b:s1+s5], $0x80, v54, vm0, $0xb8;
	[tilespmem:$0x1D000] =	vst v63  }
0x702: {  	v17 =	vperm.xlane v17, v16;
	v58 =	vadd.s32 v3, v57;
	s3 =	simm.s32 $0x2600  }
0x703: {  	[tilespmem:s3], [sflag:$0x1] =	stream.indirect_vreg.gather [hbm4b:s1+s5], $0x80, v18, vm0, $0xb8;
	[tilespmem:$0x1D000] =	vst v63  }
0x704: {  	v17 =	vadd.s32 v3, v17;
	s3 =	simm.s32 $0x2680  }
0x705: {  	[tilespmem:s3], [sflag:$0x1] =	stream.indirect_vreg.gather [hbm4b:s1+s5], $0x80, v19, vm0, $0xb8;
	[tilespmem:$0x1D000] =	vst v63  }
0x706: {  	s3 =	simm.s32 $0x2700  }
0x707: {  	[tilespmem:s3], [sflag:$0x1] =	stream.indirect_vreg.gather [hbm4b:s1+s5], $0x80, v58, vm0, $0xb8;
	[tilespmem:$0x1D000] =	vst v63  }
0x708: {  	s3 =	simm.s32 $0x2780  }
0x709: {  	[tilespmem:s3], [sflag:$0x1] =	stream.indirect_vreg.gather [hbm4b:s1+s5], $0x80, v17, vm0, $0xb8;
	[tilespmem:$0x1D000] =	vst v63  }
0x70a: {  	v17 =	vld [tilespmem:s0+$0x130];
	_ =	sdelay $0x4  }
0x70b: {  	v18 =	vshll.u32 v17, $0x1  }
0x70c: {  	v17 =	vand.u32 $0x7, v17;
	v18 =	vand.u32 $0xFFFFFFF0, v18  }
0x70d: {  	v17 =	vor.u32 v17, v18  }
0x70e: {  	v18 =	vperm.xlane v17, v2;
	_ =	sdelay $0x1  }
0x70f: {  	v19 =	vperm.xlane v17, v1;
	v18 =	vadd.s32 v3, v18;
	_ =	sdelay $0x1  }
0x710: {  	v59 =	vperm.xlane v17, v4;
	v19 =	vadd.s32 v3, v19;
	_ =	sdelay $0x1  }
0x711: {  	s3 =	simm.s32 $0x2800;
	v60 =	vperm.xlane v17, v5;
	v20 =	vadd.s32 v3, v59  }
0x712: {  	[tilespmem:s3], [sflag:$0x1] =	stream.indirect_vreg.gather [hbm4b:s1+s5], $0x80, v18, vm0, $0xb8;
	[tilespmem:$0x1D000] =	vst v63  }
0x713: {  	v61 =	vperm.xlane v17, v6;
	v18 =	vadd.s32 v3, v60;
	s3 =	simm.s32 $0x2880  }
0x714: {  	[tilespmem:s3], [sflag:$0x1] =	stream.indirect_vreg.gather [hbm4b:s1+s5], $0x80, v19, vm0, $0xb8;
	[tilespmem:$0x1D000] =	vst v63  }
0x715: {  	v62 =	vperm.xlane v17, v7;
	v19 =	vadd.s32 v3, v61;
	s3 =	simm.s32 $0x2900  }
0x716: {  	[tilespmem:s3], [sflag:$0x1] =	stream.indirect_vreg.gather [hbm4b:s1+s5], $0x80, v20, vm0, $0xb8;
	[tilespmem:$0x1D000] =	vst v63  }
0x717: {  	v24 =	vperm.xlane v17, v8;
	v63 =	vadd.s32 v3, v62;
	s3 =	simm.s32 $0x2980  }
0x718: {  	[tilespmem:s3], [sflag:$0x1] =	stream.indirect_vreg.gather [hbm4b:s1+s5], $0x80, v18, vm0, $0xb8;
	[tilespmem:$0x1D000] =	vst v63  }
0x719: {  	v25 =	vperm.xlane v17, v0;
	v18 =	vadd.s32 v3, v24;
	s3 =	simm.s32 $0x2A00  }
0x71a: {  	[tilespmem:s3], [sflag:$0x1] =	stream.indirect_vreg.gather [hbm4b:s1+s5], $0x80, v19, vm0, $0xb8;
	[tilespmem:$0x1D000] =	vst v63  }
0x71b: {  	v26 =	vperm.xlane v17, v9;
	v19 =	vadd.s32 v3, v25;
	s3 =	simm.s32 $0x2A80  }
0x71c: {  	[tilespmem:s3], [sflag:$0x1] =	stream.indirect_vreg.gather [hbm4b:s1+s5], $0x80, v63, vm0, $0xb8;
	[tilespmem:$0x1D000] =	vst v63  }
0x71d: {  	v28 =	vperm.xlane v17, v10;
	v27 =	vadd.s32 v3, v26;
	s3 =	simm.s32 $0x2B00  }
0x71e: {  	[tilespmem:s3], [sflag:$0x1] =	stream.indirect_vreg.gather [hbm4b:s1+s5], $0x80, v18, vm0, $0xb8;
	[tilespmem:$0x1D000] =	vst v63  }
0x71f: {  	v29 =	vperm.xlane v17, v11;
	v18 =	vadd.s32 v3, v28;
	s3 =	simm.s32 $0x2B80  }
0x720: {  	[tilespmem:s3], [sflag:$0x1] =	stream.indirect_vreg.gather [hbm4b:s1+s5], $0x80, v19, vm0, $0xb8;
	[tilespmem:$0x1D000] =	vst v63  }
0x721: {  	v30 =	vperm.xlane v17, v12;
	v19 =	vadd.s32 v3, v29;
	s3 =	simm.s32 $0x2C00  }
0x722: {  	[tilespmem:s3], [sflag:$0x1] =	stream.indirect_vreg.gather [hbm4b:s1+s5], $0x80, v27, vm0, $0xb8;
	[tilespmem:$0x1D000] =	vst v63  }
0x723: {  	v32 =	vperm.xlane v17, v13;
	v31 =	vadd.s32 v3, v30;
	s3 =	simm.s32 $0x2C80  }
0x724: {  	[tilespmem:s3], [sflag:$0x1] =	stream.indirect_vreg.gather [hbm4b:s1+s5], $0x80, v18, vm0, $0xb8;
	[tilespmem:$0x1D000] =	vst v63  }
0x725: {  	v33 =	vperm.xlane v17, v14;
	v18 =	vadd.s32 v3, v32;
	s3 =	simm.s32 $0x2D00  }
0x726: {  	[tilespmem:s3], [sflag:$0x1] =	stream.indirect_vreg.gather [hbm4b:s1+s5], $0x80, v19, vm0, $0xb8;
	[tilespmem:$0x1D000] =	vst v63  }
0x727: {  	v34 =	vperm.xlane v17, v15;
	v19 =	vadd.s32 v3, v33;
	s3 =	simm.s32 $0x2D80  }
0x728: {  	[tilespmem:s3], [sflag:$0x1] =	stream.indirect_vreg.gather [hbm4b:s1+s5], $0x80, v31, vm0, $0xb8;
	[tilespmem:$0x1D000] =	vst v63  }
0x729: {  	v17 =	vperm.xlane v17, v16;
	v35 =	vadd.s32 v3, v34;
	s3 =	simm.s32 $0x2E00  }
0x72a: {  	[tilespmem:s3], [sflag:$0x1] =	stream.indirect_vreg.gather [hbm4b:s1+s5], $0x80, v18, vm0, $0xb8;
	[tilespmem:$0x1D000] =	vst v63  }
0x72b: {  	v17 =	vadd.s32 v3, v17;
	s3 =	simm.s32 $0x2E80  }
0x72c: {  	[tilespmem:s3], [sflag:$0x1] =	stream.indirect_vreg.gather [hbm4b:s1+s5], $0x80, v19, vm0, $0xb8;
	[tilespmem:$0x1D000] =	vst v63  }
0x72d: {  	s3 =	simm.s32 $0x2F00  }
0x72e: {  	[tilespmem:s3], [sflag:$0x1] =	stream.indirect_vreg.gather [hbm4b:s1+s5], $0x80, v35, vm0, $0xb8;
	[tilespmem:$0x1D000] =	vst v63  }
0x72f: {  	s3 =	simm.s32 $0x2F80  }
0x730: {  	[tilespmem:s3], [sflag:$0x1] =	stream.indirect_vreg.gather [hbm4b:s1+s5], $0x80, v17, vm0, $0xb8;
	[tilespmem:$0x1D000] =	vst v63  }
0x731: {  	v17 =	vld [tilespmem:s0+$0x140];
	_ =	sdelay $0x4  }
0x732: {  	v18 =	vshll.u32 v17, $0x1  }
0x733: {  	v17 =	vand.u32 $0x7, v17;
	v18 =	vand.u32 $0xFFFFFFF0, v18  }
0x734: {  	v17 =	vor.u32 v17, v18  }
0x735: {  	v18 =	vperm.xlane v17, v2;
	_ =	sdelay $0x1  }
0x736: {  	v19 =	vperm.xlane v17, v1;
	v18 =	vadd.s32 v3, v18;
	_ =	sdelay $0x1  }
0x737: {  	v36 =	vperm.xlane v17, v4;
	v19 =	vadd.s32 v3, v19;
	_ =	sdelay $0x1  }
0x738: {  	s3 =	simm.s32 $0x3000;
	v37 =	vperm.xlane v17, v5;
	v20 =	vadd.s32 v3, v36  }
0x739: {  	[tilespmem:s3], [sflag:$0x1] =	stream.indirect_vreg.gather [hbm4b:s1+s5], $0x80, v18, vm0, $0xb8;
	[tilespmem:$0x1D000] =	vst v63  }
0x73a: {  	v38 =	vperm.xlane v17, v6;
	v18 =	vadd.s32 v3, v37;
	s3 =	simm.s32 $0x3080  }
0x73b: {  	[tilespmem:s3], [sflag:$0x1] =	stream.indirect_vreg.gather [hbm4b:s1+s5], $0x80, v19, vm0, $0xb8;
	[tilespmem:$0x1D000] =	vst v63  }
0x73c: {  	v39 =	vperm.xlane v17, v7;
	v19 =	vadd.s32 v3, v38;
	s3 =	simm.s32 $0x3100  }
0x73d: {  	[tilespmem:s3], [sflag:$0x1] =	stream.indirect_vreg.gather [hbm4b:s1+s5], $0x80, v20, vm0, $0xb8;
	[tilespmem:$0x1D000] =	vst v63  }
0x73e: {  	v41 =	vperm.xlane v17, v8;
	v40 =	vadd.s32 v3, v39;
	s3 =	simm.s32 $0x3180  }
0x73f: {  	[tilespmem:s3], [sflag:$0x1] =	stream.indirect_vreg.gather [hbm4b:s1+s5], $0x80, v18, vm0, $0xb8;
	[tilespmem:$0x1D000] =	vst v63  }
0x740: {  	v42 =	vperm.xlane v17, v0;
	v18 =	vadd.s32 v3, v41;
	s3 =	simm.s32 $0x3200  }
0x741: {  	[tilespmem:s3], [sflag:$0x1] =	stream.indirect_vreg.gather [hbm4b:s1+s5], $0x80, v19, vm0, $0xb8;
	[tilespmem:$0x1D000] =	vst v63  }
0x742: {  	v43 =	vperm.xlane v17, v9;
	v19 =	vadd.s32 v3, v42;
	s3 =	simm.s32 $0x3280  }
0x743: {  	[tilespmem:s3], [sflag:$0x1] =	stream.indirect_vreg.gather [hbm4b:s1+s5], $0x80, v40, vm0, $0xb8;
	[tilespmem:$0x1D000] =	vst v63  }
0x744: {  	v45 =	vperm.xlane v17, v10;
	v44 =	vadd.s32 v3, v43;
	s3 =	simm.s32 $0x3300  }
0x745: {  	[tilespmem:s3], [sflag:$0x1] =	stream.indirect_vreg.gather [hbm4b:s1+s5], $0x80, v18, vm0, $0xb8;
	[tilespmem:$0x1D000] =	vst v63  }
0x746: {  	v46 =	vperm.xlane v17, v11;
	v18 =	vadd.s32 v3, v45;
	s3 =	simm.s32 $0x3380  }
0x747: {  	[tilespmem:s3], [sflag:$0x1] =	stream.indirect_vreg.gather [hbm4b:s1+s5], $0x80, v19, vm0, $0xb8;
	[tilespmem:$0x1D000] =	vst v63  }
0x748: {  	v47 =	vperm.xlane v17, v12;
	v19 =	vadd.s32 v3, v46;
	s3 =	simm.s32 $0x3400  }
0x749: {  	[tilespmem:s3], [sflag:$0x1] =	stream.indirect_vreg.gather [hbm4b:s1+s5], $0x80, v44, vm0, $0xb8;
	[tilespmem:$0x1D000] =	vst v63  }
0x74a: {  	v49 =	vperm.xlane v17, v13;
	v48 =	vadd.s32 v3, v47;
	s3 =	simm.s32 $0x3480  }
0x74b: {  	[tilespmem:s3], [sflag:$0x1] =	stream.indirect_vreg.gather [hbm4b:s1+s5], $0x80, v18, vm0, $0xb8;
	[tilespmem:$0x1D000] =	vst v63  }
0x74c: {  	v50 =	vperm.xlane v17, v14;
	v18 =	vadd.s32 v3, v49;
	s3 =	simm.s32 $0x3500  }
0x74d: {  	[tilespmem:s3], [sflag:$0x1] =	stream.indirect_vreg.gather [hbm4b:s1+s5], $0x80, v19, vm0, $0xb8;
	[tilespmem:$0x1D000] =	vst v63  }
0x74e: {  	v51 =	vperm.xlane v17, v15;
	v19 =	vadd.s32 v3, v50;
	s3 =	simm.s32 $0x3580  }
0x74f: {  	[tilespmem:s3], [sflag:$0x1] =	stream.indirect_vreg.gather [hbm4b:s1+s5], $0x80, v48, vm0, $0xb8;
	[tilespmem:$0x1D000] =	vst v63  }
0x750: {  	v17 =	vperm.xlane v17, v16;
	v52 =	vadd.s32 v3, v51;
	s3 =	simm.s32 $0x3600  }
0x751: {  	[tilespmem:s3], [sflag:$0x1] =	stream.indirect_vreg.gather [hbm4b:s1+s5], $0x80, v18, vm0, $0xb8;
	[tilespmem:$0x1D000] =	vst v63  }
0x752: {  	v17 =	vadd.s32 v3, v17;
	s3 =	simm.s32 $0x3680  }
0x753: {  	[tilespmem:s3], [sflag:$0x1] =	stream.indirect_vreg.gather [hbm4b:s1+s5], $0x80, v19, vm0, $0xb8;
	[tilespmem:$0x1D000] =	vst v63  }
0x754: {  	s3 =	simm.s32 $0x3700  }
0x755: {  	[tilespmem:s3], [sflag:$0x1] =	stream.indirect_vreg.gather [hbm4b:s1+s5], $0x80, v52, vm0, $0xb8;
	[tilespmem:$0x1D000] =	vst v63  }
0x756: {  	s3 =	simm.s32 $0x3780  }
0x757: {  	[tilespmem:s3], [sflag:$0x1] =	stream.indirect_vreg.gather [hbm4b:s1+s5], $0x80, v17, vm0, $0xb8;
	[tilespmem:$0x1D000] =	vst v63  }
0x758: {  	v17 =	vld [tilespmem:s0+$0x150];
	_ =	sdelay $0x4  }
0x759: {  	v18 =	vshll.u32 v17, $0x1  }
0x75a: {  	v17 =	vand.u32 $0x7, v17;
	v18 =	vand.u32 $0xFFFFFFF0, v18  }
0x75b: {  	v17 =	vor.u32 v17, v18  }
0x75c: {  	v18 =	vperm.xlane v17, v2;
	_ =	sdelay $0x1  }
0x75d: {  	v19 =	vperm.xlane v17, v1;
	v18 =	vadd.s32 v3, v18;
	_ =	sdelay $0x1  }
0x75e: {  	v53 =	vperm.xlane v17, v4;
	v19 =	vadd.s32 v3, v19;
	_ =	sdelay $0x1  }
0x75f: {  	s3 =	simm.s32 $0x3800;
	v54 =	vperm.xlane v17, v5;
	v20 =	vadd.s32 v3, v53  }
0x760: {  	[tilespmem:s3], [sflag:$0x1] =	stream.indirect_vreg.gather [hbm4b:s1+s5], $0x80, v18, vm0, $0xb8;
	[tilespmem:$0x1D000] =	vst v63  }
0x761: {  	v55 =	vperm.xlane v17, v6;
	v18 =	vadd.s32 v3, v54;
	s3 =	simm.s32 $0x3880  }
0x762: {  	[tilespmem:s3], [sflag:$0x1] =	stream.indirect_vreg.gather [hbm4b:s1+s5], $0x80, v19, vm0, $0xb8;
	[tilespmem:$0x1D000] =	vst v63  }
0x763: {  	v56 =	vperm.xlane v17, v7;
	v19 =	vadd.s32 v3, v55;
	s3 =	simm.s32 $0x3900  }
0x764: {  	[tilespmem:s3], [sflag:$0x1] =	stream.indirect_vreg.gather [hbm4b:s1+s5], $0x80, v20, vm0, $0xb8;
	[tilespmem:$0x1D000] =	vst v63  }
0x765: {  	v58 =	vperm.xlane v17, v8;
	v57 =	vadd.s32 v3, v56;
	s3 =	simm.s32 $0x3980  }
0x766: {  	[tilespmem:s3], [sflag:$0x1] =	stream.indirect_vreg.gather [hbm4b:s1+s5], $0x80, v18, vm0, $0xb8;
	[tilespmem:$0x1D000] =	vst v63  }
0x767: {  	v59 =	vperm.xlane v17, v0;
	v18 =	vadd.s32 v3, v58;
	s3 =	simm.s32 $0x3A00  }
0x768: {  	[tilespmem:s3], [sflag:$0x1] =	stream.indirect_vreg.gather [hbm4b:s1+s5], $0x80, v19, vm0, $0xb8;
	[tilespmem:$0x1D000] =	vst v63  }
0x769: {  	v60 =	vperm.xlane v17, v9;
	v19 =	vadd.s32 v3, v59;
	s3 =	simm.s32 $0x3A80  }
0x76a: {  	[tilespmem:s3], [sflag:$0x1] =	stream.indirect_vreg.gather [hbm4b:s1+s5], $0x80, v57, vm0, $0xb8;
	[tilespmem:$0x1D000] =	vst v63  }
0x76b: {  	v62 =	vperm.xlane v17, v10;
	v61 =	vadd.s32 v3, v60;
	s3 =	simm.s32 $0x3B00  }
0x76c: {  	[tilespmem:s3], [sflag:$0x1] =	stream.indirect_vreg.gather [hbm4b:s1+s5], $0x80, v18, vm0, $0xb8;
	[tilespmem:$0x1D000] =	vst v63  }
0x76d: {  	v63 =	vperm.xlane v17, v11;
	v18 =	vadd.s32 v3, v62;
	s3 =	simm.s32 $0x3B80  }
0x76e: {  	[tilespmem:s3], [sflag:$0x1] =	stream.indirect_vreg.gather [hbm4b:s1+s5], $0x80, v19, vm0, $0xb8;
	[tilespmem:$0x1D000] =	vst v63  }
0x76f: {  	v24 =	vperm.xlane v17, v12;
	v19 =	vadd.s32 v3, v63;
	s3 =	simm.s32 $0x3C00  }
0x770: {  	[tilespmem:s3], [sflag:$0x1] =	stream.indirect_vreg.gather [hbm4b:s1+s5], $0x80, v61, vm0, $0xb8;
	[tilespmem:$0x1D000] =	vst v63  }
0x771: {  	v26 =	vperm.xlane v17, v13;
	v25 =	vadd.s32 v3, v24;
	s3 =	simm.s32 $0x3C80  }
0x772: {  	[tilespmem:s3], [sflag:$0x1] =	stream.indirect_vreg.gather [hbm4b:s1+s5], $0x80, v18, vm0, $0xb8;
	[tilespmem:$0x1D000] =	vst v63  }
0x773: {  	v27 =	vperm.xlane v17, v14;
	v18 =	vadd.s32 v3, v26;
	s3 =	simm.s32 $0x3D00  }
0x774: {  	[tilespmem:s3], [sflag:$0x1] =	stream.indirect_vreg.gather [hbm4b:s1+s5], $0x80, v19, vm0, $0xb8;
	[tilespmem:$0x1D000] =	vst v63  }
0x775: {  	v28 =	vperm.xlane v17, v15;
	v19 =	vadd.s32 v3, v27;
	s3 =	simm.s32 $0x3D80  }
0x776: {  	[tilespmem:s3], [sflag:$0x1] =	stream.indirect_vreg.gather [hbm4b:s1+s5], $0x80, v25, vm0, $0xb8;
	[tilespmem:$0x1D000] =	vst v63  }
0x777: {  	v17 =	vperm.xlane v17, v16;
	v29 =	vadd.s32 v3, v28;
	s3 =	simm.s32 $0x3E00  }
0x778: {  	[tilespmem:s3], [sflag:$0x1] =	stream.indirect_vreg.gather [hbm4b:s1+s5], $0x80, v18, vm0, $0xb8;
	[tilespmem:$0x1D000] =	vst v63  }
0x779: {  	v17 =	vadd.s32 v3, v17;
	s3 =	simm.s32 $0x3E80  }
0x77a: {  	[tilespmem:s3], [sflag:$0x1] =	stream.indirect_vreg.gather [hbm4b:s1+s5], $0x80, v19, vm0, $0xb8;
	[tilespmem:$0x1D000] =	vst v63  }
0x77b: {  	s3 =	simm.s32 $0x3F00  }
0x77c: {  	[tilespmem:s3], [sflag:$0x1] =	stream.indirect_vreg.gather [hbm4b:s1+s5], $0x80, v29, vm0, $0xb8;
	[tilespmem:$0x1D000] =	vst v63  }
0x77d: {  	s3 =	simm.s32 $0x3F80  }
0x77e: {  	[tilespmem:s3], [sflag:$0x1] =	stream.indirect_vreg.gather [hbm4b:s1+s5], $0x80, v17, vm0, $0xb8;
	[tilespmem:$0x1D000] =	vst v63  }
0x77f: {  	v17 =	vld [tilespmem:s0+$0x160];
	_ =	sdelay $0x4  }
0x780: {  	v18 =	vshll.u32 v17, $0x1  }
0x781: {  	v17 =	vand.u32 $0x7, v17;
	v18 =	vand.u32 $0xFFFFFFF0, v18  }
0x782: {  	v17 =	vor.u32 v17, v18  }
0x783: {  	v18 =	vperm.xlane v17, v2;
	_ =	sdelay $0x1  }
0x784: {  	v19 =	vperm.xlane v17, v1;
	v18 =	vadd.s32 v3, v18;
	_ =	sdelay $0x1  }
0x785: {  	v30 =	vperm.xlane v17, v4;
	v19 =	vadd.s32 v3, v19;
	_ =	sdelay $0x1  }
0x786: {  	s3 =	simm.s32 $0x4000;
	v31 =	vperm.xlane v17, v5;
	v20 =	vadd.s32 v3, v30  }
0x787: {  	[tilespmem:s3], [sflag:$0x1] =	stream.indirect_vreg.gather [hbm4b:s1+s5], $0x80, v18, vm0, $0xb8;
	[tilespmem:$0x1D000] =	vst v63  }
0x788: {  	v32 =	vperm.xlane v17, v6;
	v18 =	vadd.s32 v3, v31;
	s3 =	simm.s32 $0x4080  }
0x789: {  	[tilespmem:s3], [sflag:$0x1] =	stream.indirect_vreg.gather [hbm4b:s1+s5], $0x80, v19, vm0, $0xb8;
	[tilespmem:$0x1D000] =	vst v63  }
0x78a: {  	v33 =	vperm.xlane v17, v7;
	v19 =	vadd.s32 v3, v32;
	s3 =	simm.s32 $0x4100  }
0x78b: {  	[tilespmem:s3], [sflag:$0x1] =	stream.indirect_vreg.gather [hbm4b:s1+s5], $0x80, v20, vm0, $0xb8;
	[tilespmem:$0x1D000] =	vst v63  }
0x78c: {  	v35 =	vperm.xlane v17, v8;
	v34 =	vadd.s32 v3, v33;
	s3 =	simm.s32 $0x4180  }
0x78d: {  	[tilespmem:s3], [sflag:$0x1] =	stream.indirect_vreg.gather [hbm4b:s1+s5], $0x80, v18, vm0, $0xb8;
	[tilespmem:$0x1D000] =	vst v63  }
0x78e: {  	v36 =	vperm.xlane v17, v0;
	v18 =	vadd.s32 v3, v35;
	s3 =	simm.s32 $0x4200  }
0x78f: {  	[tilespmem:s3], [sflag:$0x1] =	stream.indirect_vreg.gather [hbm4b:s1+s5], $0x80, v19, vm0, $0xb8;
	[tilespmem:$0x1D000] =	vst v63  }
0x790: {  	v37 =	vperm.xlane v17, v9;
	v19 =	vadd.s32 v3, v36;
	s3 =	simm.s32 $0x4280  }
0x791: {  	[tilespmem:s3], [sflag:$0x1] =	stream.indirect_vreg.gather [hbm4b:s1+s5], $0x80, v34, vm0, $0xb8;
	[tilespmem:$0x1D000] =	vst v63  }
0x792: {  	v39 =	vperm.xlane v17, v10;
	v38 =	vadd.s32 v3, v37;
	s3 =	simm.s32 $0x4300  }
0x793: {  	[tilespmem:s3], [sflag:$0x1] =	stream.indirect_vreg.gather [hbm4b:s1+s5], $0x80, v18, vm0, $0xb8;
	[tilespmem:$0x1D000] =	vst v63  }
0x794: {  	v40 =	vperm.xlane v17, v11;
	v18 =	vadd.s32 v3, v39;
	s3 =	simm.s32 $0x4380  }
0x795: {  	[tilespmem:s3], [sflag:$0x1] =	stream.indirect_vreg.gather [hbm4b:s1+s5], $0x80, v19, vm0, $0xb8;
	[tilespmem:$0x1D000] =	vst v63  }
0x796: {  	v41 =	vperm.xlane v17, v12;
	v19 =	vadd.s32 v3, v40;
	s3 =	simm.s32 $0x4400  }
0x797: {  	[tilespmem:s3], [sflag:$0x1] =	stream.indirect_vreg.gather [hbm4b:s1+s5], $0x80, v38, vm0, $0xb8;
	[tilespmem:$0x1D000] =	vst v63  }
0x798: {  	v43 =	vperm.xlane v17, v13;
	v42 =	vadd.s32 v3, v41;
	s3 =	simm.s32 $0x4480  }
0x799: {  	[tilespmem:s3], [sflag:$0x1] =	stream.indirect_vreg.gather [hbm4b:s1+s5], $0x80, v18, vm0, $0xb8;
	[tilespmem:$0x1D000] =	vst v63  }
0x79a: {  	v44 =	vperm.xlane v17, v14;
	v18 =	vadd.s32 v3, v43;
	s3 =	simm.s32 $0x4500  }
0x79b: {  	[tilespmem:s3], [sflag:$0x1] =	stream.indirect_vreg.gather [hbm4b:s1+s5], $0x80, v19, vm0, $0xb8;
	[tilespmem:$0x1D000] =	vst v63  }
0x79c: {  	v45 =	vperm.xlane v17, v15;
	v19 =	vadd.s32 v3, v44;
	s3 =	simm.s32 $0x4580  }
0x79d: {  	[tilespmem:s3], [sflag:$0x1] =	stream.indirect_vreg.gather [hbm4b:s1+s5], $0x80, v42, vm0, $0xb8;
	[tilespmem:$0x1D000] =	vst v63  }
0x79e: {  	v17 =	vperm.xlane v17, v16;
	v46 =	vadd.s32 v3, v45;
	s3 =	simm.s32 $0x4600  }
0x79f: {  	[tilespmem:s3], [sflag:$0x1] =	stream.indirect_vreg.gather [hbm4b:s1+s5], $0x80, v18, vm0, $0xb8;
	[tilespmem:$0x1D000] =	vst v63  }
0x7a0: {  	v17 =	vadd.s32 v3, v17;
	s3 =	simm.s32 $0x4680  }
0x7a1: {  	[tilespmem:s3], [sflag:$0x1] =	stream.indirect_vreg.gather [hbm4b:s1+s5], $0x80, v19, vm0, $0xb8;
	[tilespmem:$0x1D000] =	vst v63  }
0x7a2: {  	s3 =	simm.s32 $0x4700  }
0x7a3: {  	[tilespmem:s3], [sflag:$0x1] =	stream.indirect_vreg.gather [hbm4b:s1+s5], $0x80, v46, vm0, $0xb8;
	[tilespmem:$0x1D000] =	vst v63  }
0x7a4: {  	s3 =	simm.s32 $0x4780  }
0x7a5: {  	[tilespmem:s3], [sflag:$0x1] =	stream.indirect_vreg.gather [hbm4b:s1+s5], $0x80, v17, vm0, $0xb8;
	[tilespmem:$0x1D000] =	vst v63  }
0x7a6: {  	v17 =	vld [tilespmem:s0+$0x170];
	_ =	sdelay $0x4  }
0x7a7: {  	v18 =	vshll.u32 v17, $0x1  }
0x7a8: {  	v17 =	vand.u32 $0x7, v17;
	v18 =	vand.u32 $0xFFFFFFF0, v18  }
0x7a9: {  	v17 =	vor.u32 v17, v18  }
0x7aa: {  	v18 =	vperm.xlane v17, v2;
	_ =	sdelay $0x1  }
0x7ab: {  	v19 =	vperm.xlane v17, v1;
	v18 =	vadd.s32 v3, v18;
	_ =	sdelay $0x1  }
0x7ac: {  	v47 =	vperm.xlane v17, v4;
	v19 =	vadd.s32 v3, v19;
	_ =	sdelay $0x1  }
0x7ad: {  	s3 =	simm.s32 $0x4800;
	v48 =	vperm.xlane v17, v5;
	v20 =	vadd.s32 v3, v47  }
0x7ae: {  	[tilespmem:s3], [sflag:$0x1] =	stream.indirect_vreg.gather [hbm4b:s1+s5], $0x80, v18, vm0, $0xb8;
	[tilespmem:$0x1D000] =	vst v63  }
0x7af: {  	v49 =	vperm.xlane v17, v6;
	v18 =	vadd.s32 v3, v48;
	s3 =	simm.s32 $0x4880  }
0x7b0: {  	[tilespmem:s3], [sflag:$0x1] =	stream.indirect_vreg.gather [hbm4b:s1+s5], $0x80, v19, vm0, $0xb8;
	[tilespmem:$0x1D000] =	vst v63  }
0x7b1: {  	v50 =	vperm.xlane v17, v7;
	v19 =	vadd.s32 v3, v49;
	s3 =	simm.s32 $0x4900  }
0x7b2: {  	[tilespmem:s3], [sflag:$0x1] =	stream.indirect_vreg.gather [hbm4b:s1+s5], $0x80, v20, vm0, $0xb8;
	[tilespmem:$0x1D000] =	vst v63  }
0x7b3: {  	v52 =	vperm.xlane v17, v8;
	v51 =	vadd.s32 v3, v50;
	s3 =	simm.s32 $0x4980  }
0x7b4: {  	[tilespmem:s3], [sflag:$0x1] =	stream.indirect_vreg.gather [hbm4b:s1+s5], $0x80, v18, vm0, $0xb8;
	[tilespmem:$0x1D000] =	vst v63  }
0x7b5: {  	v53 =	vperm.xlane v17, v0;
	v18 =	vadd.s32 v3, v52;
	s3 =	simm.s32 $0x4A00  }
0x7b6: {  	[tilespmem:s3], [sflag:$0x1] =	stream.indirect_vreg.gather [hbm4b:s1+s5], $0x80, v19, vm0, $0xb8;
	[tilespmem:$0x1D000] =	vst v63  }
0x7b7: {  	v54 =	vperm.xlane v17, v9;
	v19 =	vadd.s32 v3, v53;
	s3 =	simm.s32 $0x4A80  }
0x7b8: {  	[tilespmem:s3], [sflag:$0x1] =	stream.indirect_vreg.gather [hbm4b:s1+s5], $0x80, v51, vm0, $0xb8;
	[tilespmem:$0x1D000] =	vst v63  }
0x7b9: {  	v56 =	vperm.xlane v17, v10;
	v55 =	vadd.s32 v3, v54;
	s3 =	simm.s32 $0x4B00  }
0x7ba: {  	[tilespmem:s3], [sflag:$0x1] =	stream.indirect_vreg.gather [hbm4b:s1+s5], $0x80, v18, vm0, $0xb8;
	[tilespmem:$0x1D000] =	vst v63  }
0x7bb: {  	v57 =	vperm.xlane v17, v11;
	v18 =	vadd.s32 v3, v56;
	s3 =	simm.s32 $0x4B80  }
0x7bc: {  	[tilespmem:s3], [sflag:$0x1] =	stream.indirect_vreg.gather [hbm4b:s1+s5], $0x80, v19, vm0, $0xb8;
	[tilespmem:$0x1D000] =	vst v63  }
0x7bd: {  	v58 =	vperm.xlane v17, v12;
	v19 =	vadd.s32 v3, v57;
	s3 =	simm.s32 $0x4C00  }
0x7be: {  	[tilespmem:s3], [sflag:$0x1] =	stream.indirect_vreg.gather [hbm4b:s1+s5], $0x80, v55, vm0, $0xb8;
	[tilespmem:$0x1D000] =	vst v63  }
0x7bf: {  	v60 =	vperm.xlane v17, v13;
	v59 =	vadd.s32 v3, v58;
	s3 =	simm.s32 $0x4C80  }
0x7c0: {  	[tilespmem:s3], [sflag:$0x1] =	stream.indirect_vreg.gather [hbm4b:s1+s5], $0x80, v18, vm0, $0xb8;
	[tilespmem:$0x1D000] =	vst v63  }
0x7c1: {  	v61 =	vperm.xlane v17, v14;
	v18 =	vadd.s32 v3, v60;
	s3 =	simm.s32 $0x4D00  }
0x7c2: {  	[tilespmem:s3], [sflag:$0x1] =	stream.indirect_vreg.gather [hbm4b:s1+s5], $0x80, v19, vm0, $0xb8;
	[tilespmem:$0x1D000] =	vst v63  }
0x7c3: {  	v19 =	vadd.s32 v3, v61;
	s3 =	simm.s32 $0x4D80  }
0x7c4: {  	v62 =	vperm.xlane v17, v15;
	[tilespmem:s3], [sflag:$0x1] =	stream.indirect_vreg.gather [hbm4b:s1+s5], $0x80, v59, vm0, $0xb8;
	[tilespmem:$0x1D000] =	vst v63  }
0x7c5: {  	s3 =	simm.s32 $0x4E00  }
0x7c6: {  	v17 =	vperm.xlane v17, v16;
	v63 =	vadd.s32 v3, v62;
	[tilespmem:s3], [sflag:$0x1] =	stream.indirect_vreg.gather [hbm4b:s1+s5], $0x80, v18, vm0, $0xb8;
	[tilespmem:$0x1D000] =	vst v63  }
0x7c7: {  	s3 =	simm.s32 $0x4E80  }
0x7c8: {  	v17 =	vadd.s32 v3, v17;
	[tilespmem:s3], [sflag:$0x1] =	stream.indirect_vreg.gather [hbm4b:s1+s5], $0x80, v19, vm0, $0xb8;
	[tilespmem:$0x1D000] =	vst v63  }
.Ltmp13:
0x7c9: {  	_ = 	snop;
	(pc) =	sbr.rel .LBB2_5-.Ltmp13, $4  }
0x7ca: {  	s3 =	simm.s32 $0x4F00  }
0x7cb: {  	[tilespmem:s3], [sflag:$0x1] =	stream.indirect_vreg.gather [hbm4b:s1+s5], $0x80, v63, vm0, $0xb8;
	[tilespmem:$0x1D000] =	vst v63  }
0x7cc: {  	s3 =	simm.s32 $0x4F80  }
0x7cd: {  	[tilespmem:s3], [sflag:$0x1] =	stream.indirect_vreg.gather [hbm4b:s1+s5], $0x80, v17, vm0, $0xb8;
	[tilespmem:$0x1D000] =	vst v63  }
.LBB2_13:
0x7ce: {  	_ =	sfence.sel $0x180000  }
0x7cf: {  	[bflag:$0x0] =	sbarrier.arrive $0xFFFF  }
0x7d0: {  	_ =	strace $0x90000047  }
0x7d1: {  	s0 =	stileid.u32;
	[bflag:$0x2] =	sbarrier.arrive $0xFFFF  }
0x7d2: {  	p0 =	sne.s32 s0, $0x0;
	s0 =	rddreg [dreg:$0x4]  }
0x7d3: {  	s0 =	sadd.s32 @!p0 $0x100000, s0  }
0x7d4: {  	[sflag:s0] =	ssyncadd.tile.s32 @!p0 $0x1;
	_ =	shalt  }
.Lfunc_end2:
_tile_overlayer_lowered:
.L_overlay_start_2:
0x7d5: {  	(tag) =	ssettag $0x2  }
0x7d6: {  	s0 =	rddreg [dreg:$0x0];
	s2 =	stileid.u32  }
0x7d7: {  	s1 =	rddreg [dreg:$0x1];
	p0 =	sne.s32 s2, $0x0  }
0x7d8: {  	s3 =	rddreg [dreg:$0x2];
	[bflag:$0x3] =	sbarrier.arrive $0xFFFF;
	s2 =	simm.s32 @!p0 $0x1C03  }
0x7d9: {  	[timem:s3], [sflag:s2] =	dma.local @!p0 [hbm:s0], s1  }
0x7da: {  	s0 =	simm.s32 @!p0 $0x3  }
0x7db: {  	_ =	swait.ge @!p0 [sflag:s0], s1  }
0x7dc: {  	s1 =	ssub.s32 @!p0 $0x0, s1;
	[sflag:s0] =	ssyncset.done @!p0 $0x0  }
0x7dd: {  	[sflag:s0] =	ssyncadd.s32 @!p0 s1  }
0x7de: {  	[bflag:$0x3] =	sbarrier.arrive $0xFFFF  }
0x7df: {  	_ =	shalt  }

</sc_bundles>
